<compile_context>
chip_gen: v7x
topology: tpu7x:2x2x1
jax: 0.10.2.dev20260603
libtpu: 0.0.44.dev20260713+nightly
codegen_flags: <defaults>
</compile_context>

<pallas_src>
import functools

import jax
import jax.numpy as jnp
from jax import lax
from jax.experimental import pallas as pl
from jax.experimental.pallas import tpu as pltpu
from jax.experimental.pallas import tpu_sc as plsc

G, N, F, EMB, R, L, E = 128, 60, 128, 128, 4, 2, 1024
NP = 64
NW = 32
GPW = G // NW


def _sc_adj_body(ei_hbm, ew_hbm, out_hbm, ei_v, ew_v, a_v):
    wid = lax.axis_index("s") * 2 + lax.axis_index("c")
    zero16 = jnp.zeros((16,), jnp.float32)

    def graph_body(gi, carry):
        g = wid * GPW + gi
        pltpu.sync_copy(ei_hbm.at[g], ei_v)
        pltpu.sync_copy(ew_hbm.at[g], ew_v)

        def zero_body(i, c):
            for r in range(R):
                for q in range(NP // 16):
                    a_v[r, i, pl.ds(q * 16, 16)] = zero16
            return c

        lax.fori_loop(0, NP, zero_body, 0)

        def edge_body(i, c):
            for r in range(R):
                r16 = ei_v[r, 0, pl.ds(i * 16, 16)]
                c16 = ei_v[r, 1, pl.ds(i * 16, 16)]
                w16 = ew_v[r, pl.ds(i * 16, 16)]
                plsc.addupdate_scatter(
                    a_v, [jnp.full((16,), r, jnp.int32), c16, r16], w16)
            return c

        lax.fori_loop(0, E // 16, edge_body, 0)
        pltpu.sync_copy(a_v, out_hbm.at[g])
        return carry

    lax.fori_loop(0, GPW, graph_body, 0)


_sc_build_adj = functools.partial(
    pl.kernel,
    out_type=jax.ShapeDtypeStruct((G, R, NP, NP), jnp.float32),
    scratch_types=[
        pltpu.VMEM((R, 2, E), jnp.int32),
        pltpu.VMEM((R, E), jnp.float32),
        pltpu.VMEM((R, NP, NP), jnp.float32),
    ],
    mesh=plsc.VectorSubcoreMesh(core_axis_name="c", subcore_axis_name="s"),
    compiler_params=pltpu.CompilerParams(needs_layout_passes=False),
)(_sc_adj_body)


GB = 4


def _gcn_body(x_ref, adj_ref, gw_ref, gb_ref, w1_ref, b1_ref,
              w2_ref, b2_ref, out_ref):
    f32 = jnp.float32
    bf16 = jnp.bfloat16
    zpad = jnp.zeros((NP - N, F), f32)
    xp = jnp.concatenate(
        sum([[x_ref[i], zpad] for i in range(GB)], []), axis=0)

    eye = jnp.where(
        jax.lax.broadcasted_iota(jnp.int32, (NP, NP), 0)
        == jax.lax.broadcasted_iota(jnp.int32, (NP, NP), 1), 1.0, 0.0)

    adjs = {}
    dinvs = {}
    for i in range(GB):
        for j in range(R):
            adj = adj_ref[i, j]
            deg = jnp.sum(adj, axis=1, keepdims=True) + 1.0
            dinv = jnp.where(deg > 0,
                             jax.lax.rsqrt(jnp.where(deg > 0, deg, 1.0)), 0.0)
            adjs[i, j] = (adj + eye).astype(bf16)
            dinvs[i, j] = dinv

    cur = xp
    for l in range(L):
        wcat = jnp.concatenate([gw_ref[l, j] for j in range(R)], axis=1)
        h_all = jnp.dot(cur, wcat, preferred_element_type=f32)
        rows = []
        for i in range(GB):
            outs = []
            for j in range(R):
                hj = h_all[i * NP:(i + 1) * NP, j * EMB:(j + 1) * EMB]
                oj = dinvs[i, j] * jnp.dot(
                    adjs[i, j], (dinvs[i, j] * hj).astype(bf16),
                    preferred_element_type=f32)
                outs.append(oj + gb_ref[l, j:j + 1, :])
            rows.append(jnp.concatenate(outs, axis=1))
        acc = jnp.concatenate(rows, axis=0)
        t = jnp.maximum(jnp.dot(acc, w1_ref[...],
                                preferred_element_type=f32) + b1_ref[...], 0.0)
        cur = jnp.dot(t, w2_ref[...], preferred_element_type=f32) + b2_ref[...]

    for i in range(GB):
        out_ref[i] = cur[i * NP:i * NP + N, :]


def _fc_body(cur_ref, w1_ref, b1_ref, w2_ref, b2_ref, w3_ref, b3_ref,
             out_ref):
    f32 = jnp.float32
    h = b1_ref[...]
    for n in range(N):
        h = h + jnp.dot(cur_ref[:, n, :], w1_ref[n],
                        preferred_element_type=f32)
    h = jnp.maximum(h, 0.0)
    h = jnp.maximum(jnp.dot(h, w2_ref[...],
                            preferred_element_type=f32) + b2_ref[...], 0.0)
    out_ref[...] = jnp.dot(h, w3_ref[...],
                           preferred_element_type=f32) + b3_ref[...]


def kernel(x, edge_index, edge_weight, gcn_W, gcn_b, fci_W1, fci_b1, fci_W2,
           fci_b2, fc_W1, fc_b1, fc_W2, fc_b2, fc_W3, fc_b3):
    adj = _sc_build_adj(edge_index, edge_weight)
    b1 = fci_b1.reshape(1, EMB)
    b2 = fci_b2.reshape(1, EMB)

    cur = pl.pallas_call(
        _gcn_body,
        grid=(G // GB,),
        in_specs=[
            pl.BlockSpec((GB, N, F), lambda g: (g, 0, 0)),
            pl.BlockSpec((GB, R, NP, NP), lambda g: (g, 0, 0, 0)),
            pl.BlockSpec((L, R, F, EMB), lambda g: (0, 0, 0, 0)),
            pl.BlockSpec((L, R, EMB), lambda g: (0, 0, 0)),
            pl.BlockSpec((R * EMB, EMB), lambda g: (0, 0)),
            pl.BlockSpec((1, EMB), lambda g: (0, 0)),
            pl.BlockSpec((EMB, EMB), lambda g: (0, 0)),
            pl.BlockSpec((1, EMB), lambda g: (0, 0)),
        ],
        out_specs=pl.BlockSpec((GB, N, EMB), lambda g: (g, 0, 0)),
        out_shape=jax.ShapeDtypeStruct((G, N, EMB), jnp.float32),
    )(x, adj, gcn_W, gcn_b, fci_W1, b1, fci_W2, b2)

    w1r = fc_W1.reshape(N, EMB, EMB)
    out = pl.pallas_call(
        _fc_body,
        in_specs=[
            pl.BlockSpec((G, N, EMB), lambda: (0, 0, 0)),
            pl.BlockSpec((N, EMB, EMB), lambda: (0, 0, 0)),
            pl.BlockSpec((1, EMB), lambda: (0, 0)),
            pl.BlockSpec((EMB, EMB), lambda: (0, 0)),
            pl.BlockSpec((1, EMB), lambda: (0, 0)),
            pl.BlockSpec((EMB, 2), lambda: (0, 0)),
            pl.BlockSpec((1, 2), lambda: (0, 0)),
        ],
        out_specs=pl.BlockSpec((G, 2), lambda: (0, 0)),
        out_shape=jax.ShapeDtypeStruct((G, 2), jnp.float32),
    )(cur, w1r, fc_b1.reshape(1, EMB), fc_W2, fc_b2.reshape(1, EMB),
      fc_W3, fc_b3.reshape(1, 2))
    return out

# --- scband reference (transcript-rebuilt; emitter-appended) ---
"""Pipeline reference for scband-gcnbase-net-9569187136119 (READ-ONLY COPY).

The authoritative reference and input builder live on the scoring server;
editing this copy changes nothing except your own understanding.
"""

import jax, jax.numpy as jnp
import numpy as np

G, N, F, EMB, R, L, E = 128, 60, 128, 128, 4, 2, 1024


def setup_inputs(seed: int = 0) -> dict:
    key = jax.random.key(seed)
    ks = jax.random.split(key, 12)
    inp = {}
    inp['x'] = jax.random.normal(ks[0], (G, N, F), dtype=jnp.float32)
    inp['edge_index'] = jax.random.randint(ks[1], (G, R, 2, E), 0, N)
    inp['edge_weight'] = jax.random.uniform(ks[2], (G, R, E), dtype=jnp.float32)
    inp['gcn_W'] = jax.random.normal(ks[3], (L, R, F, EMB), dtype=jnp.float32) * 0.05
    inp['gcn_b'] = jnp.zeros((L, R, EMB), dtype=jnp.float32)
    inp['fci_W1'] = jax.random.normal(ks[4], (EMB * R, EMB), dtype=jnp.float32) * 0.05
    inp['fci_b1'] = jnp.zeros((EMB,), dtype=jnp.float32)
    inp['fci_W2'] = jax.random.normal(ks[5], (EMB, EMB), dtype=jnp.float32) * 0.05
    inp['fci_b2'] = jnp.zeros((EMB,), dtype=jnp.float32)
    inp['fc_W1'] = jax.random.normal(ks[6], (N * EMB, EMB), dtype=jnp.float32) * 0.05
    inp['fc_b1'] = jnp.zeros((EMB,), dtype=jnp.float32)
    inp['fc_W2'] = jax.random.normal(ks[7], (EMB, EMB), dtype=jnp.float32) * 0.05
    inp['fc_b2'] = jnp.zeros((EMB,), dtype=jnp.float32)
    inp['fc_W3'] = jax.random.normal(ks[8], (EMB, 2), dtype=jnp.float32) * 0.05
    inp['fc_b3'] = jnp.zeros((2,), dtype=jnp.float32)
    return inp


def _gcn_conv(x, edge_index, edge_weight, W, b):
    # Faithful PyG GCNConv with edge_weight: lin -> add self loops -> sym norm -> scatter-add at target
    n = x.shape[0]
    h = x @ W
    row = jnp.concatenate([edge_index[0], jnp.arange(n)])
    col = jnp.concatenate([edge_index[1], jnp.arange(n)])
    ew = jnp.concatenate([edge_weight, jnp.ones((n,), dtype=edge_weight.dtype)])
    deg = jnp.zeros((n,), dtype=ew.dtype).at[col].add(ew)
    dinv = jnp.where(deg > 0, 1.0 / jnp.sqrt(jnp.where(deg > 0, deg, 1.0)), 0.0)
    norm = dinv[row] * ew * dinv[col]
    out = jnp.zeros_like(h).at[col].add(norm[:, None] * h[row])
    return out + b


def reference(x, edge_index, edge_weight, gcn_W, gcn_b, fci_W1, fci_b1, fci_W2, fci_b2, fc_W1, fc_b1, fc_W2, fc_b2, fc_W3, fc_b3):
    num_graphs = x.shape[0]
    num_layers = gcn_W.shape[0]
    num_rel = edge_index.shape[1]
    cur = x
    for l in range(num_layers):
        accs = []
        for j in range(num_rel):
            Wlj = gcn_W[l, j]
            blj = gcn_b[l, j]
            conv = jax.vmap(lambda xg, ei, ew: _gcn_conv(xg, ei, ew, Wlj, blj))(cur, edge_index[:, j], edge_weight[:, j])
            accs.append(conv)
        acc = jnp.concatenate(accs, axis=-1)  # [G, N, EMB*R]
        h = jnp.maximum(acc @ fci_W1 + fci_b1, 0.0)
        cur = h @ fci_W2 + fci_b2
    flat = cur.reshape(num_graphs, -1)  # [G, 60*EMB]
    h = jnp.maximum(flat @ fc_W1 + fc_b1, 0.0)
    h = jnp.maximum(h @ fc_W2 + fc_b2, 0.0)
    return h @ fc_W3 + fc_b3

if __name__ == "__main__":
    import jax
    _d = setup_inputs()
    print(jax.jit(kernel)(*tuple(_d.values())))

</pallas_src>

<mosaic_0001>
#map = affine_map<(d0, d1) -> (0, 0, 0, 0)>
#map1 = affine_map<(d0, d1) -> (0, 0, 0)>
module attributes {stable_mosaic.version = 14 : i64} {
  func.func @_sc_adj_body(%arg0: i32, %arg1: i32, %arg2: memref<128x4x2x1024xi32, #tpu.memory_space<hbm>>, %arg3: memref<128x4x1024xf32, #tpu.memory_space<hbm>>, %arg4: memref<128x4x64x64xf32, #tpu.memory_space<hbm>>, %arg5: memref<4x2x1024xi32, #tpu.memory_space<vmem>>, %arg6: memref<4x1024xf32, #tpu.memory_space<vmem>>, %arg7: memref<4x64x64xf32, #tpu.memory_space<vmem>>) attributes {dimension_semantics = [#tpu.dimension_semantics<core_parallel>, #tpu.dimension_semantics<subcore_parallel>], iteration_bounds = array<i64: 2, 16>, scalar_prefetch = 0 : i64, scratch_operands = 3 : i64, tpu.core_type = #tpu.core_type<sc_vector_subcore>, window_params = [{transform_indices = #map}, {transform_indices = #map1}, {transform_indices = #map}]} {
    %mul3A = arith.constant 2 : i32
    %mul3A_0 = arith.muli %arg1, %mul3A : i32
    %add3A = arith.addi %mul3A_0, %arg0 : i32
    %broadcast_in_dim3A = arith.constant 0.000000e+00 : f32
    %broadcast_in_dim3A_1 = vector.broadcast %broadcast_in_dim3A : f32 to vector<16xf32>
    %scan3A = arith.constant 0 : i32
    %scan3A_2 = arith.constant 0 : i32
    %scan3A_3 = arith.constant 4 : i32
    %scan3A_4 = arith.addi %scan3A_2, %scan3A_3 : i32
    %scan3A_5 = arith.constant 1 : i32
    scf.for %scan3A_7 = %scan3A_2 to %scan3A_4 step %scan3A_5  : i32 {
      %mul3A_8 = arith.constant 4 : i32
      %mul3A_9 = arith.muli %add3A, %mul3A_8 : i32
      %add3A_10 = arith.addi %mul3A_9, %scan3A_7 : i32
      "tpu.region"() ({
        %run_scoped3A = tpu.sem_alloc : memref<!tpu.dma_semaphore, #tpu.memory_space<semaphore_mem>>
        %dma_start3A = arith.constant 0 : i32
        %dma_start3A_23 = arith.constant 0 : i32
        %dma_start3A_24 = arith.constant 0 : i32
        %dma_start3A_25 = tpu.memref_slice %arg2[%add3A_10, %dma_start3A, %dma_start3A_23, %dma_start3A_24] : memref<128x4x2x1024xi32, #tpu.memory_space<hbm>> -> memref<1x4x2x1024xi32, #tpu.memory_space<hbm>>
        %dma_start3A_26 = tpu.memref_squeeze %dma_start3A_25 : memref<1x4x2x1024xi32, #tpu.memory_space<hbm>> -> memref<4x2x1024xi32, #tpu.memory_space<hbm>>
        %dma_start3A_27 = arith.constant 0 : i32
        %dma_start3A_28 = arith.constant 0 : i32
        %dma_start3A_29 = arith.constant 0 : i32
        %dma_start3A_30 = tpu.memref_slice %arg2[%add3A_10, %dma_start3A_27, %dma_start3A_28, %dma_start3A_29] : memref<128x4x2x1024xi32, #tpu.memory_space<hbm>> -> memref<1x4x2x1024xi32, #tpu.memory_space<hbm>>
        %dma_start3A_31 = tpu.memref_squeeze %dma_start3A_30 : memref<1x4x2x1024xi32, #tpu.memory_space<hbm>> -> memref<4x2x1024xi32, #tpu.memory_space<hbm>>
        tpu.enqueue_dma source(%dma_start3A_31 : memref<4x2x1024xi32, #tpu.memory_space<hbm>>) target(%arg5 : memref<4x2x1024xi32, #tpu.memory_space<vmem>>) target_semaphore(%run_scoped3A : memref<!tpu.dma_semaphore, #tpu.memory_space<semaphore_mem>>)
        %dma_wait3A = arith.constant 0 : i32
        %dma_wait3A_32 = arith.constant 0 : i32
        %dma_wait3A_33 = arith.constant 0 : i32
        %dma_wait3A_34 = tpu.memref_slice %arg2[%add3A_10, %dma_wait3A, %dma_wait3A_32, %dma_wait3A_33] : memref<128x4x2x1024xi32, #tpu.memory_space<hbm>> -> memref<1x4x2x1024xi32, #tpu.memory_space<hbm>>
        %dma_wait3A_35 = tpu.memref_squeeze %dma_wait3A_34 : memref<1x4x2x1024xi32, #tpu.memory_space<hbm>> -> memref<4x2x1024xi32, #tpu.memory_space<hbm>>
        %dma_wait3A_36 = arith.constant 0 : i32
        %dma_wait3A_37 = arith.constant 0 : i32
        %dma_wait3A_38 = arith.constant 0 : i32
        %dma_wait3A_39 = tpu.memref_slice %arg2[%add3A_10, %dma_wait3A_36, %dma_wait3A_37, %dma_wait3A_38] : memref<128x4x2x1024xi32, #tpu.memory_space<hbm>> -> memref<1x4x2x1024xi32, #tpu.memory_space<hbm>>
        %dma_wait3A_40 = tpu.memref_squeeze %dma_wait3A_39 : memref<1x4x2x1024xi32, #tpu.memory_space<hbm>> -> memref<4x2x1024xi32, #tpu.memory_space<hbm>>
        tpu.wait_dma2 semaphore(%run_scoped3A : memref<!tpu.dma_semaphore, #tpu.memory_space<semaphore_mem>>) src(%dma_wait3A_40 : memref<4x2x1024xi32, #tpu.memory_space<hbm>>) dst(%arg5 : memref<4x2x1024xi32, #tpu.memory_space<vmem>>)
        tpu.yield
      }) : () -> ()
      "tpu.region"() ({
        %run_scoped3A = tpu.sem_alloc : memref<!tpu.dma_semaphore, #tpu.memory_space<semaphore_mem>>
        %dma_start3A = arith.constant 0 : i32
        %dma_start3A_23 = arith.constant 0 : i32
        %dma_start3A_24 = tpu.memref_slice %arg3[%add3A_10, %dma_start3A, %dma_start3A_23] : memref<128x4x1024xf32, #tpu.memory_space<hbm>> -> memref<1x4x1024xf32, #tpu.memory_space<hbm>>
        %dma_start3A_25 = tpu.memref_squeeze %dma_start3A_24 : memref<1x4x1024xf32, #tpu.memory_space<hbm>> -> memref<4x1024xf32, #tpu.memory_space<hbm>>
        %dma_start3A_26 = arith.constant 0 : i32
        %dma_start3A_27 = arith.constant 0 : i32
        %dma_start3A_28 = tpu.memref_slice %arg3[%add3A_10, %dma_start3A_26, %dma_start3A_27] : memref<128x4x1024xf32, #tpu.memory_space<hbm>> -> memref<1x4x1024xf32, #tpu.memory_space<hbm>>
        %dma_start3A_29 = tpu.memref_squeeze %dma_start3A_28 : memref<1x4x1024xf32, #tpu.memory_space<hbm>> -> memref<4x1024xf32, #tpu.memory_space<hbm>>
        tpu.enqueue_dma source(%dma_start3A_29 : memref<4x1024xf32, #tpu.memory_space<hbm>>) target(%arg6 : memref<4x1024xf32, #tpu.memory_space<vmem>>) target_semaphore(%run_scoped3A : memref<!tpu.dma_semaphore, #tpu.memory_space<semaphore_mem>>)
        %dma_wait3A = arith.constant 0 : i32
        %dma_wait3A_30 = arith.constant 0 : i32
        %dma_wait3A_31 = tpu.memref_slice %arg3[%add3A_10, %dma_wait3A, %dma_wait3A_30] : memref<128x4x1024xf32, #tpu.memory_space<hbm>> -> memref<1x4x1024xf32, #tpu.memory_space<hbm>>
        %dma_wait3A_32 = tpu.memref_squeeze %dma_wait3A_31 : memref<1x4x1024xf32, #tpu.memory_space<hbm>> -> memref<4x1024xf32, #tpu.memory_space<hbm>>
        %dma_wait3A_33 = arith.constant 0 : i32
        %dma_wait3A_34 = arith.constant 0 : i32
        %dma_wait3A_35 = tpu.memref_slice %arg3[%add3A_10, %dma_wait3A_33, %dma_wait3A_34] : memref<128x4x1024xf32, #tpu.memory_space<hbm>> -> memref<1x4x1024xf32, #tpu.memory_space<hbm>>
        %dma_wait3A_36 = tpu.memref_squeeze %dma_wait3A_35 : memref<1x4x1024xf32, #tpu.memory_space<hbm>> -> memref<4x1024xf32, #tpu.memory_space<hbm>>
        tpu.wait_dma2 semaphore(%run_scoped3A : memref<!tpu.dma_semaphore, #tpu.memory_space<semaphore_mem>>) src(%dma_wait3A_36 : memref<4x1024xf32, #tpu.memory_space<hbm>>) dst(%arg6 : memref<4x1024xf32, #tpu.memory_space<vmem>>)
        tpu.yield
      }) : () -> ()
      %scan3A_11 = arith.constant 0 : i32
      %scan3A_12 = arith.constant 0 : i32
      %scan3A_13 = arith.constant 64 : i32
      %scan3A_14 = arith.addi %scan3A_12, %scan3A_13 : i32
      %scan3A_15 = arith.constant 1 : i32
      scf.for %scan3A_23 = %scan3A_12 to %scan3A_14 step %scan3A_15  : i32 {
        %swap3A = arith.constant 0 : i32
        %swap3A_24 = arith.index_cast %swap3A : i32 to index
        %swap3A_25 = arith.index_cast %scan3A_23 : i32 to index
        %swap3A_26 = arith.constant 0 : index
        %swap3A_27 = tpu.vector_load %arg7[%swap3A_24, %swap3A_25, %swap3A_26] {strides = array<i32>} : memref<4x64x64xf32, #tpu.memory_space<vmem>>, vector<16xf32>,
        tpu.vector_store %arg7[%swap3A_24, %swap3A_25, %swap3A_26], %broadcast_in_dim3A_1 {strides = array<i32>} : memref<4x64x64xf32, #tpu.memory_space<vmem>>, vector<16xf32>,
        %swap3A_28 = arith.constant 0 : i32
        %swap3A_29 = arith.index_cast %swap3A_28 : i32 to index
        %swap3A_30 = arith.index_cast %scan3A_23 : i32 to index
        %swap3A_31 = arith.constant 16 : index
        %swap3A_32 = tpu.vector_load %arg7[%swap3A_29, %swap3A_30, %swap3A_31] {strides = array<i32>} : memref<4x64x64xf32, #tpu.memory_space<vmem>>, vector<16xf32>,
        tpu.vector_store %arg7[%swap3A_29, %swap3A_30, %swap3A_31], %broadcast_in_dim3A_1 {strides = array<i32>} : memref<4x64x64xf32, #tpu.memory_space<vmem>>, vector<16xf32>,
        %swap3A_33 = arith.constant 0 : i32
        %swap3A_34 = arith.index_cast %swap3A_33 : i32 to index
        %swap3A_35 = arith.index_cast %scan3A_23 : i32 to index
        %swap3A_36 = arith.constant 32 : index
        %swap3A_37 = tpu.vector_load %arg7[%swap3A_34, %swap3A_35, %swap3A_36] {strides = array<i32>} : memref<4x64x64xf32, #tpu.memory_space<vmem>>, vector<16xf32>,
        tpu.vector_store %arg7[%swap3A_34, %swap3A_35, %swap3A_36], %broadcast_in_dim3A_1 {strides = array<i32>} : memref<4x64x64xf32, #tpu.memory_space<vmem>>, vector<16xf32>,
        %swap3A_38 = arith.constant 0 : i32
        %swap3A_39 = arith.index_cast %swap3A_38 : i32 to index
        %swap3A_40 = arith.index_cast %scan3A_23 : i32 to index
        %swap3A_41 = arith.constant 48 : index
        %swap3A_42 = tpu.vector_load %arg7[%swap3A_39, %swap3A_40, %swap3A_41] {strides = array<i32>} : memref<4x64x64xf32, #tpu.memory_space<vmem>>, vector<16xf32>,
        tpu.vector_store %arg7[%swap3A_39, %swap3A_40, %swap3A_41], %broadcast_in_dim3A_1 {strides = array<i32>} : memref<4x64x64xf32, #tpu.memory_space<vmem>>, vector<16xf32>,
        %swap3A_43 = arith.constant 1 : i32
        %swap3A_44 = arith.index_cast %swap3A_43 : i32 to index
        %swap3A_45 = arith.index_cast %scan3A_23 : i32 to index
        %swap3A_46 = arith.constant 0 : index
        %swap3A_47 = tpu.vector_load %arg7[%swap3A_44, %swap3A_45, %swap3A_46] {strides = array<i32>} : memref<4x64x64xf32, #tpu.memory_space<vmem>>, vector<16xf32>,
        tpu.vector_store %arg7[%swap3A_44, %swap3A_45, %swap3A_46], %broadcast_in_dim3A_1 {strides = array<i32>} : memref<4x64x64xf32, #tpu.memory_space<vmem>>, vector<16xf32>,
        %swap3A_48 = arith.constant 1 : i32
        %swap3A_49 = arith.index_cast %swap3A_48 : i32 to index
        %swap3A_50 = arith.index_cast %scan3A_23 : i32 to index
        %swap3A_51 = arith.constant 16 : index
        %swap3A_52 = tpu.vector_load %arg7[%swap3A_49, %swap3A_50, %swap3A_51] {strides = array<i32>} : memref<4x64x64xf32, #tpu.memory_space<vmem>>, vector<16xf32>,
        tpu.vector_store %arg7[%swap3A_49, %swap3A_50, %swap3A_51], %broadcast_in_dim3A_1 {strides = array<i32>} : memref<4x64x64xf32, #tpu.memory_space<vmem>>, vector<16xf32>,
        %swap3A_53 = arith.constant 1 : i32
        %swap3A_54 = arith.index_cast %swap3A_53 : i32 to index
        %swap3A_55 = arith.index_cast %scan3A_23 : i32 to index
        %swap3A_56 = arith.constant 32 : index
        %swap3A_57 = tpu.vector_load %arg7[%swap3A_54, %swap3A_55, %swap3A_56] {strides = array<i32>} : memref<4x64x64xf32, #tpu.memory_space<vmem>>, vector<16xf32>,
        tpu.vector_store %arg7[%swap3A_54, %swap3A_55, %swap3A_56], %broadcast_in_dim3A_1 {strides = array<i32>} : memref<4x64x64xf32, #tpu.memory_space<vmem>>, vector<16xf32>,
        %swap3A_58 = arith.constant 1 : i32
        %swap3A_59 = arith.index_cast %swap3A_58 : i32 to index
        %swap3A_60 = arith.index_cast %scan3A_23 : i32 to index
        %swap3A_61 = arith.constant 48 : index
        %swap3A_62 = tpu.vector_load %arg7[%swap3A_59, %swap3A_60, %swap3A_61] {strides = array<i32>} : memref<4x64x64xf32, #tpu.memory_space<vmem>>, vector<16xf32>,
        tpu.vector_store %arg7[%swap3A_59, %swap3A_60, %swap3A_61], %broadcast_in_dim3A_1 {strides = array<i32>} : memref<4x64x64xf32, #tpu.memory_space<vmem>>, vector<16xf32>,
        %swap3A_63 = arith.constant 2 : i32
        %swap3A_64 = arith.index_cast %swap3A_63 : i32 to index
        %swap3A_65 = arith.index_cast %scan3A_23 : i32 to index
        %swap3A_66 = arith.constant 0 : index
        %swap3A_67 = tpu.vector_load %arg7[%swap3A_64, %swap3A_65, %swap3A_66] {strides = array<i32>} : memref<4x64x64xf32, #tpu.memory_space<vmem>>, vector<16xf32>,
        tpu.vector_store %arg7[%swap3A_64, %swap3A_65, %swap3A_66], %broadcast_in_dim3A_1 {strides = array<i32>} : memref<4x64x64xf32, #tpu.memory_space<vmem>>, vector<16xf32>,
        %swap3A_68 = arith.constant 2 : i32
        %swap3A_69 = arith.index_cast %swap3A_68 : i32 to index
        %swap3A_70 = arith.index_cast %scan3A_23 : i32 to index
        %swap3A_71 = arith.constant 16 : index
        %swap3A_72 = tpu.vector_load %arg7[%swap3A_69, %swap3A_70, %swap3A_71] {strides = array<i32>} : memref<4x64x64xf32, #tpu.memory_space<vmem>>, vector<16xf32>,
        tpu.vector_store %arg7[%swap3A_69, %swap3A_70, %swap3A_71], %broadcast_in_dim3A_1 {strides = array<i32>} : memref<4x64x64xf32, #tpu.memory_space<vmem>>, vector<16xf32>,
        %swap3A_73 = arith.constant 2 : i32
        %swap3A_74 = arith.index_cast %swap3A_73 : i32 to index
        %swap3A_75 = arith.index_cast %scan3A_23 : i32 to index
        %swap3A_76 = arith.constant 32 : index
        %swap3A_77 = tpu.vector_load %arg7[%swap3A_74, %swap3A_75, %swap3A_76] {strides = array<i32>} : memref<4x64x64xf32, #tpu.memory_space<vmem>>, vector<16xf32>,
        tpu.vector_store %arg7[%swap3A_74, %swap3A_75, %swap3A_76], %broadcast_in_dim3A_1 {strides = array<i32>} : memref<4x64x64xf32, #tpu.memory_space<vmem>>, vector<16xf32>,
        %swap3A_78 = arith.constant 2 : i32
        %swap3A_79 = arith.index_cast %swap3A_78 : i32 to index
        %swap3A_80 = arith.index_cast %scan3A_23 : i32 to index
        %swap3A_81 = arith.constant 48 : index
        %swap3A_82 = tpu.vector_load %arg7[%swap3A_79, %swap3A_80, %swap3A_81] {strides = array<i32>} : memref<4x64x64xf32, #tpu.memory_space<vmem>>, vector<16xf32>,
        tpu.vector_store %arg7[%swap3A_79, %swap3A_80, %swap3A_81], %broadcast_in_dim3A_1 {strides = array<i32>} : memref<4x64x64xf32, #tpu.memory_space<vmem>>, vector<16xf32>,
        %swap3A_83 = arith.constant 3 : i32
        %swap3A_84 = arith.index_cast %swap3A_83 : i32 to index
        %swap3A_85 = arith.index_cast %scan3A_23 : i32 to index
        %swap3A_86 = arith.constant 0 : index
        %swap3A_87 = tpu.vector_load %arg7[%swap3A_84, %swap3A_85, %swap3A_86] {strides = array<i32>} : memref<4x64x64xf32, #tpu.memory_space<vmem>>, vector<16xf32>,
        tpu.vector_store %arg7[%swap3A_84, %swap3A_85, %swap3A_86], %broadcast_in_dim3A_1 {strides = array<i32>} : memref<4x64x64xf32, #tpu.memory_space<vmem>>, vector<16xf32>,
        %swap3A_88 = arith.constant 3 : i32
        %swap3A_89 = arith.index_cast %swap3A_88 : i32 to index
        %swap3A_90 = arith.index_cast %scan3A_23 : i32 to index
        %swap3A_91 = arith.constant 16 : index
        %swap3A_92 = tpu.vector_load %arg7[%swap3A_89, %swap3A_90, %swap3A_91] {strides = array<i32>} : memref<4x64x64xf32, #tpu.memory_space<vmem>>, vector<16xf32>,
        tpu.vector_store %arg7[%swap3A_89, %swap3A_90, %swap3A_91], %broadcast_in_dim3A_1 {strides = array<i32>} : memref<4x64x64xf32, #tpu.memory_space<vmem>>, vector<16xf32>,
        %swap3A_93 = arith.constant 3 : i32
        %swap3A_94 = arith.index_cast %swap3A_93 : i32 to index
        %swap3A_95 = arith.index_cast %scan3A_23 : i32 to index
        %swap3A_96 = arith.constant 32 : index
        %swap3A_97 = tpu.vector_load %arg7[%swap3A_94, %swap3A_95, %swap3A_96] {strides = array<i32>} : memref<4x64x64xf32, #tpu.memory_space<vmem>>, vector<16xf32>,
        tpu.vector_store %arg7[%swap3A_94, %swap3A_95, %swap3A_96], %broadcast_in_dim3A_1 {strides = array<i32>} : memref<4x64x64xf32, #tpu.memory_space<vmem>>, vector<16xf32>,
        %swap3A_98 = arith.constant 3 : i32
        %swap3A_99 = arith.index_cast %swap3A_98 : i32 to index
        %swap3A_100 = arith.index_cast %scan3A_23 : i32 to index
        %swap3A_101 = arith.constant 48 : index
        %swap3A_102 = tpu.vector_load %arg7[%swap3A_99, %swap3A_100, %swap3A_101] {strides = array<i32>} : memref<4x64x64xf32, #tpu.memory_space<vmem>>, vector<16xf32>,
        tpu.vector_store %arg7[%swap3A_99, %swap3A_100, %swap3A_101], %broadcast_in_dim3A_1 {strides = array<i32>} : memref<4x64x64xf32, #tpu.memory_space<vmem>>, vector<16xf32>,
      }
      %scan3A_16 = arith.constant 64 : i32
      %scan3A_17 = arith.constant 0 : i32
      %scan3A_18 = arith.constant 0 : i32
      %scan3A_19 = arith.constant 64 : i32
      %scan3A_20 = arith.addi %scan3A_18, %scan3A_19 : i32
      %scan3A_21 = arith.constant 1 : i32
      scf.for %scan3A_23 = %scan3A_18 to %scan3A_20 step %scan3A_21  : i32 {
        %mul3A_24 = arith.constant 16 : i32
        %mul3A_25 = arith.muli %scan3A_23, %mul3A_24 : i32
        %get3A = arith.constant 0 : i32
        %get3A_26 = arith.constant 0 : i32
        %get3A_27 = arith.index_cast %get3A : i32 to index
        %get3A_28 = arith.index_cast %get3A_26 : i32 to index
        %get3A_29 = arith.index_cast %mul3A_25 : i32 to index
        %get3A_30 = tpu.vector_load %arg5[%get3A_27, %get3A_28, %get3A_29] {strides = array<i32>} : memref<4x2x1024xi32, #tpu.memory_space<vmem>>, vector<16xi32>,
        %mul3A_31 = arith.constant 16 : i32
        %mul3A_32 = arith.muli %scan3A_23, %mul3A_31 : i32
        %get3A_33 = arith.constant 0 : i32
        %get3A_34 = arith.constant 1 : i32
        %get3A_35 = arith.index_cast %get3A_33 : i32 to index
        %get3A_36 = arith.index_cast %get3A_34 : i32 to index
        %get3A_37 = arith.index_cast %mul3A_32 : i32 to index
        %get3A_38 = tpu.vector_load %arg5[%get3A_35, %get3A_36, %get3A_37] {strides = array<i32>} : memref<4x2x1024xi32, #tpu.memory_space<vmem>>, vector<16xi32>,
        %mul3A_39 = arith.constant 16 : i32
        %mul3A_40 = arith.muli %scan3A_23, %mul3A_39 : i32
        %get3A_41 = arith.constant 0 : i32
        %get3A_42 = arith.index_cast %get3A_41 : i32 to index
        %get3A_43 = arith.index_cast %mul3A_40 : i32 to index
        %get3A_44 = tpu.vector_load %arg6[%get3A_42, %get3A_43] {strides = array<i32>} : memref<4x1024xf32, #tpu.memory_space<vmem>>, vector<16xf32>,
        %broadcast_in_dim3A_45 = arith.constant 0 : i32
        %broadcast_in_dim3A_46 = vector.broadcast %broadcast_in_dim3A_45 : i32 to vector<16xi32>
        tpu.vector_store_idx %arg7[%broadcast_in_dim3A_46, %get3A_38, %get3A_30], %get3A_44 {add = true} : memref<4x64x64xf32, #tpu.memory_space<vmem>>[vector<16xi32>, vector<16xi32>, vector<16xi32>], vector<16xf32>,
        %mul3A_47 = arith.constant 16 : i32
        %mul3A_48 = arith.muli %scan3A_23, %mul3A_47 : i32
        %get3A_49 = arith.constant 1 : i32
        %get3A_50 = arith.constant 0 : i32
        %get3A_51 = arith.index_cast %get3A_49 : i32 to index
        %get3A_52 = arith.index_cast %get3A_50 : i32 to index
        %get3A_53 = arith.index_cast %mul3A_48 : i32 to index
        %get3A_54 = tpu.vector_load %arg5[%get3A_51, %get3A_52, %get3A_53] {strides = array<i32>} : memref<4x2x1024xi32, #tpu.memory_space<vmem>>, vector<16xi32>,
        %mul3A_55 = arith.constant 16 : i32
        %mul3A_56 = arith.muli %scan3A_23, %mul3A_55 : i32
        %get3A_57 = arith.constant 1 : i32
        %get3A_58 = arith.constant 1 : i32
        %get3A_59 = arith.index_cast %get3A_57 : i32 to index
        %get3A_60 = arith.index_cast %get3A_58 : i32 to index
        %get3A_61 = arith.index_cast %mul3A_56 : i32 to index
        %get3A_62 = tpu.vector_load %arg5[%get3A_59, %get3A_60, %get3A_61] {strides = array<i32>} : memref<4x2x1024xi32, #tpu.memory_space<vmem>>, vector<16xi32>,
        %mul3A_63 = arith.constant 16 : i32
        %mul3A_64 = arith.muli %scan3A_23, %mul3A_63 : i32
        %get3A_65 = arith.constant 1 : i32
        %get3A_66 = arith.index_cast %get3A_65 : i32 to index
        %get3A_67 = arith.index_cast %mul3A_64 : i32 to index
        %get3A_68 = tpu.vector_load %arg6[%get3A_66, %get3A_67] {strides = array<i32>} : memref<4x1024xf32, #tpu.memory_space<vmem>>, vector<16xf32>,
        %broadcast_in_dim3A_69 = arith.constant 1 : i32
        %broadcast_in_dim3A_70 = vector.broadcast %broadcast_in_dim3A_69 : i32 to vector<16xi32>
        tpu.vector_store_idx %arg7[%broadcast_in_dim3A_70, %get3A_62, %get3A_54], %get3A_68 {add = true} : memref<4x64x64xf32, #tpu.memory_space<vmem>>[vector<16xi32>, vector<16xi32>, vector<16xi32>], vector<16xf32>,
        %mul3A_71 = arith.constant 16 : i32
        %mul3A_72 = arith.muli %scan3A_23, %mul3A_71 : i32
        %get3A_73 = arith.constant 2 : i32
        %get3A_74 = arith.constant 0 : i32
        %get3A_75 = arith.index_cast %get3A_73 : i32 to index
        %get3A_76 = arith.index_cast %get3A_74 : i32 to index
        %get3A_77 = arith.index_cast %mul3A_72 : i32 to index
        %get3A_78 = tpu.vector_load %arg5[%get3A_75, %get3A_76, %get3A_77] {strides = array<i32>} : memref<4x2x1024xi32, #tpu.memory_space<vmem>>, vector<16xi32>,
        %mul3A_79 = arith.constant 16 : i32
        %mul3A_80 = arith.muli %scan3A_23, %mul3A_79 : i32
        %get3A_81 = arith.constant 2 : i32
        %get3A_82 = arith.constant 1 : i32
        %get3A_83 = arith.index_cast %get3A_81 : i32 to index
        %get3A_84 = arith.index_cast %get3A_82 : i32 to index
        %get3A_85 = arith.index_cast %mul3A_80 : i32 to index
        %get3A_86 = tpu.vector_load %arg5[%get3A_83, %get3A_84, %get3A_85] {strides = array<i32>} : memref<4x2x1024xi32, #tpu.memory_space<vmem>>, vector<16xi32>,
        %mul3A_87 = arith.constant 16 : i32
        %mul3A_88 = arith.muli %scan3A_23, %mul3A_87 : i32
        %get3A_89 = arith.constant 2 : i32
        %get3A_90 = arith.index_cast %get3A_89 : i32 to index
        %get3A_91 = arith.index_cast %mul3A_88 : i32 to index
        %get3A_92 = tpu.vector_load %arg6[%get3A_90, %get3A_91] {strides = array<i32>} : memref<4x1024xf32, #tpu.memory_space<vmem>>, vector<16xf32>,
        %broadcast_in_dim3A_93 = arith.constant 2 : i32
        %broadcast_in_dim3A_94 = vector.broadcast %broadcast_in_dim3A_93 : i32 to vector<16xi32>
        tpu.vector_store_idx %arg7[%broadcast_in_dim3A_94, %get3A_86, %get3A_78], %get3A_92 {add = true} : memref<4x64x64xf32, #tpu.memory_space<vmem>>[vector<16xi32>, vector<16xi32>, vector<16xi32>], vector<16xf32>,
        %mul3A_95 = arith.constant 16 : i32
        %mul3A_96 = arith.muli %scan3A_23, %mul3A_95 : i32
        %get3A_97 = arith.constant 3 : i32
        %get3A_98 = arith.constant 0 : i32
        %get3A_99 = arith.index_cast %get3A_97 : i32 to index
        %get3A_100 = arith.index_cast %get3A_98 : i32 to index
        %get3A_101 = arith.index_cast %mul3A_96 : i32 to index
        %get3A_102 = tpu.vector_load %arg5[%get3A_99, %get3A_100, %get3A_101] {strides = array<i32>} : memref<4x2x1024xi32, #tpu.memory_space<vmem>>, vector<16xi32>,
        %mul3A_103 = arith.constant 16 : i32
        %mul3A_104 = arith.muli %scan3A_23, %mul3A_103 : i32
        %get3A_105 = arith.constant 3 : i32
        %get3A_106 = arith.constant 1 : i32
        %get3A_107 = arith.index_cast %get3A_105 : i32 to index
        %get3A_108 = arith.index_cast %get3A_106 : i32 to index
        %get3A_109 = arith.index_cast %mul3A_104 : i32 to index
        %get3A_110 = tpu.vector_load %arg5[%get3A_107, %get3A_108, %get3A_109] {strides = array<i32>} : memref<4x2x1024xi32, #tpu.memory_space<vmem>>, vector<16xi32>,
        %mul3A_111 = arith.constant 16 : i32
        %mul3A_112 = arith.muli %scan3A_23, %mul3A_111 : i32
        %get3A_113 = arith.constant 3 : i32
        %get3A_114 = arith.index_cast %get3A_113 : i32 to index
        %get3A_115 = arith.index_cast %mul3A_112 : i32 to index
        %get3A_116 = tpu.vector_load %arg6[%get3A_114, %get3A_115] {strides = array<i32>} : memref<4x1024xf32, #tpu.memory_space<vmem>>, vector<16xf32>,
        %broadcast_in_dim3A_117 = arith.constant 3 : i32
        %broadcast_in_dim3A_118 = vector.broadcast %broadcast_in_dim3A_117 : i32 to vector<16xi32>
        tpu.vector_store_idx %arg7[%broadcast_in_dim3A_118, %get3A_110, %get3A_102], %get3A_116 {add = true} : memref<4x64x64xf32, #tpu.memory_space<vmem>>[vector<16xi32>, vector<16xi32>, vector<16xi32>], vector<16xf32>,
      }
      %scan3A_22 = arith.constant 64 : i32
      "tpu.region"() ({
        %run_scoped3A = tpu.sem_alloc : memref<!tpu.dma_semaphore, #tpu.memory_space<semaphore_mem>>
        %dma_start3A = arith.constant 0 : i32
        %dma_start3A_23 = arith.constant 0 : i32
        %dma_start3A_24 = arith.constant 0 : i32
        %dma_start3A_25 = tpu.memref_slice %arg4[%add3A_10, %dma_start3A, %dma_start3A_23, %dma_start3A_24] : memref<128x4x64x64xf32, #tpu.memory_space<hbm>> -> memref<1x4x64x64xf32, #tpu.memory_space<hbm>>
        %dma_start3A_26 = tpu.memref_squeeze %dma_start3A_25 : memref<1x4x64x64xf32, #tpu.memory_space<hbm>> -> memref<4x64x64xf32, #tpu.memory_space<hbm>>
        %dma_start3A_27 = arith.constant 0 : i32
        %dma_start3A_28 = arith.constant 0 : i32
        %dma_start3A_29 = arith.constant 0 : i32
        %dma_start3A_30 = tpu.memref_slice %arg4[%add3A_10, %dma_start3A_27, %dma_start3A_28, %dma_start3A_29] : memref<128x4x64x64xf32, #tpu.memory_space<hbm>> -> memref<1x4x64x64xf32, #tpu.memory_space<hbm>>
        %dma_start3A_31 = tpu.memref_squeeze %dma_start3A_30 : memref<1x4x64x64xf32, #tpu.memory_space<hbm>> -> memref<4x64x64xf32, #tpu.memory_space<hbm>>
        tpu.enqueue_dma source(%arg7 : memref<4x64x64xf32, #tpu.memory_space<vmem>>) target(%dma_start3A_31 : memref<4x64x64xf32, #tpu.memory_space<hbm>>) target_semaphore(%run_scoped3A : memref<!tpu.dma_semaphore, #tpu.memory_space<semaphore_mem>>)
        %dma_wait3A = arith.constant 0 : i32
        %dma_wait3A_32 = arith.constant 0 : i32
        %dma_wait3A_33 = arith.constant 0 : i32
        %dma_wait3A_34 = tpu.memref_slice %arg4[%add3A_10, %dma_wait3A, %dma_wait3A_32, %dma_wait3A_33] : memref<128x4x64x64xf32, #tpu.memory_space<hbm>> -> memref<1x4x64x64xf32, #tpu.memory_space<hbm>>
        %dma_wait3A_35 = tpu.memref_squeeze %dma_wait3A_34 : memref<1x4x64x64xf32, #tpu.memory_space<hbm>> -> memref<4x64x64xf32, #tpu.memory_space<hbm>>
        %dma_wait3A_36 = arith.constant 0 : i32
        %dma_wait3A_37 = arith.constant 0 : i32
        %dma_wait3A_38 = arith.constant 0 : i32
        %dma_wait3A_39 = tpu.memref_slice %arg4[%add3A_10, %dma_wait3A_36, %dma_wait3A_37, %dma_wait3A_38] : memref<128x4x64x64xf32, #tpu.memory_space<hbm>> -> memref<1x4x64x64xf32, #tpu.memory_space<hbm>>
        %dma_wait3A_40 = tpu.memref_squeeze %dma_wait3A_39 : memref<1x4x64x64xf32, #tpu.memory_space<hbm>> -> memref<4x64x64xf32, #tpu.memory_space<hbm>>
        tpu.wait_dma2 semaphore(%run_scoped3A : memref<!tpu.dma_semaphore, #tpu.memory_space<semaphore_mem>>) src(%arg7 : memref<4x64x64xf32, #tpu.memory_space<vmem>>) dst(%dma_wait3A_40 : memref<4x64x64xf32, #tpu.memory_space<hbm>>)
        tpu.yield
      }) : () -> ()
    }
    %scan3A_6 = arith.constant 4 : i32
    return
  }
}

module attributes {stable_mosaic.version = 14 : i64} {
  func.func @_fc_body(%arg0: memref<128x60x128xf32, #tpu.memory_space<vmem>>, %arg1: memref<60x128x128xf32, #tpu.memory_space<vmem>>, %arg2: memref<1x128xf32, #tpu.memory_space<vmem>>, %arg3: memref<128x128xf32, #tpu.memory_space<vmem>>, %arg4: memref<1x128xf32, #tpu.memory_space<vmem>>, %arg5: memref<128x2xf32, #tpu.memory_space<vmem>>, %arg6: memref<1x2xf32, #tpu.memory_space<vmem>>, %arg7: memref<128x2xf32, #tpu.memory_space<vmem>>) attributes {dimension_semantics = [], scalar_prefetch = 0 : i64, scratch_operands = 0 : i64, tpu.core_type = #tpu.core_type<tc>} {
    %get3A = arith.constant 0 : index
    %get3A_0 = arith.constant 0 : index
    %get3A_1 = vector.load %arg2[%get3A, %get3A_0] : memref<1x128xf32, #tpu.memory_space<vmem>>, vector<1x128xf32>
    %get3A_2 = arith.constant 0 : index
    %get3A_3 = arith.constant 0 : index
    %get3A_4 = arith.constant 0 : index
    %get3A_5 = vector.load %arg0[%get3A_2, %get3A_3, %get3A_4] : memref<128x60x128xf32, #tpu.memory_space<vmem>>, vector<128x1x128xf32>
    %get3A_6 = vector.shape_cast %get3A_5 : vector<128x1x128xf32> to vector<128x128xf32>
    %get3A_7 = arith.constant 0 : index
    %get3A_8 = arith.constant 0 : index
    %get3A_9 = arith.constant 0 : index
    %get3A_10 = vector.load %arg1[%get3A_7, %get3A_8, %get3A_9] : memref<60x128x128xf32, #tpu.memory_space<vmem>>, vector<1x128x128xf32>
    %get3A_11 = vector.shape_cast %get3A_10 : vector<1x128x128xf32> to vector<128x128xf32>
    %dot_general3A = arith.constant dense<0.000000e+00> : vector<128x128xf32>
    %dot_general3A_12 = tpu.matmul %get3A_6, %get3A_11, %dot_general3A {dimension_numbers = #tpu.dot_dimension_numbers<[1], [0], [0], [1], [0, 0, 1, 1], [], []>, transpose_lhs_hint = false} : vector<128x128xf32>, vector<128x128xf32>, vector<128x128xf32> -> vector<128x128xf32>
    %add3A = vector.broadcast %get3A_1 : vector<1x128xf32> to vector<128x128xf32>
    %add3A_13 = arith.addf %add3A, %dot_general3A_12 : vector<128x128xf32>
    %get3A_14 = arith.constant 0 : index
    %get3A_15 = arith.constant 1 : index
    %get3A_16 = arith.constant 0 : index
    %get3A_17 = vector.load %arg0[%get3A_14, %get3A_15, %get3A_16] : memref<128x60x128xf32, #tpu.memory_space<vmem>>, vector<128x1x128xf32>
    %get3A_18 = vector.shape_cast %get3A_17 : vector<128x1x128xf32> to vector<128x128xf32>
    %get3A_19 = arith.constant 1 : index
    %get3A_20 = arith.constant 0 : index
    %get3A_21 = arith.constant 0 : index
    %get3A_22 = vector.load %arg1[%get3A_19, %get3A_20, %get3A_21] : memref<60x128x128xf32, #tpu.memory_space<vmem>>, vector<1x128x128xf32>
    %get3A_23 = vector.shape_cast %get3A_22 : vector<1x128x128xf32> to vector<128x128xf32>
    %dot_general3A_24 = arith.constant dense<0.000000e+00> : vector<128x128xf32>
    %dot_general3A_25 = tpu.matmul %get3A_18, %get3A_23, %dot_general3A_24 {dimension_numbers = #tpu.dot_dimension_numbers<[1], [0], [0], [1], [0, 0, 1, 1], [], []>, transpose_lhs_hint = false} : vector<128x128xf32>, vector<128x128xf32>, vector<128x128xf32> -> vector<128x128xf32>
    %add3A_26 = arith.addf %add3A_13, %dot_general3A_25 : vector<128x128xf32>
    %get3A_27 = arith.constant 0 : index
    %get3A_28 = arith.constant 2 : index
    %get3A_29 = arith.constant 0 : index
    %get3A_30 = vector.load %arg0[%get3A_27, %get3A_28, %get3A_29] : memref<128x60x128xf32, #tpu.memory_space<vmem>>, vector<128x1x128xf32>
    %get3A_31 = vector.shape_cast %get3A_30 : vector<128x1x128xf32> to vector<128x128xf32>
    %get3A_32 = arith.constant 2 : index
    %get3A_33 = arith.constant 0 : index
    %get3A_34 = arith.constant 0 : index
    %get3A_35 = vector.load %arg1[%get3A_32, %get3A_33, %get3A_34] : memref<60x128x128xf32, #tpu.memory_space<vmem>>, vector<1x128x128xf32>
    %get3A_36 = vector.shape_cast %get3A_35 : vector<1x128x128xf32> to vector<128x128xf32>
    %dot_general3A_37 = arith.constant dense<0.000000e+00> : vector<128x128xf32>
    %dot_general3A_38 = tpu.matmul %get3A_31, %get3A_36, %dot_general3A_37 {dimension_numbers = #tpu.dot_dimension_numbers<[1], [0], [0], [1], [0, 0, 1, 1], [], []>, transpose_lhs_hint = false} : vector<128x128xf32>, vector<128x128xf32>, vector<128x128xf32> -> vector<128x128xf32>
    %add3A_39 = arith.addf %add3A_26, %dot_general3A_38 : vector<128x128xf32>
    %get3A_40 = arith.constant 0 : index
    %get3A_41 = arith.constant 3 : index
    %get3A_42 = arith.constant 0 : index
    %get3A_43 = vector.load %arg0[%get3A_40, %get3A_41, %get3A_42] : memref<128x60x128xf32, #tpu.memory_space<vmem>>, vector<128x1x128xf32>
    %get3A_44 = vector.shape_cast %get3A_43 : vector<128x1x128xf32> to vector<128x128xf32>
    %get3A_45 = arith.constant 3 : index
    %get3A_46 = arith.constant 0 : index
    %get3A_47 = arith.constant 0 : index
    %get3A_48 = vector.load %arg1[%get3A_45, %get3A_46, %get3A_47] : memref<60x128x128xf32, #tpu.memory_space<vmem>>, vector<1x128x128xf32>
    %get3A_49 = vector.shape_cast %get3A_48 : vector<1x128x128xf32> to vector<128x128xf32>
    %dot_general3A_50 = arith.constant dense<0.000000e+00> : vector<128x128xf32>
    %dot_general3A_51 = tpu.matmul %get3A_44, %get3A_49, %dot_general3A_50 {dimension_numbers = #tpu.dot_dimension_numbers<[1], [0], [0], [1], [0, 0, 1, 1], [], []>, transpose_lhs_hint = false} : vector<128x128xf32>, vector<128x128xf32>, vector<128x128xf32> -> vector<128x128xf32>
    %add3A_52 = arith.addf %add3A_39, %dot_general3A_51 : vector<128x128xf32>
    %get3A_53 = arith.constant 0 : index
    %get3A_54 = arith.constant 4 : index
    %get3A_55 = arith.constant 0 : index
    %get3A_56 = vector.load %arg0[%get3A_53, %get3A_54, %get3A_55] : memref<128x60x128xf32, #tpu.memory_space<vmem>>, vector<128x1x128xf32>
    %get3A_57 = vector.shape_cast %get3A_56 : vector<128x1x128xf32> to vector<128x128xf32>
    %get3A_58 = arith.constant 4 : index
    %get3A_59 = arith.constant 0 : index
    %get3A_60 = arith.constant 0 : index
    %get3A_61 = vector.load %arg1[%get3A_58, %get3A_59, %get3A_60] : memref<60x128x128xf32, #tpu.memory_space<vmem>>, vector<1x128x128xf32>
    %get3A_62 = vector.shape_cast %get3A_61 : vector<1x128x128xf32> to vector<128x128xf32>
    %dot_general3A_63 = arith.constant dense<0.000000e+00> : vector<128x128xf32>
    %dot_general3A_64 = tpu.matmul %get3A_57, %get3A_62, %dot_general3A_63 {dimension_numbers = #tpu.dot_dimension_numbers<[1], [0], [0], [1], [0, 0, 1, 1], [], []>, transpose_lhs_hint = false} : vector<128x128xf32>, vector<128x128xf32>, vector<128x128xf32> -> vector<128x128xf32>
    %add3A_65 = arith.addf %add3A_52, %dot_general3A_64 : vector<128x128xf32>
    %get3A_66 = arith.constant 0 : index
    %get3A_67 = arith.constant 5 : index
    %get3A_68 = arith.constant 0 : index
    %get3A_69 = vector.load %arg0[%get3A_66, %get3A_67, %get3A_68] : memref<128x60x128xf32, #tpu.memory_space<vmem>>, vector<128x1x128xf32>
    %get3A_70 = vector.shape_cast %get3A_69 : vector<128x1x128xf32> to vector<128x128xf32>
    %get3A_71 = arith.constant 5 : index
    %get3A_72 = arith.constant 0 : index
    %get3A_73 = arith.constant 0 : index
    %get3A_74 = vector.load %arg1[%get3A_71, %get3A_72, %get3A_73] : memref<60x128x128xf32, #tpu.memory_space<vmem>>, vector<1x128x128xf32>
    %get3A_75 = vector.shape_cast %get3A_74 : vector<1x128x128xf32> to vector<128x128xf32>
    %dot_general3A_76 = arith.constant dense<0.000000e+00> : vector<128x128xf32>
    %dot_general3A_77 = tpu.matmul %get3A_70, %get3A_75, %dot_general3A_76 {dimension_numbers = #tpu.dot_dimension_numbers<[1], [0], [0], [1], [0, 0, 1, 1], [], []>, transpose_lhs_hint = false} : vector<128x128xf32>, vector<128x128xf32>, vector<128x128xf32> -> vector<128x128xf32>
    %add3A_78 = arith.addf %add3A_65, %dot_general3A_77 : vector<128x128xf32>
    %get3A_79 = arith.constant 0 : index
    %get3A_80 = arith.constant 6 : index
    %get3A_81 = arith.constant 0 : index
    %get3A_82 = vector.load %arg0[%get3A_79, %get3A_80, %get3A_81] : memref<128x60x128xf32, #tpu.memory_space<vmem>>, vector<128x1x128xf32>
    %get3A_83 = vector.shape_cast %get3A_82 : vector<128x1x128xf32> to vector<128x128xf32>
    %get3A_84 = arith.constant 6 : index
    %get3A_85 = arith.constant 0 : index
    %get3A_86 = arith.constant 0 : index
    %get3A_87 = vector.load %arg1[%get3A_84, %get3A_85, %get3A_86] : memref<60x128x128xf32, #tpu.memory_space<vmem>>, vector<1x128x128xf32>
    %get3A_88 = vector.shape_cast %get3A_87 : vector<1x128x128xf32> to vector<128x128xf32>
    %dot_general3A_89 = arith.constant dense<0.000000e+00> : vector<128x128xf32>
    %dot_general3A_90 = tpu.matmul %get3A_83, %get3A_88, %dot_general3A_89 {dimension_numbers = #tpu.dot_dimension_numbers<[1], [0], [0], [1], [0, 0, 1, 1], [], []>, transpose_lhs_hint = false} : vector<128x128xf32>, vector<128x128xf32>, vector<128x128xf32> -> vector<128x128xf32>
    %add3A_91 = arith.addf %add3A_78, %dot_general3A_90 : vector<128x128xf32>
    %get3A_92 = arith.constant 0 : index
    %get3A_93 = arith.constant 7 : index
    %get3A_94 = arith.constant 0 : index
    %get3A_95 = vector.load %arg0[%get3A_92, %get3A_93, %get3A_94] : memref<128x60x128xf32, #tpu.memory_space<vmem>>, vector<128x1x128xf32>
    %get3A_96 = vector.shape_cast %get3A_95 : vector<128x1x128xf32> to vector<128x128xf32>
    %get3A_97 = arith.constant 7 : index
    %get3A_98 = arith.constant 0 : index
    %get3A_99 = arith.constant 0 : index
    %get3A_100 = vector.load %arg1[%get3A_97, %get3A_98, %get3A_99] : memref<60x128x128xf32, #tpu.memory_space<vmem>>, vector<1x128x128xf32>
    %get3A_101 = vector.shape_cast %get3A_100 : vector<1x128x128xf32> to vector<128x128xf32>
    %dot_general3A_102 = arith.constant dense<0.000000e+00> : vector<128x128xf32>
    %dot_general3A_103 = tpu.matmul %get3A_96, %get3A_101, %dot_general3A_102 {dimension_numbers = #tpu.dot_dimension_numbers<[1], [0], [0], [1], [0, 0, 1, 1], [], []>, transpose_lhs_hint = false} : vector<128x128xf32>, vector<128x128xf32>, vector<128x128xf32> -> vector<128x128xf32>
    %add3A_104 = arith.addf %add3A_91, %dot_general3A_103 : vector<128x128xf32>
    %get3A_105 = arith.constant 0 : index
    %get3A_106 = arith.constant 8 : index
    %get3A_107 = arith.constant 0 : index
    %get3A_108 = vector.load %arg0[%get3A_105, %get3A_106, %get3A_107] : memref<128x60x128xf32, #tpu.memory_space<vmem>>, vector<128x1x128xf32>
    %get3A_109 = vector.shape_cast %get3A_108 : vector<128x1x128xf32> to vector<128x128xf32>
    %get3A_110 = arith.constant 8 : index
    %get3A_111 = arith.constant 0 : index
    %get3A_112 = arith.constant 0 : index
    %get3A_113 = vector.load %arg1[%get3A_110, %get3A_111, %get3A_112] : memref<60x128x128xf32, #tpu.memory_space<vmem>>, vector<1x128x128xf32>
    %get3A_114 = vector.shape_cast %get3A_113 : vector<1x128x128xf32> to vector<128x128xf32>
    %dot_general3A_115 = arith.constant dense<0.000000e+00> : vector<128x128xf32>
    %dot_general3A_116 = tpu.matmul %get3A_109, %get3A_114, %dot_general3A_115 {dimension_numbers = #tpu.dot_dimension_numbers<[1], [0], [0], [1], [0, 0, 1, 1], [], []>, transpose_lhs_hint = false} : vector<128x128xf32>, vector<128x128xf32>, vector<128x128xf32> -> vector<128x128xf32>
    %add3A_117 = arith.addf %add3A_104, %dot_general3A_116 : vector<128x128xf32>
    %get3A_118 = arith.constant 0 : index
    %get3A_119 = arith.constant 9 : index
    %get3A_120 = arith.constant 0 : index
    %get3A_121 = vector.load %arg0[%get3A_118, %get3A_119, %get3A_120] : memref<128x60x128xf32, #tpu.memory_space<vmem>>, vector<128x1x128xf32>
    %get3A_122 = vector.shape_cast %get3A_121 : vector<128x1x128xf32> to vector<128x128xf32>
    %get3A_123 = arith.constant 9 : index
    %get3A_124 = arith.constant 0 : index
    %get3A_125 = arith.constant 0 : index
    %get3A_126 = vector.load %arg1[%get3A_123, %get3A_124, %get3A_125] : memref<60x128x128xf32, #tpu.memory_space<vmem>>, vector<1x128x128xf32>
    %get3A_127 = vector.shape_cast %get3A_126 : vector<1x128x128xf32> to vector<128x128xf32>
    %dot_general3A_128 = arith.constant dense<0.000000e+00> : vector<128x128xf32>
    %dot_general3A_129 = tpu.matmul %get3A_122, %get3A_127, %dot_general3A_128 {dimension_numbers = #tpu.dot_dimension_numbers<[1], [0], [0], [1], [0, 0, 1, 1], [], []>, transpose_lhs_hint = false} : vector<128x128xf32>, vector<128x128xf32>, vector<128x128xf32> -> vector<128x128xf32>
    %add3A_130 = arith.addf %add3A_117, %dot_general3A_129 : vector<128x128xf32>
    %get3A_131 = arith.constant 0 : index
    %get3A_132 = arith.constant 10 : index
    %get3A_133 = arith.constant 0 : index
    %get3A_134 = vector.load %arg0[%get3A_131, %get3A_132, %get3A_133] : memref<128x60x128xf32, #tpu.memory_space<vmem>>, vector<128x1x128xf32>
    %get3A_135 = vector.shape_cast %get3A_134 : vector<128x1x128xf32> to vector<128x128xf32>
    %get3A_136 = arith.constant 10 : index
    %get3A_137 = arith.constant 0 : index
    %get3A_138 = arith.constant 0 : index
    %get3A_139 = vector.load %arg1[%get3A_136, %get3A_137, %get3A_138] : memref<60x128x128xf32, #tpu.memory_space<vmem>>, vector<1x128x128xf32>
    %get3A_140 = vector.shape_cast %get3A_139 : vector<1x128x128xf32> to vector<128x128xf32>
    %dot_general3A_141 = arith.constant dense<0.000000e+00> : vector<128x128xf32>
    %dot_general3A_142 = tpu.matmul %get3A_135, %get3A_140, %dot_general3A_141 {dimension_numbers = #tpu.dot_dimension_numbers<[1], [0], [0], [1], [0, 0, 1, 1], [], []>, transpose_lhs_hint = false} : vector<128x128xf32>, vector<128x128xf32>, vector<128x128xf32> -> vector<128x128xf32>
    %add3A_143 = arith.addf %add3A_130, %dot_general3A_142 : vector<128x128xf32>
    %get3A_144 = arith.constant 0 : index
    %get3A_145 = arith.constant 11 : index
    %get3A_146 = arith.constant 0 : index
    %get3A_147 = vector.load %arg0[%get3A_144, %get3A_145, %get3A_146] : memref<128x60x128xf32, #tpu.memory_space<vmem>>, vector<128x1x128xf32>
    %get3A_148 = vector.shape_cast %get3A_147 : vector<128x1x128xf32> to vector<128x128xf32>
    %get3A_149 = arith.constant 11 : index
    %get3A_150 = arith.constant 0 : index
    %get3A_151 = arith.constant 0 : index
    %get3A_152 = vector.load %arg1[%get3A_149, %get3A_150, %get3A_151] : memref<60x128x128xf32, #tpu.memory_space<vmem>>, vector<1x128x128xf32>
    %get3A_153 = vector.shape_cast %get3A_152 : vector<1x128x128xf32> to vector<128x128xf32>
    %dot_general3A_154 = arith.constant dense<0.000000e+00> : vector<128x128xf32>
    %dot_general3A_155 = tpu.matmul %get3A_148, %get3A_153, %dot_general3A_154 {dimension_numbers = #tpu.dot_dimension_numbers<[1], [0], [0], [1], [0, 0, 1, 1], [], []>, transpose_lhs_hint = false} : vector<128x128xf32>, vector<128x128xf32>, vector<128x128xf32> -> vector<128x128xf32>
    %add3A_156 = arith.addf %add3A_143, %dot_general3A_155 : vector<128x128xf32>
    %get3A_157 = arith.constant 0 : index
    %get3A_158 = arith.constant 12 : index
    %get3A_159 = arith.constant 0 : index
    %get3A_160 = vector.load %arg0[%get3A_157, %get3A_158, %get3A_159] : memref<128x60x128xf32, #tpu.memory_space<vmem>>, vector<128x1x128xf32>
    %get3A_161 = vector.shape_cast %get3A_160 : vector<128x1x128xf32> to vector<128x128xf32>
    %get3A_162 = arith.constant 12 : index
    %get3A_163 = arith.constant 0 : index
    %get3A_164 = arith.constant 0 : index
    %get3A_165 = vector.load %arg1[%get3A_162, %get3A_163, %get3A_164] : memref<60x128x128xf32, #tpu.memory_space<vmem>>, vector<1x128x128xf32>
    %get3A_166 = vector.shape_cast %get3A_165 : vector<1x128x128xf32> to vector<128x128xf32>
    %dot_general3A_167 = arith.constant dense<0.000000e+00> : vector<128x128xf32>
    %dot_general3A_168 = tpu.matmul %get3A_161, %get3A_166, %dot_general3A_167 {dimension_numbers = #tpu.dot_dimension_numbers<[1], [0], [0], [1], [0, 0, 1, 1], [], []>, transpose_lhs_hint = false} : vector<128x128xf32>, vector<128x128xf32>, vector<128x128xf32> -> vector<128x128xf32>
    %add3A_169 = arith.addf %add3A_156, %dot_general3A_168 : vector<128x128xf32>
    %get3A_170 = arith.constant 0 : index
    %get3A_171 = arith.constant 13 : index
    %get3A_172 = arith.constant 0 : index
    %get3A_173 = vector.load %arg0[%get3A_170, %get3A_171, %get3A_172] : memref<128x60x128xf32, #tpu.memory_space<vmem>>, vector<128x1x128xf32>
    %get3A_174 = vector.shape_cast %get3A_173 : vector<128x1x128xf32> to vector<128x128xf32>
    %get3A_175 = arith.constant 13 : index
    %get3A_176 = arith.constant 0 : index
    %get3A_177 = arith.constant 0 : index
    %get3A_178 = vector.load %arg1[%get3A_175, %get3A_176, %get3A_177] : memref<60x128x128xf32, #tpu.memory_space<vmem>>, vector<1x128x128xf32>
    %get3A_179 = vector.shape_cast %get3A_178 : vector<1x128x128xf32> to vector<128x128xf32>
    %dot_general3A_180 = arith.constant dense<0.000000e+00> : vector<128x128xf32>
    %dot_general3A_181 = tpu.matmul %get3A_174, %get3A_179, %dot_general3A_180 {dimension_numbers = #tpu.dot_dimension_numbers<[1], [0], [0], [1], [0, 0, 1, 1], [], []>, transpose_lhs_hint = false} : vector<128x128xf32>, vector<128x128xf32>, vector<128x128xf32> -> vector<128x128xf32>
    %add3A_182 = arith.addf %add3A_169, %dot_general3A_181 : vector<128x128xf32>
    %get3A_183 = arith.constant 0 : index
    %get3A_184 = arith.constant 14 : index
    %get3A_185 = arith.constant 0 : index
    %get3A_186 = vector.load %arg0[%get3A_183, %get3A_184, %get3A_185] : memref<128x60x128xf32, #tpu.memory_space<vmem>>, vector<128x1x128xf32>
    %get3A_187 = vector.shape_cast %get3A_186 : vector<128x1x128xf32> to vector<128x128xf32>
    %get3A_188 = arith.constant 14 : index
    %get3A_189 = arith.constant 0 : index
    %get3A_190 = arith.constant 0 : index
    %get3A_191 = vector.load %arg1[%get3A_188, %get3A_189, %get3A_190] : memref<60x128x128xf32, #tpu.memory_space<vmem>>, vector<1x128x128xf32>
    %get3A_192 = vector.shape_cast %get3A_191 : vector<1x128x128xf32> to vector<128x128xf32>
    %dot_general3A_193 = arith.constant dense<0.000000e+00> : vector<128x128xf32>
    %dot_general3A_194 = tpu.matmul %get3A_187, %get3A_192, %dot_general3A_193 {dimension_numbers = #tpu.dot_dimension_numbers<[1], [0], [0], [1], [0, 0, 1, 1], [], []>, transpose_lhs_hint = false} : vector<128x128xf32>, vector<128x128xf32>, vector<128x128xf32> -> vector<128x128xf32>
    %add3A_195 = arith.addf %add3A_182, %dot_general3A_194 : vector<128x128xf32>
    %get3A_196 = arith.constant 0 : index
    %get3A_197 = arith.constant 15 : index
    %get3A_198 = arith.constant 0 : index
    %get3A_199 = vector.load %arg0[%get3A_196, %get3A_197, %get3A_198] : memref<128x60x128xf32, #tpu.memory_space<vmem>>, vector<128x1x128xf32>
    %get3A_200 = vector.shape_cast %get3A_199 : vector<128x1x128xf32> to vector<128x128xf32>
    %get3A_201 = arith.constant 15 : index
    %get3A_202 = arith.constant 0 : index
    %get3A_203 = arith.constant 0 : index
    %get3A_204 = vector.load %arg1[%get3A_201, %get3A_202, %get3A_203] : memref<60x128x128xf32, #tpu.memory_space<vmem>>, vector<1x128x128xf32>
    %get3A_205 = vector.shape_cast %get3A_204 : vector<1x128x128xf32> to vector<128x128xf32>
    %dot_general3A_206 = arith.constant dense<0.000000e+00> : vector<128x128xf32>
    %dot_general3A_207 = tpu.matmul %get3A_200, %get3A_205, %dot_general3A_206 {dimension_numbers = #tpu.dot_dimension_numbers<[1], [0], [0], [1], [0, 0, 1, 1], [], []>, transpose_lhs_hint = false} : vector<128x128xf32>, vector<128x128xf32>, vector<128x128xf32> -> vector<128x128xf32>
    %add3A_208 = arith.addf %add3A_195, %dot_general3A_207 : vector<128x128xf32>
    %get3A_209 = arith.constant 0 : index
    %get3A_210 = arith.constant 16 : index
    %get3A_211 = arith.constant 0 : index
    %get3A_212 = vector.load %arg0[%get3A_209, %get3A_210, %get3A_211] : memref<128x60x128xf32, #tpu.memory_space<vmem>>, vector<128x1x128xf32>
    %get3A_213 = vector.shape_cast %get3A_212 : vector<128x1x128xf32> to vector<128x128xf32>
    %get3A_214 = arith.constant 16 : index
    %get3A_215 = arith.constant 0 : index
    %get3A_216 = arith.constant 0 : index
    %get3A_217 = vector.load %arg1[%get3A_214, %get3A_215, %get3A_216] : memref<60x128x128xf32, #tpu.memory_space<vmem>>, vector<1x128x128xf32>
    %get3A_218 = vector.shape_cast %get3A_217 : vector<1x128x128xf32> to vector<128x128xf32>
    %dot_general3A_219 = arith.constant dense<0.000000e+00> : vector<128x128xf32>
    %dot_general3A_220 = tpu.matmul %get3A_213, %get3A_218, %dot_general3A_219 {dimension_numbers = #tpu.dot_dimension_numbers<[1], [0], [0], [1], [0, 0, 1, 1], [], []>, transpose_lhs_hint = false} : vector<128x128xf32>, vector<128x128xf32>, vector<128x128xf32> -> vector<128x128xf32>
    %add3A_221 = arith.addf %add3A_208, %dot_general3A_220 : vector<128x128xf32>
    %get3A_222 = arith.constant 0 : index
    %get3A_223 = arith.constant 17 : index
    %get3A_224 = arith.constant 0 : index
    %get3A_225 = vector.load %arg0[%get3A_222, %get3A_223, %get3A_224] : memref<128x60x128xf32, #tpu.memory_space<vmem>>, vector<128x1x128xf32>
    %get3A_226 = vector.shape_cast %get3A_225 : vector<128x1x128xf32> to vector<128x128xf32>
    %get3A_227 = arith.constant 17 : index
    %get3A_228 = arith.constant 0 : index
    %get3A_229 = arith.constant 0 : index
    %get3A_230 = vector.load %arg1[%get3A_227, %get3A_228, %get3A_229] : memref<60x128x128xf32, #tpu.memory_space<vmem>>, vector<1x128x128xf32>
    %get3A_231 = vector.shape_cast %get3A_230 : vector<1x128x128xf32> to vector<128x128xf32>
    %dot_general3A_232 = arith.constant dense<0.000000e+00> : vector<128x128xf32>
    %dot_general3A_233 = tpu.matmul %get3A_226, %get3A_231, %dot_general3A_232 {dimension_numbers = #tpu.dot_dimension_numbers<[1], [0], [0], [1], [0, 0, 1, 1], [], []>, transpose_lhs_hint = false} : vector<128x128xf32>, vector<128x128xf32>, vector<128x128xf32> -> vector<128x128xf32>
    %add3A_234 = arith.addf %add3A_221, %dot_general3A_233 : vector<128x128xf32>
    %get3A_235 = arith.constant 0 : index
    %get3A_236 = arith.constant 18 : index
    %get3A_237 = arith.constant 0 : index
    %get3A_238 = vector.load %arg0[%get3A_235, %get3A_236, %get3A_237] : memref<128x60x128xf32, #tpu.memory_space<vmem>>, vector<128x1x128xf32>
    %get3A_239 = vector.shape_cast %get3A_238 : vector<128x1x128xf32> to vector<128x128xf32>
    %get3A_240 = arith.constant 18 : index
    %get3A_241 = arith.constant 0 : index
    %get3A_242 = arith.constant 0 : index
    %get3A_243 = vector.load %arg1[%get3A_240, %get3A_241, %get3A_242] : memref<60x128x128xf32, #tpu.memory_space<vmem>>, vector<1x128x128xf32>
    %get3A_244 = vector.shape_cast %get3A_243 : vector<1x128x128xf32> to vector<128x128xf32>
    %dot_general3A_245 = arith.constant dense<0.000000e+00> : vector<128x128xf32>
    %dot_general3A_246 = tpu.matmul %get3A_239, %get3A_244, %dot_general3A_245 {dimension_numbers = #tpu.dot_dimension_numbers<[1], [0], [0], [1], [0, 0, 1, 1], [], []>, transpose_lhs_hint = false} : vector<128x128xf32>, vector<128x128xf32>, vector<128x128xf32> -> vector<128x128xf32>
    %add3A_247 = arith.addf %add3A_234, %dot_general3A_246 : vector<128x128xf32>
    %get3A_248 = arith.constant 0 : index
    %get3A_249 = arith.constant 19 : index
    %get3A_250 = arith.constant 0 : index
    %get3A_251 = vector.load %arg0[%get3A_248, %get3A_249, %get3A_250] : memref<128x60x128xf32, #tpu.memory_space<vmem>>, vector<128x1x128xf32>
    %get3A_252 = vector.shape_cast %get3A_251 : vector<128x1x128xf32> to vector<128x128xf32>
    %get3A_253 = arith.constant 19 : index
    %get3A_254 = arith.constant 0 : index
    %get3A_255 = arith.constant 0 : index
    %get3A_256 = vector.load %arg1[%get3A_253, %get3A_254, %get3A_255] : memref<60x128x128xf32, #tpu.memory_space<vmem>>, vector<1x128x128xf32>
    %get3A_257 = vector.shape_cast %get3A_256 : vector<1x128x128xf32> to vector<128x128xf32>
    %dot_general3A_258 = arith.constant dense<0.000000e+00> : vector<128x128xf32>
    %dot_general3A_259 = tpu.matmul %get3A_252, %get3A_257, %dot_general3A_258 {dimension_numbers = #tpu.dot_dimension_numbers<[1], [0], [0], [1], [0, 0, 1, 1], [], []>, transpose_lhs_hint = false} : vector<128x128xf32>, vector<128x128xf32>, vector<128x128xf32> -> vector<128x128xf32>
    %add3A_260 = arith.addf %add3A_247, %dot_general3A_259 : vector<128x128xf32>
    %get3A_261 = arith.constant 0 : index
    %get3A_262 = arith.constant 20 : index
    %get3A_263 = arith.constant 0 : index
    %get3A_264 = vector.load %arg0[%get3A_261, %get3A_262, %get3A_263] : memref<128x60x128xf32, #tpu.memory_space<vmem>>, vector<128x1x128xf32>
    %get3A_265 = vector.shape_cast %get3A_264 : vector<128x1x128xf32> to vector<128x128xf32>
    %get3A_266 = arith.constant 20 : index
    %get3A_267 = arith.constant 0 : index
    %get3A_268 = arith.constant 0 : index
    %get3A_269 = vector.load %arg1[%get3A_266, %get3A_267, %get3A_268] : memref<60x128x128xf32, #tpu.memory_space<vmem>>, vector<1x128x128xf32>
    %get3A_270 = vector.shape_cast %get3A_269 : vector<1x128x128xf32> to vector<128x128xf32>
    %dot_general3A_271 = arith.constant dense<0.000000e+00> : vector<128x128xf32>
    %dot_general3A_272 = tpu.matmul %get3A_265, %get3A_270, %dot_general3A_271 {dimension_numbers = #tpu.dot_dimension_numbers<[1], [0], [0], [1], [0, 0, 1, 1], [], []>, transpose_lhs_hint = false} : vector<128x128xf32>, vector<128x128xf32>, vector<128x128xf32> -> vector<128x128xf32>
    %add3A_273 = arith.addf %add3A_260, %dot_general3A_272 : vector<128x128xf32>
    %get3A_274 = arith.constant 0 : index
    %get3A_275 = arith.constant 21 : index
    %get3A_276 = arith.constant 0 : index
    %get3A_277 = vector.load %arg0[%get3A_274, %get3A_275, %get3A_276] : memref<128x60x128xf32, #tpu.memory_space<vmem>>, vector<128x1x128xf32>
    %get3A_278 = vector.shape_cast %get3A_277 : vector<128x1x128xf32> to vector<128x128xf32>
    %get3A_279 = arith.constant 21 : index
    %get3A_280 = arith.constant 0 : index
    %get3A_281 = arith.constant 0 : index
    %get3A_282 = vector.load %arg1[%get3A_279, %get3A_280, %get3A_281] : memref<60x128x128xf32, #tpu.memory_space<vmem>>, vector<1x128x128xf32>
    %get3A_283 = vector.shape_cast %get3A_282 : vector<1x128x128xf32> to vector<128x128xf32>
    %dot_general3A_284 = arith.constant dense<0.000000e+00> : vector<128x128xf32>
    %dot_general3A_285 = tpu.matmul %get3A_278, %get3A_283, %dot_general3A_284 {dimension_numbers = #tpu.dot_dimension_numbers<[1], [0], [0], [1], [0, 0, 1, 1], [], []>, transpose_lhs_hint = false} : vector<128x128xf32>, vector<128x128xf32>, vector<128x128xf32> -> vector<128x128xf32>
    %add3A_286 = arith.addf %add3A_273, %dot_general3A_285 : vector<128x128xf32>
    %get3A_287 = arith.constant 0 : index
    %get3A_288 = arith.constant 22 : index
    %get3A_289 = arith.constant 0 : index
    %get3A_290 = vector.load %arg0[%get3A_287, %get3A_288, %get3A_289] : memref<128x60x128xf32, #tpu.memory_space<vmem>>, vector<128x1x128xf32>
    %get3A_291 = vector.shape_cast %get3A_290 : vector<128x1x128xf32> to vector<128x128xf32>
    %get3A_292 = arith.constant 22 : index
    %get3A_293 = arith.constant 0 : index
    %get3A_294 = arith.constant 0 : index
    %get3A_295 = vector.load %arg1[%get3A_292, %get3A_293, %get3A_294] : memref<60x128x128xf32, #tpu.memory_space<vmem>>, vector<1x128x128xf32>
    %get3A_296 = vector.shape_cast %get3A_295 : vector<1x128x128xf32> to vector<128x128xf32>
    %dot_general3A_297 = arith.constant dense<0.000000e+00> : vector<128x128xf32>
    %dot_general3A_298 = tpu.matmul %get3A_291, %get3A_296, %dot_general3A_297 {dimension_numbers = #tpu.dot_dimension_numbers<[1], [0], [0], [1], [0, 0, 1, 1], [], []>, transpose_lhs_hint = false} : vector<128x128xf32>, vector<128x128xf32>, vector<128x128xf32> -> vector<128x128xf32>
    %add3A_299 = arith.addf %add3A_286, %dot_general3A_298 : vector<128x128xf32>
    %get3A_300 = arith.constant 0 : index
    %get3A_301 = arith.constant 23 : index
    %get3A_302 = arith.constant 0 : index
    %get3A_303 = vector.load %arg0[%get3A_300, %get3A_301, %get3A_302] : memref<128x60x128xf32, #tpu.memory_space<vmem>>, vector<128x1x128xf32>
    %get3A_304 = vector.shape_cast %get3A_303 : vector<128x1x128xf32> to vector<128x128xf32>
    %get3A_305 = arith.constant 23 : index
    %get3A_306 = arith.constant 0 : index
    %get3A_307 = arith.constant 0 : index
    %get3A_308 = vector.load %arg1[%get3A_305, %get3A_306, %get3A_307] : memref<60x128x128xf32, #tpu.memory_space<vmem>>, vector<1x128x128xf32>
    %get3A_309 = vector.shape_cast %get3A_308 : vector<1x128x128xf32> to vector<128x128xf32>
    %dot_general3A_310 = arith.constant dense<0.000000e+00> : vector<128x128xf32>
    %dot_general3A_311 = tpu.matmul %get3A_304, %get3A_309, %dot_general3A_310 {dimension_numbers = #tpu.dot_dimension_numbers<[1], [0], [0], [1], [0, 0, 1, 1], [], []>, transpose_lhs_hint = false} : vector<128x128xf32>, vector<128x128xf32>, vector<128x128xf32> -> vector<128x128xf32>
    %add3A_312 = arith.addf %add3A_299, %dot_general3A_311 : vector<128x128xf32>
    %get3A_313 = arith.constant 0 : index
    %get3A_314 = arith.constant 24 : index
    %get3A_315 = arith.constant 0 : index
    %get3A_316 = vector.load %arg0[%get3A_313, %get3A_314, %get3A_315] : memref<128x60x128xf32, #tpu.memory_space<vmem>>, vector<128x1x128xf32>
    %get3A_317 = vector.shape_cast %get3A_316 : vector<128x1x128xf32> to vector<128x128xf32>
    %get3A_318 = arith.constant 24 : index
    %get3A_319 = arith.constant 0 : index
    %get3A_320 = arith.constant 0 : index
    %get3A_321 = vector.load %arg1[%get3A_318, %get3A_319, %get3A_320] : memref<60x128x128xf32, #tpu.memory_space<vmem>>, vector<1x128x128xf32>
    %get3A_322 = vector.shape_cast %get3A_321 : vector<1x128x128xf32> to vector<128x128xf32>
    %dot_general3A_323 = arith.constant dense<0.000000e+00> : vector<128x128xf32>
    %dot_general3A_324 = tpu.matmul %get3A_317, %get3A_322, %dot_general3A_323 {dimension_numbers = #tpu.dot_dimension_numbers<[1], [0], [0], [1], [0, 0, 1, 1], [], []>, transpose_lhs_hint = false} : vector<128x128xf32>, vector<128x128xf32>, vector<128x128xf32> -> vector<128x128xf32>
    %add3A_325 = arith.addf %add3A_312, %dot_general3A_324 : vector<128x128xf32>
    %get3A_326 = arith.constant 0 : index
    %get3A_327 = arith.constant 25 : index
    %get3A_328 = arith.constant 0 : index
    %get3A_329 = vector.load %arg0[%get3A_326, %get3A_327, %get3A_328] : memref<128x60x128xf32, #tpu.memory_space<vmem>>, vector<128x1x128xf32>
    %get3A_330 = vector.shape_cast %get3A_329 : vector<128x1x128xf32> to vector<128x128xf32>
    %get3A_331 = arith.constant 25 : index
    %get3A_332 = arith.constant 0 : index
    %get3A_333 = arith.constant 0 : index
    %get3A_334 = vector.load %arg1[%get3A_331, %get3A_332, %get3A_333] : memref<60x128x128xf32, #tpu.memory_space<vmem>>, vector<1x128x128xf32>
    %get3A_335 = vector.shape_cast %get3A_334 : vector<1x128x128xf32> to vector<128x128xf32>
    %dot_general3A_336 = arith.constant dense<0.000000e+00> : vector<128x128xf32>
    %dot_general3A_337 = tpu.matmul %get3A_330, %get3A_335, %dot_general3A_336 {dimension_numbers = #tpu.dot_dimension_numbers<[1], [0], [0], [1], [0, 0, 1, 1], [], []>, transpose_lhs_hint = false} : vector<128x128xf32>, vector<128x128xf32>, vector<128x128xf32> -> vector<128x128xf32>
    %add3A_338 = arith.addf %add3A_325, %dot_general3A_337 : vector<128x128xf32>
    %get3A_339 = arith.constant 0 : index
    %get3A_340 = arith.constant 26 : index
    %get3A_341 = arith.constant 0 : index
    %get3A_342 = vector.load %arg0[%get3A_339, %get3A_340, %get3A_341] : memref<128x60x128xf32, #tpu.memory_space<vmem>>, vector<128x1x128xf32>
    %get3A_343 = vector.shape_cast %get3A_342 : vector<128x1x128xf32> to vector<128x128xf32>
    %get3A_344 = arith.constant 26 : index
    %get3A_345 = arith.constant 0 : index
    %get3A_346 = arith.constant 0 : index
    %get3A_347 = vector.load %arg1[%get3A_344, %get3A_345, %get3A_346] : memref<60x128x128xf32, #tpu.memory_space<vmem>>, vector<1x128x128xf32>
    %get3A_348 = vector.shape_cast %get3A_347 : vector<1x128x128xf32> to vector<128x128xf32>
    %dot_general3A_349 = arith.constant dense<0.000000e+00> : vector<128x128xf32>
    %dot_general3A_350 = tpu.matmul %get3A_343, %get3A_348, %dot_general3A_349 {dimension_numbers = #tpu.dot_dimension_numbers<[1], [0], [0], [1], [0, 0, 1, 1], [], []>, transpose_lhs_hint = false} : vector<128x128xf32>, vector<128x128xf32>, vector<128x128xf32> -> vector<128x128xf32>
    %add3A_351 = arith.addf %add3A_338, %dot_general3A_350 : vector<128x128xf32>
    %get3A_352 = arith.constant 0 : index
    %get3A_353 = arith.constant 27 : index
    %get3A_354 = arith.constant 0 : index
    %get3A_355 = vector.load %arg0[%get3A_352, %get3A_353, %get3A_354] : memref<128x60x128xf32, #tpu.memory_space<vmem>>, vector<128x1x128xf32>
    %get3A_356 = vector.shape_cast %get3A_355 : vector<128x1x128xf32> to vector<128x128xf32>
    %get3A_357 = arith.constant 27 : index
    %get3A_358 = arith.constant 0 : index
    %get3A_359 = arith.constant 0 : index
    %get3A_360 = vector.load %arg1[%get3A_357, %get3A_358, %get3A_359] : memref<60x128x128xf32, #tpu.memory_space<vmem>>, vector<1x128x128xf32>
    %get3A_361 = vector.shape_cast %get3A_360 : vector<1x128x128xf32> to vector<128x128xf32>
    %dot_general3A_362 = arith.constant dense<0.000000e+00> : vector<128x128xf32>
    %dot_general3A_363 = tpu.matmul %get3A_356, %get3A_361, %dot_general3A_362 {dimension_numbers = #tpu.dot_dimension_numbers<[1], [0], [0], [1], [0, 0, 1, 1], [], []>, transpose_lhs_hint = false} : vector<128x128xf32>, vector<128x128xf32>, vector<128x128xf32> -> vector<128x128xf32>
    %add3A_364 = arith.addf %add3A_351, %dot_general3A_363 : vector<128x128xf32>
    %get3A_365 = arith.constant 0 : index
    %get3A_366 = arith.constant 28 : index
    %get3A_367 = arith.constant 0 : index
    %get3A_368 = vector.load %arg0[%get3A_365, %get3A_366, %get3A_367] : memref<128x60x128xf32, #tpu.memory_space<vmem>>, vector<128x1x128xf32>
    %get3A_369 = vector.shape_cast %get3A_368 : vector<128x1x128xf32> to vector<128x128xf32>
    %get3A_370 = arith.constant 28 : index
    %get3A_371 = arith.constant 0 : index
    %get3A_372 = arith.constant 0 : index
    %get3A_373 = vector.load %arg1[%get3A_370, %get3A_371, %get3A_372] : memref<60x128x128xf32, #tpu.memory_space<vmem>>, vector<1x128x128xf32>
    %get3A_374 = vector.shape_cast %get3A_373 : vector<1x128x128xf32> to vector<128x128xf32>
    %dot_general3A_375 = arith.constant dense<0.000000e+00> : vector<128x128xf32>
    %dot_general3A_376 = tpu.matmul %get3A_369, %get3A_374, %dot_general3A_375 {dimension_numbers = #tpu.dot_dimension_numbers<[1], [0], [0], [1], [0, 0, 1, 1], [], []>, transpose_lhs_hint = false} : vector<128x128xf32>, vector<128x128xf32>, vector<128x128xf32> -> vector<128x128xf32>
    %add3A_377 = arith.addf %add3A_364, %dot_general3A_376 : vector<128x128xf32>
    %get3A_378 = arith.constant 0 : index
    %get3A_379 = arith.constant 29 : index
    %get3A_380 = arith.constant 0 : index
    %get3A_381 = vector.load %arg0[%get3A_378, %get3A_379, %get3A_380] : memref<128x60x128xf32, #tpu.memory_space<vmem>>, vector<128x1x128xf32>
    %get3A_382 = vector.shape_cast %get3A_381 : vector<128x1x128xf32> to vector<128x128xf32>
    %get3A_383 = arith.constant 29 : index
    %get3A_384 = arith.constant 0 : index
    %get3A_385 = arith.constant 0 : index
    %get3A_386 = vector.load %arg1[%get3A_383, %get3A_384, %get3A_385] : memref<60x128x128xf32, #tpu.memory_space<vmem>>, vector<1x128x128xf32>
    %get3A_387 = vector.shape_cast %get3A_386 : vector<1x128x128xf32> to vector<128x128xf32>
    %dot_general3A_388 = arith.constant dense<0.000000e+00> : vector<128x128xf32>
    %dot_general3A_389 = tpu.matmul %get3A_382, %get3A_387, %dot_general3A_388 {dimension_numbers = #tpu.dot_dimension_numbers<[1], [0], [0], [1], [0, 0, 1, 1], [], []>, transpose_lhs_hint = false} : vector<128x128xf32>, vector<128x128xf32>, vector<128x128xf32> -> vector<128x128xf32>
    %add3A_390 = arith.addf %add3A_377, %dot_general3A_389 : vector<128x128xf32>
    %get3A_391 = arith.constant 0 : index
    %get3A_392 = arith.constant 30 : index
    %get3A_393 = arith.constant 0 : index
    %get3A_394 = vector.load %arg0[%get3A_391, %get3A_392, %get3A_393] : memref<128x60x128xf32, #tpu.memory_space<vmem>>, vector<128x1x128xf32>
    %get3A_395 = vector.shape_cast %get3A_394 : vector<128x1x128xf32> to vector<128x128xf32>
    %get3A_396 = arith.constant 30 : index
    %get3A_397 = arith.constant 0 : index
    %get3A_398 = arith.constant 0 : index
    %get3A_399 = vector.load %arg1[%get3A_396, %get3A_397, %get3A_398] : memref<60x128x128xf32, #tpu.memory_space<vmem>>, vector<1x128x128xf32>
    %get3A_400 = vector.shape_cast %get3A_399 : vector<1x128x128xf32> to vector<128x128xf32>
    %dot_general3A_401 = arith.constant dense<0.000000e+00> : vector<128x128xf32>
    %dot_general3A_402 = tpu.matmul %get3A_395, %get3A_400, %dot_general3A_401 {dimension_numbers = #tpu.dot_dimension_numbers<[1], [0], [0], [1], [0, 0, 1, 1], [], []>, transpose_lhs_hint = false} : vector<128x128xf32>, vector<128x128xf32>, vector<128x128xf32> -> vector<128x128xf32>
    %add3A_403 = arith.addf %add3A_390, %dot_general3A_402 : vector<128x128xf32>
    %get3A_404 = arith.constant 0 : index
    %get3A_405 = arith.constant 31 : index
    %get3A_406 = arith.constant 0 : index
    %get3A_407 = vector.load %arg0[%get3A_404, %get3A_405, %get3A_406] : memref<128x60x128xf32, #tpu.memory_space<vmem>>, vector<128x1x128xf32>
    %get3A_408 = vector.shape_cast %get3A_407 : vector<128x1x128xf32> to vector<128x128xf32>
    %get3A_409 = arith.constant 31 : index
    %get3A_410 = arith.constant 0 : index
    %get3A_411 = arith.constant 0 : index
    %get3A_412 = vector.load %arg1[%get3A_409, %get3A_410, %get3A_411] : memref<60x128x128xf32, #tpu.memory_space<vmem>>, vector<1x128x128xf32>
    %get3A_413 = vector.shape_cast %get3A_412 : vector<1x128x128xf32> to vector<128x128xf32>
    %dot_general3A_414 = arith.constant dense<0.000000e+00> : vector<128x128xf32>
    %dot_general3A_415 = tpu.matmul %get3A_408, %get3A_413, %dot_general3A_414 {dimension_numbers = #tpu.dot_dimension_numbers<[1], [0], [0], [1], [0, 0, 1, 1], [], []>, transpose_lhs_hint = false} : vector<128x128xf32>, vector<128x128xf32>, vector<128x128xf32> -> vector<128x128xf32>
    %add3A_416 = arith.addf %add3A_403, %dot_general3A_415 : vector<128x128xf32>
    %get3A_417 = arith.constant 0 : index
    %get3A_418 = arith.constant 32 : index
    %get3A_419 = arith.constant 0 : index
    %get3A_420 = vector.load %arg0[%get3A_417, %get3A_418, %get3A_419] : memref<128x60x128xf32, #tpu.memory_space<vmem>>, vector<128x1x128xf32>
    %get3A_421 = vector.shape_cast %get3A_420 : vector<128x1x128xf32> to vector<128x128xf32>
    %get3A_422 = arith.constant 32 : index
    %get3A_423 = arith.constant 0 : index
    %get3A_424 = arith.constant 0 : index
    %get3A_425 = vector.load %arg1[%get3A_422, %get3A_423, %get3A_424] : memref<60x128x128xf32, #tpu.memory_space<vmem>>, vector<1x128x128xf32>
    %get3A_426 = vector.shape_cast %get3A_425 : vector<1x128x128xf32> to vector<128x128xf32>
    %dot_general3A_427 = arith.constant dense<0.000000e+00> : vector<128x128xf32>
    %dot_general3A_428 = tpu.matmul %get3A_421, %get3A_426, %dot_general3A_427 {dimension_numbers = #tpu.dot_dimension_numbers<[1], [0], [0], [1], [0, 0, 1, 1], [], []>, transpose_lhs_hint = false} : vector<128x128xf32>, vector<128x128xf32>, vector<128x128xf32> -> vector<128x128xf32>
    %add3A_429 = arith.addf %add3A_416, %dot_general3A_428 : vector<128x128xf32>
    %get3A_430 = arith.constant 0 : index
    %get3A_431 = arith.constant 33 : index
    %get3A_432 = arith.constant 0 : index
    %get3A_433 = vector.load %arg0[%get3A_430, %get3A_431, %get3A_432] : memref<128x60x128xf32, #tpu.memory_space<vmem>>, vector<128x1x128xf32>
    %get3A_434 = vector.shape_cast %get3A_433 : vector<128x1x128xf32> to vector<128x128xf32>
    %get3A_435 = arith.constant 33 : index
    %get3A_436 = arith.constant 0 : index
    %get3A_437 = arith.constant 0 : index
    %get3A_438 = vector.load %arg1[%get3A_435, %get3A_436, %get3A_437] : memref<60x128x128xf32, #tpu.memory_space<vmem>>, vector<1x128x128xf32>
    %get3A_439 = vector.shape_cast %get3A_438 : vector<1x128x128xf32> to vector<128x128xf32>
    %dot_general3A_440 = arith.constant dense<0.000000e+00> : vector<128x128xf32>
    %dot_general3A_441 = tpu.matmul %get3A_434, %get3A_439, %dot_general3A_440 {dimension_numbers = #tpu.dot_dimension_numbers<[1], [0], [0], [1], [0, 0, 1, 1], [], []>, transpose_lhs_hint = false} : vector<128x128xf32>, vector<128x128xf32>, vector<128x128xf32> -> vector<128x128xf32>
    %add3A_442 = arith.addf %add3A_429, %dot_general3A_441 : vector<128x128xf32>
    %get3A_443 = arith.constant 0 : index
    %get3A_444 = arith.constant 34 : index
    %get3A_445 = arith.constant 0 : index
    %get3A_446 = vector.load %arg0[%get3A_443, %get3A_444, %get3A_445] : memref<128x60x128xf32, #tpu.memory_space<vmem>>, vector<128x1x128xf32>
    %get3A_447 = vector.shape_cast %get3A_446 : vector<128x1x128xf32> to vector<128x128xf32>
    %get3A_448 = arith.constant 34 : index
    %get3A_449 = arith.constant 0 : index
    %get3A_450 = arith.constant 0 : index
    %get3A_451 = vector.load %arg1[%get3A_448, %get3A_449, %get3A_450] : memref<60x128x128xf32, #tpu.memory_space<vmem>>, vector<1x128x128xf32>
    %get3A_452 = vector.shape_cast %get3A_451 : vector<1x128x128xf32> to vector<128x128xf32>
    %dot_general3A_453 = arith.constant dense<0.000000e+00> : vector<128x128xf32>
    %dot_general3A_454 = tpu.matmul %get3A_447, %get3A_452, %dot_general3A_453 {dimension_numbers = #tpu.dot_dimension_numbers<[1], [0], [0], [1], [0, 0, 1, 1], [], []>, transpose_lhs_hint = false} : vector<128x128xf32>, vector<128x128xf32>, vector<128x128xf32> -> vector<128x128xf32>
    %add3A_455 = arith.addf %add3A_442, %dot_general3A_454 : vector<128x128xf32>
    %get3A_456 = arith.constant 0 : index
    %get3A_457 = arith.constant 35 : index
    %get3A_458 = arith.constant 0 : index
    %get3A_459 = vector.load %arg0[%get3A_456, %get3A_457, %get3A_458] : memref<128x60x128xf32, #tpu.memory_space<vmem>>, vector<128x1x128xf32>
    %get3A_460 = vector.shape_cast %get3A_459 : vector<128x1x128xf32> to vector<128x128xf32>
    %get3A_461 = arith.constant 35 : index
    %get3A_462 = arith.constant 0 : index
    %get3A_463 = arith.constant 0 : index
    %get3A_464 = vector.load %arg1[%get3A_461, %get3A_462, %get3A_463] : memref<60x128x128xf32, #tpu.memory_space<vmem>>, vector<1x128x128xf32>
    %get3A_465 = vector.shape_cast %get3A_464 : vector<1x128x128xf32> to vector<128x128xf32>
    %dot_general3A_466 = arith.constant dense<0.000000e+00> : vector<128x128xf32>
    %dot_general3A_467 = tpu.matmul %get3A_460, %get3A_465, %dot_general3A_466 {dimension_numbers = #tpu.dot_dimension_numbers<[1], [0], [0], [1], [0, 0, 1, 1], [], []>, transpose_lhs_hint = false} : vector<128x128xf32>, vector<128x128xf32>, vector<128x128xf32> -> vector<128x128xf32>
    %add3A_468 = arith.addf %add3A_455, %dot_general3A_467 : vector<128x128xf32>
    %get3A_469 = arith.constant 0 : index
    %get3A_470 = arith.constant 36 : index
    %get3A_471 = arith.constant 0 : index
    %get3A_472 = vector.load %arg0[%get3A_469, %get3A_470, %get3A_471] : memref<128x60x128xf32, #tpu.memory_space<vmem>>, vector<128x1x128xf32>
    %get3A_473 = vector.shape_cast %get3A_472 : vector<128x1x128xf32> to vector<128x128xf32>
    %get3A_474 = arith.constant 36 : index
    %get3A_475 = arith.constant 0 : index
    %get3A_476 = arith.constant 0 : index
    %get3A_477 = vector.load %arg1[%get3A_474, %get3A_475, %get3A_476] : memref<60x128x128xf32, #tpu.memory_space<vmem>>, vector<1x128x128xf32>
    %get3A_478 = vector.shape_cast %get3A_477 : vector<1x128x128xf32> to vector<128x128xf32>
    %dot_general3A_479 = arith.constant dense<0.000000e+00> : vector<128x128xf32>
    %dot_general3A_480 = tpu.matmul %get3A_473, %get3A_478, %dot_general3A_479 {dimension_numbers = #tpu.dot_dimension_numbers<[1], [0], [0], [1], [0, 0, 1, 1], [], []>, transpose_lhs_hint = false} : vector<128x128xf32>, vector<128x128xf32>, vector<128x128xf32> -> vector<128x128xf32>
    %add3A_481 = arith.addf %add3A_468, %dot_general3A_480 : vector<128x128xf32>
    %get3A_482 = arith.constant 0 : index
    %get3A_483 = arith.constant 37 : index
    %get3A_484 = arith.constant 0 : index
    %get3A_485 = vector.load %arg0[%get3A_482, %get3A_483, %get3A_484] : memref<128x60x128xf32, #tpu.memory_space<vmem>>, vector<128x1x128xf32>
    %get3A_486 = vector.shape_cast %get3A_485 : vector<128x1x128xf32> to vector<128x128xf32>
    %get3A_487 = arith.constant 37 : index
    %get3A_488 = arith.constant 0 : index
    %get3A_489 = arith.constant 0 : index
    %get3A_490 = vector.load %arg1[%get3A_487, %get3A_488, %get3A_489] : memref<60x128x128xf32, #tpu.memory_space<vmem>>, vector<1x128x128xf32>
    %get3A_491 = vector.shape_cast %get3A_490 : vector<1x128x128xf32> to vector<128x128xf32>
    %dot_general3A_492 = arith.constant dense<0.000000e+00> : vector<128x128xf32>
    %dot_general3A_493 = tpu.matmul %get3A_486, %get3A_491, %dot_general3A_492 {dimension_numbers = #tpu.dot_dimension_numbers<[1], [0], [0], [1], [0, 0, 1, 1], [], []>, transpose_lhs_hint = false} : vector<128x128xf32>, vector<128x128xf32>, vector<128x128xf32> -> vector<128x128xf32>
    %add3A_494 = arith.addf %add3A_481, %dot_general3A_493 : vector<128x128xf32>
    %get3A_495 = arith.constant 0 : index
    %get3A_496 = arith.constant 38 : index
    %get3A_497 = arith.constant 0 : index
    %get3A_498 = vector.load %arg0[%get3A_495, %get3A_496, %get3A_497] : memref<128x60x128xf32, #tpu.memory_space<vmem>>, vector<128x1x128xf32>
    %get3A_499 = vector.shape_cast %get3A_498 : vector<128x1x128xf32> to vector<128x128xf32>
    %get3A_500 = arith.constant 38 : index
    %get3A_501 = arith.constant 0 : index
    %get3A_502 = arith.constant 0 : index
    %get3A_503 = vector.load %arg1[%get3A_500, %get3A_501, %get3A_502] : memref<60x128x128xf32, #tpu.memory_space<vmem>>, vector<1x128x128xf32>
    %get3A_504 = vector.shape_cast %get3A_503 : vector<1x128x128xf32> to vector<128x128xf32>
    %dot_general3A_505 = arith.constant dense<0.000000e+00> : vector<128x128xf32>
    %dot_general3A_506 = tpu.matmul %get3A_499, %get3A_504, %dot_general3A_505 {dimension_numbers = #tpu.dot_dimension_numbers<[1], [0], [0], [1], [0, 0, 1, 1], [], []>, transpose_lhs_hint = false} : vector<128x128xf32>, vector<128x128xf32>, vector<128x128xf32> -> vector<128x128xf32>
    %add3A_507 = arith.addf %add3A_494, %dot_general3A_506 : vector<128x128xf32>
    %get3A_508 = arith.constant 0 : index
    %get3A_509 = arith.constant 39 : index
    %get3A_510 = arith.constant 0 : index
    %get3A_511 = vector.load %arg0[%get3A_508, %get3A_509, %get3A_510] : memref<128x60x128xf32, #tpu.memory_space<vmem>>, vector<128x1x128xf32>
    %get3A_512 = vector.shape_cast %get3A_511 : vector<128x1x128xf32> to vector<128x128xf32>
    %get3A_513 = arith.constant 39 : index
    %get3A_514 = arith.constant 0 : index
    %get3A_515 = arith.constant 0 : index
    %get3A_516 = vector.load %arg1[%get3A_513, %get3A_514, %get3A_515] : memref<60x128x128xf32, #tpu.memory_space<vmem>>, vector<1x128x128xf32>
    %get3A_517 = vector.shape_cast %get3A_516 : vector<1x128x128xf32> to vector<128x128xf32>
    %dot_general3A_518 = arith.constant dense<0.000000e+00> : vector<128x128xf32>
    %dot_general3A_519 = tpu.matmul %get3A_512, %get3A_517, %dot_general3A_518 {dimension_numbers = #tpu.dot_dimension_numbers<[1], [0], [0], [1], [0, 0, 1, 1], [], []>, transpose_lhs_hint = false} : vector<128x128xf32>, vector<128x128xf32>, vector<128x128xf32> -> vector<128x128xf32>
    %add3A_520 = arith.addf %add3A_507, %dot_general3A_519 : vector<128x128xf32>
    %get3A_521 = arith.constant 0 : index
    %get3A_522 = arith.constant 40 : index
    %get3A_523 = arith.constant 0 : index
    %get3A_524 = vector.load %arg0[%get3A_521, %get3A_522, %get3A_523] : memref<128x60x128xf32, #tpu.memory_space<vmem>>, vector<128x1x128xf32>
    %get3A_525 = vector.shape_cast %get3A_524 : vector<128x1x128xf32> to vector<128x128xf32>
    %get3A_526 = arith.constant 40 : index
    %get3A_527 = arith.constant 0 : index
    %get3A_528 = arith.constant 0 : index
    %get3A_529 = vector.load %arg1[%get3A_526, %get3A_527, %get3A_528] : memref<60x128x128xf32, #tpu.memory_space<vmem>>, vector<1x128x128xf32>
    %get3A_530 = vector.shape_cast %get3A_529 : vector<1x128x128xf32> to vector<128x128xf32>
    %dot_general3A_531 = arith.constant dense<0.000000e+00> : vector<128x128xf32>
    %dot_general3A_532 = tpu.matmul %get3A_525, %get3A_530, %dot_general3A_531 {dimension_numbers = #tpu.dot_dimension_numbers<[1], [0], [0], [1], [0, 0, 1, 1], [], []>, transpose_lhs_hint = false} : vector<128x128xf32>, vector<128x128xf32>, vector<128x128xf32> -> vector<128x128xf32>
    %add3A_533 = arith.addf %add3A_520, %dot_general3A_532 : vector<128x128xf32>
    %get3A_534 = arith.constant 0 : index
    %get3A_535 = arith.constant 41 : index
    %get3A_536 = arith.constant 0 : index
    %get3A_537 = vector.load %arg0[%get3A_534, %get3A_535, %get3A_536] : memref<128x60x128xf32, #tpu.memory_space<vmem>>, vector<128x1x128xf32>
    %get3A_538 = vector.shape_cast %get3A_537 : vector<128x1x128xf32> to vector<128x128xf32>
    %get3A_539 = arith.constant 41 : index
    %get3A_540 = arith.constant 0 : index
    %get3A_541 = arith.constant 0 : index
    %get3A_542 = vector.load %arg1[%get3A_539, %get3A_540, %get3A_541] : memref<60x128x128xf32, #tpu.memory_space<vmem>>, vector<1x128x128xf32>
    %get3A_543 = vector.shape_cast %get3A_542 : vector<1x128x128xf32> to vector<128x128xf32>
    %dot_general3A_544 = arith.constant dense<0.000000e+00> : vector<128x128xf32>
    %dot_general3A_545 = tpu.matmul %get3A_538, %get3A_543, %dot_general3A_544 {dimension_numbers = #tpu.dot_dimension_numbers<[1], [0], [0], [1], [0, 0, 1, 1], [], []>, transpose_lhs_hint = false} : vector<128x128xf32>, vector<128x128xf32>, vector<128x128xf32> -> vector<128x128xf32>
    %add3A_546 = arith.addf %add3A_533, %dot_general3A_545 : vector<128x128xf32>
    %get3A_547 = arith.constant 0 : index
    %get3A_548 = arith.constant 42 : index
    %get3A_549 = arith.constant 0 : index
    %get3A_550 = vector.load %arg0[%get3A_547, %get3A_548, %get3A_549] : memref<128x60x128xf32, #tpu.memory_space<vmem>>, vector<128x1x128xf32>
    %get3A_551 = vector.shape_cast %get3A_550 : vector<128x1x128xf32> to vector<128x128xf32>
    %get3A_552 = arith.constant 42 : index
    %get3A_553 = arith.constant 0 : index
    %get3A_554 = arith.constant 0 : index
    %get3A_555 = vector.load %arg1[%get3A_552, %get3A_553, %get3A_554] : memref<60x128x128xf32, #tpu.memory_space<vmem>>, vector<1x128x128xf32>
    %get3A_556 = vector.shape_cast %get3A_555 : vector<1x128x128xf32> to vector<128x128xf32>
    %dot_general3A_557 = arith.constant dense<0.000000e+00> : vector<128x128xf32>
    %dot_general3A_558 = tpu.matmul %get3A_551, %get3A_556, %dot_general3A_557 {dimension_numbers = #tpu.dot_dimension_numbers<[1], [0], [0], [1], [0, 0, 1, 1], [], []>, transpose_lhs_hint = false} : vector<128x128xf32>, vector<128x128xf32>, vector<128x128xf32> -> vector<128x128xf32>
    %add3A_559 = arith.addf %add3A_546, %dot_general3A_558 : vector<128x128xf32>
    %get3A_560 = arith.constant 0 : index
    %get3A_561 = arith.constant 43 : index
    %get3A_562 = arith.constant 0 : index
    %get3A_563 = vector.load %arg0[%get3A_560, %get3A_561, %get3A_562] : memref<128x60x128xf32, #tpu.memory_space<vmem>>, vector<128x1x128xf32>
    %get3A_564 = vector.shape_cast %get3A_563 : vector<128x1x128xf32> to vector<128x128xf32>
    %get3A_565 = arith.constant 43 : index
    %get3A_566 = arith.constant 0 : index
    %get3A_567 = arith.constant 0 : index
    %get3A_568 = vector.load %arg1[%get3A_565, %get3A_566, %get3A_567] : memref<60x128x128xf32, #tpu.memory_space<vmem>>, vector<1x128x128xf32>
    %get3A_569 = vector.shape_cast %get3A_568 : vector<1x128x128xf32> to vector<128x128xf32>
    %dot_general3A_570 = arith.constant dense<0.000000e+00> : vector<128x128xf32>
    %dot_general3A_571 = tpu.matmul %get3A_564, %get3A_569, %dot_general3A_570 {dimension_numbers = #tpu.dot_dimension_numbers<[1], [0], [0], [1], [0, 0, 1, 1], [], []>, transpose_lhs_hint = false} : vector<128x128xf32>, vector<128x128xf32>, vector<128x128xf32> -> vector<128x128xf32>
    %add3A_572 = arith.addf %add3A_559, %dot_general3A_571 : vector<128x128xf32>
    %get3A_573 = arith.constant 0 : index
    %get3A_574 = arith.constant 44 : index
    %get3A_575 = arith.constant 0 : index
    %get3A_576 = vector.load %arg0[%get3A_573, %get3A_574, %get3A_575] : memref<128x60x128xf32, #tpu.memory_space<vmem>>, vector<128x1x128xf32>
    %get3A_577 = vector.shape_cast %get3A_576 : vector<128x1x128xf32> to vector<128x128xf32>
    %get3A_578 = arith.constant 44 : index
    %get3A_579 = arith.constant 0 : index
    %get3A_580 = arith.constant 0 : index
    %get3A_581 = vector.load %arg1[%get3A_578, %get3A_579, %get3A_580] : memref<60x128x128xf32, #tpu.memory_space<vmem>>, vector<1x128x128xf32>
    %get3A_582 = vector.shape_cast %get3A_581 : vector<1x128x128xf32> to vector<128x128xf32>
    %dot_general3A_583 = arith.constant dense<0.000000e+00> : vector<128x128xf32>
    %dot_general3A_584 = tpu.matmul %get3A_577, %get3A_582, %dot_general3A_583 {dimension_numbers = #tpu.dot_dimension_numbers<[1], [0], [0], [1], [0, 0, 1, 1], [], []>, transpose_lhs_hint = false} : vector<128x128xf32>, vector<128x128xf32>, vector<128x128xf32> -> vector<128x128xf32>
    %add3A_585 = arith.addf %add3A_572, %dot_general3A_584 : vector<128x128xf32>
    %get3A_586 = arith.constant 0 : index
    %get3A_587 = arith.constant 45 : index
    %get3A_588 = arith.constant 0 : index
    %get3A_589 = vector.load %arg0[%get3A_586, %get3A_587, %get3A_588] : memref<128x60x128xf32, #tpu.memory_space<vmem>>, vector<128x1x128xf32>
    %get3A_590 = vector.shape_cast %get3A_589 : vector<128x1x128xf32> to vector<128x128xf32>
    %get3A_591 = arith.constant 45 : index
    %get3A_592 = arith.constant 0 : index
    %get3A_593 = arith.constant 0 : index
    %get3A_594 = vector.load %arg1[%get3A_591, %get3A_592, %get3A_593] : memref<60x128x128xf32, #tpu.memory_space<vmem>>, vector<1x128x128xf32>
    %get3A_595 = vector.shape_cast %get3A_594 : vector<1x128x128xf32> to vector<128x128xf32>
    %dot_general3A_596 = arith.constant dense<0.000000e+00> : vector<128x128xf32>
    %dot_general3A_597 = tpu.matmul %get3A_590, %get3A_595, %dot_general3A_596 {dimension_numbers = #tpu.dot_dimension_numbers<[1], [0], [0], [1], [0, 0, 1, 1], [], []>, transpose_lhs_hint = false} : vector<128x128xf32>, vector<128x128xf32>, vector<128x128xf32> -> vector<128x128xf32>
    %add3A_598 = arith.addf %add3A_585, %dot_general3A_597 : vector<128x128xf32>
    %get3A_599 = arith.constant 0 : index
    %get3A_600 = arith.constant 46 : index
    %get3A_601 = arith.constant 0 : index
    %get3A_602 = vector.load %arg0[%get3A_599, %get3A_600, %get3A_601] : memref<128x60x128xf32, #tpu.memory_space<vmem>>, vector<128x1x128xf32>
    %get3A_603 = vector.shape_cast %get3A_602 : vector<128x1x128xf32> to vector<128x128xf32>
    %get3A_604 = arith.constant 46 : index
    %get3A_605 = arith.constant 0 : index
    %get3A_606 = arith.constant 0 : index
    %get3A_607 = vector.load %arg1[%get3A_604, %get3A_605, %get3A_606] : memref<60x128x128xf32, #tpu.memory_space<vmem>>, vector<1x128x128xf32>
    %get3A_608 = vector.shape_cast %get3A_607 : vector<1x128x128xf32> to vector<128x128xf32>
    %dot_general3A_609 = arith.constant dense<0.000000e+00> : vector<128x128xf32>
    %dot_general3A_610 = tpu.matmul %get3A_603, %get3A_608, %dot_general3A_609 {dimension_numbers = #tpu.dot_dimension_numbers<[1], [0], [0], [1], [0, 0, 1, 1], [], []>, transpose_lhs_hint = false} : vector<128x128xf32>, vector<128x128xf32>, vector<128x128xf32> -> vector<128x128xf32>
    %add3A_611 = arith.addf %add3A_598, %dot_general3A_610 : vector<128x128xf32>
    %get3A_612 = arith.constant 0 : index
    %get3A_613 = arith.constant 47 : index
    %get3A_614 = arith.constant 0 : index
    %get3A_615 = vector.load %arg0[%get3A_612, %get3A_613, %get3A_614] : memref<128x60x128xf32, #tpu.memory_space<vmem>>, vector<128x1x128xf32>
    %get3A_616 = vector.shape_cast %get3A_615 : vector<128x1x128xf32> to vector<128x128xf32>
    %get3A_617 = arith.constant 47 : index
    %get3A_618 = arith.constant 0 : index
    %get3A_619 = arith.constant 0 : index
    %get3A_620 = vector.load %arg1[%get3A_617, %get3A_618, %get3A_619] : memref<60x128x128xf32, #tpu.memory_space<vmem>>, vector<1x128x128xf32>
    %get3A_621 = vector.shape_cast %get3A_620 : vector<1x128x128xf32> to vector<128x128xf32>
    %dot_general3A_622 = arith.constant dense<0.000000e+00> : vector<128x128xf32>
    %dot_general3A_623 = tpu.matmul %get3A_616, %get3A_621, %dot_general3A_622 {dimension_numbers = #tpu.dot_dimension_numbers<[1], [0], [0], [1], [0, 0, 1, 1], [], []>, transpose_lhs_hint = false} : vector<128x128xf32>, vector<128x128xf32>, vector<128x128xf32> -> vector<128x128xf32>
    %add3A_624 = arith.addf %add3A_611, %dot_general3A_623 : vector<128x128xf32>
    %get3A_625 = arith.constant 0 : index
    %get3A_626 = arith.constant 48 : index
    %get3A_627 = arith.constant 0 : index
    %get3A_628 = vector.load %arg0[%get3A_625, %get3A_626, %get3A_627] : memref<128x60x128xf32, #tpu.memory_space<vmem>>, vector<128x1x128xf32>
    %get3A_629 = vector.shape_cast %get3A_628 : vector<128x1x128xf32> to vector<128x128xf32>
    %get3A_630 = arith.constant 48 : index
    %get3A_631 = arith.constant 0 : index
    %get3A_632 = arith.constant 0 : index
    %get3A_633 = vector.load %arg1[%get3A_630, %get3A_631, %get3A_632] : memref<60x128x128xf32, #tpu.memory_space<vmem>>, vector<1x128x128xf32>
    %get3A_634 = vector.shape_cast %get3A_633 : vector<1x128x128xf32> to vector<128x128xf32>
    %dot_general3A_635 = arith.constant dense<0.000000e+00> : vector<128x128xf32>
    %dot_general3A_636 = tpu.matmul %get3A_629, %get3A_634, %dot_general3A_635 {dimension_numbers = #tpu.dot_dimension_numbers<[1], [0], [0], [1], [0, 0, 1, 1], [], []>, transpose_lhs_hint = false} : vector<128x128xf32>, vector<128x128xf32>, vector<128x128xf32> -> vector<128x128xf32>
    %add3A_637 = arith.addf %add3A_624, %dot_general3A_636 : vector<128x128xf32>
    %get3A_638 = arith.constant 0 : index
    %get3A_639 = arith.constant 49 : index
    %get3A_640 = arith.constant 0 : index
    %get3A_641 = vector.load %arg0[%get3A_638, %get3A_639, %get3A_640] : memref<128x60x128xf32, #tpu.memory_space<vmem>>, vector<128x1x128xf32>
    %get3A_642 = vector.shape_cast %get3A_641 : vector<128x1x128xf32> to vector<128x128xf32>
    %get3A_643 = arith.constant 49 : index
    %get3A_644 = arith.constant 0 : index
    %get3A_645 = arith.constant 0 : index
    %get3A_646 = vector.load %arg1[%get3A_643, %get3A_644, %get3A_645] : memref<60x128x128xf32, #tpu.memory_space<vmem>>, vector<1x128x128xf32>
    %get3A_647 = vector.shape_cast %get3A_646 : vector<1x128x128xf32> to vector<128x128xf32>
    %dot_general3A_648 = arith.constant dense<0.000000e+00> : vector<128x128xf32>
    %dot_general3A_649 = tpu.matmul %get3A_642, %get3A_647, %dot_general3A_648 {dimension_numbers = #tpu.dot_dimension_numbers<[1], [0], [0], [1], [0, 0, 1, 1], [], []>, transpose_lhs_hint = false} : vector<128x128xf32>, vector<128x128xf32>, vector<128x128xf32> -> vector<128x128xf32>
    %add3A_650 = arith.addf %add3A_637, %dot_general3A_649 : vector<128x128xf32>
    %get3A_651 = arith.constant 0 : index
    %get3A_652 = arith.constant 50 : index
    %get3A_653 = arith.constant 0 : index
    %get3A_654 = vector.load %arg0[%get3A_651, %get3A_652, %get3A_653] : memref<128x60x128xf32, #tpu.memory_space<vmem>>, vector<128x1x128xf32>
    %get3A_655 = vector.shape_cast %get3A_654 : vector<128x1x128xf32> to vector<128x128xf32>
    %get3A_656 = arith.constant 50 : index
    %get3A_657 = arith.constant 0 : index
    %get3A_658 = arith.constant 0 : index
    %get3A_659 = vector.load %arg1[%get3A_656, %get3A_657, %get3A_658] : memref<60x128x128xf32, #tpu.memory_space<vmem>>, vector<1x128x128xf32>
    %get3A_660 = vector.shape_cast %get3A_659 : vector<1x128x128xf32> to vector<128x128xf32>
    %dot_general3A_661 = arith.constant dense<0.000000e+00> : vector<128x128xf32>
    %dot_general3A_662 = tpu.matmul %get3A_655, %get3A_660, %dot_general3A_661 {dimension_numbers = #tpu.dot_dimension_numbers<[1], [0], [0], [1], [0, 0, 1, 1], [], []>, transpose_lhs_hint = false} : vector<128x128xf32>, vector<128x128xf32>, vector<128x128xf32> -> vector<128x128xf32>
    %add3A_663 = arith.addf %add3A_650, %dot_general3A_662 : vector<128x128xf32>
    %get3A_664 = arith.constant 0 : index
    %get3A_665 = arith.constant 51 : index
    %get3A_666 = arith.constant 0 : index
    %get3A_667 = vector.load %arg0[%get3A_664, %get3A_665, %get3A_666] : memref<128x60x128xf32, #tpu.memory_space<vmem>>, vector<128x1x128xf32>
    %get3A_668 = vector.shape_cast %get3A_667 : vector<128x1x128xf32> to vector<128x128xf32>
    %get3A_669 = arith.constant 51 : index
    %get3A_670 = arith.constant 0 : index
    %get3A_671 = arith.constant 0 : index
    %get3A_672 = vector.load %arg1[%get3A_669, %get3A_670, %get3A_671] : memref<60x128x128xf32, #tpu.memory_space<vmem>>, vector<1x128x128xf32>
    %get3A_673 = vector.shape_cast %get3A_672 : vector<1x128x128xf32> to vector<128x128xf32>
    %dot_general3A_674 = arith.constant dense<0.000000e+00> : vector<128x128xf32>
    %dot_general3A_675 = tpu.matmul %get3A_668, %get3A_673, %dot_general3A_674 {dimension_numbers = #tpu.dot_dimension_numbers<[1], [0], [0], [1], [0, 0, 1, 1], [], []>, transpose_lhs_hint = false} : vector<128x128xf32>, vector<128x128xf32>, vector<128x128xf32> -> vector<128x128xf32>
    %add3A_676 = arith.addf %add3A_663, %dot_general3A_675 : vector<128x128xf32>
    %get3A_677 = arith.constant 0 : index
    %get3A_678 = arith.constant 52 : index
    %get3A_679 = arith.constant 0 : index
    %get3A_680 = vector.load %arg0[%get3A_677, %get3A_678, %get3A_679] : memref<128x60x128xf32, #tpu.memory_space<vmem>>, vector<128x1x128xf32>
    %get3A_681 = vector.shape_cast %get3A_680 : vector<128x1x128xf32> to vector<128x128xf32>
    %get3A_682 = arith.constant 52 : index
    %get3A_683 = arith.constant 0 : index
    %get3A_684 = arith.constant 0 : index
    %get3A_685 = vector.load %arg1[%get3A_682, %get3A_683, %get3A_684] : memref<60x128x128xf32, #tpu.memory_space<vmem>>, vector<1x128x128xf32>
    %get3A_686 = vector.shape_cast %get3A_685 : vector<1x128x128xf32> to vector<128x128xf32>
    %dot_general3A_687 = arith.constant dense<0.000000e+00> : vector<128x128xf32>
    %dot_general3A_688 = tpu.matmul %get3A_681, %get3A_686, %dot_general3A_687 {dimension_numbers = #tpu.dot_dimension_numbers<[1], [0], [0], [1], [0, 0, 1, 1], [], []>, transpose_lhs_hint = false} : vector<128x128xf32>, vector<128x128xf32>, vector<128x128xf32> -> vector<128x128xf32>
    %add3A_689 = arith.addf %add3A_676, %dot_general3A_688 : vector<128x128xf32>
    %get3A_690 = arith.constant 0 : index
    %get3A_691 = arith.constant 53 : index
    %get3A_692 = arith.constant 0 : index
    %get3A_693 = vector.load %arg0[%get3A_690, %get3A_691, %get3A_692] : memref<128x60x128xf32, #tpu.memory_space<vmem>>, vector<128x1x128xf32>
    %get3A_694 = vector.shape_cast %get3A_693 : vector<128x1x128xf32> to vector<128x128xf32>
    %get3A_695 = arith.constant 53 : index
    %get3A_696 = arith.constant 0 : index
    %get3A_697 = arith.constant 0 : index
    %get3A_698 = vector.load %arg1[%get3A_695, %get3A_696, %get3A_697] : memref<60x128x128xf32, #tpu.memory_space<vmem>>, vector<1x128x128xf32>
    %get3A_699 = vector.shape_cast %get3A_698 : vector<1x128x128xf32> to vector<128x128xf32>
    %dot_general3A_700 = arith.constant dense<0.000000e+00> : vector<128x128xf32>
    %dot_general3A_701 = tpu.matmul %get3A_694, %get3A_699, %dot_general3A_700 {dimension_numbers = #tpu.dot_dimension_numbers<[1], [0], [0], [1], [0, 0, 1, 1], [], []>, transpose_lhs_hint = false} : vector<128x128xf32>, vector<128x128xf32>, vector<128x128xf32> -> vector<128x128xf32>
    %add3A_702 = arith.addf %add3A_689, %dot_general3A_701 : vector<128x128xf32>
    %get3A_703 = arith.constant 0 : index
    %get3A_704 = arith.constant 54 : index
    %get3A_705 = arith.constant 0 : index
    %get3A_706 = vector.load %arg0[%get3A_703, %get3A_704, %get3A_705] : memref<128x60x128xf32, #tpu.memory_space<vmem>>, vector<128x1x128xf32>
    %get3A_707 = vector.shape_cast %get3A_706 : vector<128x1x128xf32> to vector<128x128xf32>
    %get3A_708 = arith.constant 54 : index
    %get3A_709 = arith.constant 0 : index
    %get3A_710 = arith.constant 0 : index
    %get3A_711 = vector.load %arg1[%get3A_708, %get3A_709, %get3A_710] : memref<60x128x128xf32, #tpu.memory_space<vmem>>, vector<1x128x128xf32>
    %get3A_712 = vector.shape_cast %get3A_711 : vector<1x128x128xf32> to vector<128x128xf32>
    %dot_general3A_713 = arith.constant dense<0.000000e+00> : vector<128x128xf32>
    %dot_general3A_714 = tpu.matmul %get3A_707, %get3A_712, %dot_general3A_713 {dimension_numbers = #tpu.dot_dimension_numbers<[1], [0], [0], [1], [0, 0, 1, 1], [], []>, transpose_lhs_hint = false} : vector<128x128xf32>, vector<128x128xf32>, vector<128x128xf32> -> vector<128x128xf32>
    %add3A_715 = arith.addf %add3A_702, %dot_general3A_714 : vector<128x128xf32>
    %get3A_716 = arith.constant 0 : index
    %get3A_717 = arith.constant 55 : index
    %get3A_718 = arith.constant 0 : index
    %get3A_719 = vector.load %arg0[%get3A_716, %get3A_717, %get3A_718] : memref<128x60x128xf32, #tpu.memory_space<vmem>>, vector<128x1x128xf32>
    %get3A_720 = vector.shape_cast %get3A_719 : vector<128x1x128xf32> to vector<128x128xf32>
    %get3A_721 = arith.constant 55 : index
    %get3A_722 = arith.constant 0 : index
    %get3A_723 = arith.constant 0 : index
    %get3A_724 = vector.load %arg1[%get3A_721, %get3A_722, %get3A_723] : memref<60x128x128xf32, #tpu.memory_space<vmem>>, vector<1x128x128xf32>
    %get3A_725 = vector.shape_cast %get3A_724 : vector<1x128x128xf32> to vector<128x128xf32>
    %dot_general3A_726 = arith.constant dense<0.000000e+00> : vector<128x128xf32>
    %dot_general3A_727 = tpu.matmul %get3A_720, %get3A_725, %dot_general3A_726 {dimension_numbers = #tpu.dot_dimension_numbers<[1], [0], [0], [1], [0, 0, 1, 1], [], []>, transpose_lhs_hint = false} : vector<128x128xf32>, vector<128x128xf32>, vector<128x128xf32> -> vector<128x128xf32>
    %add3A_728 = arith.addf %add3A_715, %dot_general3A_727 : vector<128x128xf32>
    %get3A_729 = arith.constant 0 : index
    %get3A_730 = arith.constant 56 : index
    %get3A_731 = arith.constant 0 : index
    %get3A_732 = vector.load %arg0[%get3A_729, %get3A_730, %get3A_731] : memref<128x60x128xf32, #tpu.memory_space<vmem>>, vector<128x1x128xf32>
    %get3A_733 = vector.shape_cast %get3A_732 : vector<128x1x128xf32> to vector<128x128xf32>
    %get3A_734 = arith.constant 56 : index
    %get3A_735 = arith.constant 0 : index
    %get3A_736 = arith.constant 0 : index
    %get3A_737 = vector.load %arg1[%get3A_734, %get3A_735, %get3A_736] : memref<60x128x128xf32, #tpu.memory_space<vmem>>, vector<1x128x128xf32>
    %get3A_738 = vector.shape_cast %get3A_737 : vector<1x128x128xf32> to vector<128x128xf32>
    %dot_general3A_739 = arith.constant dense<0.000000e+00> : vector<128x128xf32>
    %dot_general3A_740 = tpu.matmul %get3A_733, %get3A_738, %dot_general3A_739 {dimension_numbers = #tpu.dot_dimension_numbers<[1], [0], [0], [1], [0, 0, 1, 1], [], []>, transpose_lhs_hint = false} : vector<128x128xf32>, vector<128x128xf32>, vector<128x128xf32> -> vector<128x128xf32>
    %add3A_741 = arith.addf %add3A_728, %dot_general3A_740 : vector<128x128xf32>
    %get3A_742 = arith.constant 0 : index
    %get3A_743 = arith.constant 57 : index
    %get3A_744 = arith.constant 0 : index
    %get3A_745 = vector.load %arg0[%get3A_742, %get3A_743, %get3A_744] : memref<128x60x128xf32, #tpu.memory_space<vmem>>, vector<128x1x128xf32>
    %get3A_746 = vector.shape_cast %get3A_745 : vector<128x1x128xf32> to vector<128x128xf32>
    %get3A_747 = arith.constant 57 : index
    %get3A_748 = arith.constant 0 : index
    %get3A_749 = arith.constant 0 : index
    %get3A_750 = vector.load %arg1[%get3A_747, %get3A_748, %get3A_749] : memref<60x128x128xf32, #tpu.memory_space<vmem>>, vector<1x128x128xf32>
    %get3A_751 = vector.shape_cast %get3A_750 : vector<1x128x128xf32> to vector<128x128xf32>
    %dot_general3A_752 = arith.constant dense<0.000000e+00> : vector<128x128xf32>
    %dot_general3A_753 = tpu.matmul %get3A_746, %get3A_751, %dot_general3A_752 {dimension_numbers = #tpu.dot_dimension_numbers<[1], [0], [0], [1], [0, 0, 1, 1], [], []>, transpose_lhs_hint = false} : vector<128x128xf32>, vector<128x128xf32>, vector<128x128xf32> -> vector<128x128xf32>
    %add3A_754 = arith.addf %add3A_741, %dot_general3A_753 : vector<128x128xf32>
    %get3A_755 = arith.constant 0 : index
    %get3A_756 = arith.constant 58 : index
    %get3A_757 = arith.constant 0 : index
    %get3A_758 = vector.load %arg0[%get3A_755, %get3A_756, %get3A_757] : memref<128x60x128xf32, #tpu.memory_space<vmem>>, vector<128x1x128xf32>
    %get3A_759 = vector.shape_cast %get3A_758 : vector<128x1x128xf32> to vector<128x128xf32>
    %get3A_760 = arith.constant 58 : index
    %get3A_761 = arith.constant 0 : index
    %get3A_762 = arith.constant 0 : index
    %get3A_763 = vector.load %arg1[%get3A_760, %get3A_761, %get3A_762] : memref<60x128x128xf32, #tpu.memory_space<vmem>>, vector<1x128x128xf32>
    %get3A_764 = vector.shape_cast %get3A_763 : vector<1x128x128xf32> to vector<128x128xf32>
    %dot_general3A_765 = arith.constant dense<0.000000e+00> : vector<128x128xf32>
    %dot_general3A_766 = tpu.matmul %get3A_759, %get3A_764, %dot_general3A_765 {dimension_numbers = #tpu.dot_dimension_numbers<[1], [0], [0], [1], [0, 0, 1, 1], [], []>, transpose_lhs_hint = false} : vector<128x128xf32>, vector<128x128xf32>, vector<128x128xf32> -> vector<128x128xf32>
    %add3A_767 = arith.addf %add3A_754, %dot_general3A_766 : vector<128x128xf32>
    %get3A_768 = arith.constant 0 : index
    %get3A_769 = arith.constant 59 : index
    %get3A_770 = arith.constant 0 : index
    %get3A_771 = vector.load %arg0[%get3A_768, %get3A_769, %get3A_770] : memref<128x60x128xf32, #tpu.memory_space<vmem>>, vector<128x1x128xf32>
    %get3A_772 = vector.shape_cast %get3A_771 : vector<128x1x128xf32> to vector<128x128xf32>
    %get3A_773 = arith.constant 59 : index
    %get3A_774 = arith.constant 0 : index
    %get3A_775 = arith.constant 0 : index
    %get3A_776 = vector.load %arg1[%get3A_773, %get3A_774, %get3A_775] : memref<60x128x128xf32, #tpu.memory_space<vmem>>, vector<1x128x128xf32>
    %get3A_777 = vector.shape_cast %get3A_776 : vector<1x128x128xf32> to vector<128x128xf32>
    %dot_general3A_778 = arith.constant dense<0.000000e+00> : vector<128x128xf32>
    %dot_general3A_779 = tpu.matmul %get3A_772, %get3A_777, %dot_general3A_778 {dimension_numbers = #tpu.dot_dimension_numbers<[1], [0], [0], [1], [0, 0, 1, 1], [], []>, transpose_lhs_hint = false} : vector<128x128xf32>, vector<128x128xf32>, vector<128x128xf32> -> vector<128x128xf32>
    %add3A_780 = arith.addf %add3A_767, %dot_general3A_779 : vector<128x128xf32>
    %max3A = arith.constant 0.000000e+00 : f32
    %max3A_781 = vector.broadcast %max3A : f32 to vector<128x128xf32>
    %max3A_782 = arith.maximumf %add3A_780, %max3A_781 : vector<128x128xf32>
    %get3A_783 = arith.constant 0 : index
    %get3A_784 = arith.constant 0 : index
    %get3A_785 = vector.load %arg3[%get3A_783, %get3A_784] : memref<128x128xf32, #tpu.memory_space<vmem>>, vector<128x128xf32>
    %dot_general3A_786 = arith.constant dense<0.000000e+00> : vector<128x128xf32>
    %dot_general3A_787 = tpu.matmul %max3A_782, %get3A_785, %dot_general3A_786 {dimension_numbers = #tpu.dot_dimension_numbers<[1], [0], [0], [1], [0, 0, 1, 1], [], []>, transpose_lhs_hint = false} : vector<128x128xf32>, vector<128x128xf32>, vector<128x128xf32> -> vector<128x128xf32>
    %get3A_788 = arith.constant 0 : index
    %get3A_789 = arith.constant 0 : index
    %get3A_790 = vector.load %arg4[%get3A_788, %get3A_789] : memref<1x128xf32, #tpu.memory_space<vmem>>, vector<1x128xf32>
    %add3A_791 = vector.broadcast %get3A_790 : vector<1x128xf32> to vector<128x128xf32>
    %add3A_792 = arith.addf %dot_general3A_787, %add3A_791 : vector<128x128xf32>
    %max3A_793 = arith.constant 0.000000e+00 : f32
    %max3A_794 = vector.broadcast %max3A_793 : f32 to vector<128x128xf32>
    %max3A_795 = arith.maximumf %add3A_792, %max3A_794 : vector<128x128xf32>
    %get3A_796 = arith.constant 0 : index
    %get3A_797 = arith.constant 0 : index
    %get3A_798 = vector.load %arg5[%get3A_796, %get3A_797] : memref<128x2xf32, #tpu.memory_space<vmem>>, vector<128x2xf32>
    %dot_general3A_799 = arith.constant dense<0.000000e+00> : vector<128x2xf32>
    %dot_general3A_800 = tpu.matmul %max3A_795, %get3A_798, %dot_general3A_799 {dimension_numbers = #tpu.dot_dimension_numbers<[1], [0], [0], [1], [0, 0, 1, 1], [], []>, transpose_lhs_hint = false} : vector<128x128xf32>, vector<128x2xf32>, vector<128x2xf32> -> vector<128x2xf32>
    %get3A_801 = arith.constant 0 : index
    %get3A_802 = arith.constant 0 : index
    %get3A_803 = vector.load %arg6[%get3A_801, %get3A_802] : memref<1x2xf32, #tpu.memory_space<vmem>>, vector<1x2xf32>
    %add3A_804 = vector.broadcast %get3A_803 : vector<1x2xf32> to vector<128x2xf32>
    %add3A_805 = arith.addf %dot_general3A_800, %add3A_804 : vector<128x2xf32>
    %swap3A = arith.constant 0 : index
    %swap3A_806 = arith.constant 0 : index
    %swap3A_807 = vector.load %arg7[%swap3A, %swap3A_806] : memref<128x2xf32, #tpu.memory_space<vmem>>, vector<128x2xf32>
    tpu.vector_store %arg7[%swap3A, %swap3A_806], %add3A_805 {strides = array<i32>} : memref<128x2xf32, #tpu.memory_space<vmem>>, vector<128x2xf32>,
    return
  }
}

module attributes {stable_mosaic.version = 14 : i64} {
  func.func @_gcn_body(%arg0: i32, %arg1: memref<4x60x128xf32, #tpu.memory_space<vmem>>, %arg2: memref<4x4x64x64xf32, #tpu.memory_space<vmem>>, %arg3: memref<2x4x128x128xf32, #tpu.memory_space<vmem>>, %arg4: memref<2x4x128xf32, #tpu.memory_space<vmem>>, %arg5: memref<512x128xf32, #tpu.memory_space<vmem>>, %arg6: memref<1x128xf32, #tpu.memory_space<vmem>>, %arg7: memref<128x128xf32, #tpu.memory_space<vmem>>, %arg8: memref<1x128xf32, #tpu.memory_space<vmem>>, %arg9: memref<4x60x128xf32, #tpu.memory_space<vmem>>) attributes {dimension_semantics = [#tpu.dimension_semantics<arbitrary>], iteration_bounds = array<i64: 32>, scalar_prefetch = 0 : i64, scratch_operands = 0 : i64, tpu.core_type = #tpu.core_type<tc>, window_params = [{transform_indices = @transform_0, window_bounds = array<i64: 4, 60, 128>}, {transform_indices = @transform_1, window_bounds = array<i64: 4, 4, 64, 64>}, {pipeline_mode = #tpu.pipeline_mode<synchronous>, transform_indices = @transform_2, window_bounds = array<i64: 2, 4, 128, 128>}, {pipeline_mode = #tpu.pipeline_mode<synchronous>, transform_indices = @transform_3, window_bounds = array<i64: 2, 4, 128>}, {pipeline_mode = #tpu.pipeline_mode<synchronous>, transform_indices = @transform_4, window_bounds = array<i64: 512, 128>}, {pipeline_mode = #tpu.pipeline_mode<synchronous>, transform_indices = @transform_5, window_bounds = array<i64: 1, 128>}, {pipeline_mode = #tpu.pipeline_mode<synchronous>, transform_indices = @transform_6, window_bounds = array<i64: 128, 128>}, {pipeline_mode = #tpu.pipeline_mode<synchronous>, transform_indices = @transform_7, window_bounds = array<i64: 1, 128>}, {transform_indices = @transform_8, window_bounds = array<i64: 4, 60, 128>}]} {
    %broadcast_in_dim3A = arith.constant 0.000000e+00 : f32
    %broadcast_in_dim3A_0 = vector.broadcast %broadcast_in_dim3A : f32 to vector<4x128xf32>
    %get3A = arith.constant 0 : index
    %get3A_1 = arith.constant 0 : index
    %get3A_2 = arith.constant 0 : index
    %get3A_3 = vector.load %arg1[%get3A, %get3A_1, %get3A_2] : memref<4x60x128xf32, #tpu.memory_space<vmem>>, vector<1x60x128xf32>
    %get3A_4 = vector.shape_cast %get3A_3 : vector<1x60x128xf32> to vector<60x128xf32>
    %get3A_5 = arith.constant 1 : index
    %get3A_6 = arith.constant 0 : index
    %get3A_7 = arith.constant 0 : index
    %get3A_8 = vector.load %arg1[%get3A_5, %get3A_6, %get3A_7] : memref<4x60x128xf32, #tpu.memory_space<vmem>>, vector<1x60x128xf32>
    %get3A_9 = vector.shape_cast %get3A_8 : vector<1x60x128xf32> to vector<60x128xf32>
    %get3A_10 = arith.constant 2 : index
    %get3A_11 = arith.constant 0 : index
    %get3A_12 = arith.constant 0 : index
    %get3A_13 = vector.load %arg1[%get3A_10, %get3A_11, %get3A_12] : memref<4x60x128xf32, #tpu.memory_space<vmem>>, vector<1x60x128xf32>
    %get3A_14 = vector.shape_cast %get3A_13 : vector<1x60x128xf32> to vector<60x128xf32>
    %get3A_15 = arith.constant 3 : index
    %get3A_16 = arith.constant 0 : index
    %get3A_17 = arith.constant 0 : index
    %get3A_18 = vector.load %arg1[%get3A_15, %get3A_16, %get3A_17] : memref<4x60x128xf32, #tpu.memory_space<vmem>>, vector<1x60x128xf32>
    %get3A_19 = vector.shape_cast %get3A_18 : vector<1x60x128xf32> to vector<60x128xf32>
    %concatenate3A = tpu.concatenate %get3A_4, %broadcast_in_dim3A_0, %get3A_9, %broadcast_in_dim3A_0, %get3A_14, %broadcast_in_dim3A_0, %get3A_19, %broadcast_in_dim3A_0 in 0 : vector<60x128xf32>, vector<4x128xf32>, vector<60x128xf32>, vector<4x128xf32>, vector<60x128xf32>, vector<4x128xf32>, vector<60x128xf32>, vector<4x128xf32> -> vector<256x128xf32>
    %iota3A = tpu.iota {dimensions = array<i32: 0>} : vector<64x64xi32>
    %iota3A_20 = tpu.iota {dimensions = array<i32: 1>} : vector<64x64xi32>
    %eq3A = arith.cmpi eq, %iota3A, %iota3A_20 : vector<64x64xi32>
    %jit3A = arith.constant 1.000000e+00 : f32
    %jit3A_21 = arith.constant 0.000000e+00 : f32
    %broadcast_in_dim3A_22 = vector.broadcast %jit3A : f32 to vector<64x64xf32>
    %broadcast_in_dim3A_23 = vector.broadcast %jit3A_21 : f32 to vector<64x64xf32>
    %select_n3A = arith.select %eq3A, %broadcast_in_dim3A_22, %broadcast_in_dim3A_23 : vector<64x64xi1>, vector<64x64xf32>
    %get3A_24 = arith.constant 0 : index
    %get3A_25 = arith.constant 0 : index
    %get3A_26 = arith.constant 0 : index
    %get3A_27 = arith.constant 0 : index
    %get3A_28 = vector.load %arg2[%get3A_24, %get3A_25, %get3A_26, %get3A_27] : memref<4x4x64x64xf32, #tpu.memory_space<vmem>>, vector<1x1x64x64xf32>
    %get3A_29 = vector.shape_cast %get3A_28 : vector<1x1x64x64xf32> to vector<64x64xf32>
    %reduce_sum3A = arith.constant dense<0.000000e+00> : vector<64xf32>
    %reduce_sum3A_30 = vector.multi_reduction <add>, %get3A_29, %reduce_sum3A [1] : vector<64x64xf32> to vector<64xf32>
    %broadcast_in_dim3A_31 = vector.shape_cast %reduce_sum3A_30 : vector<64xf32> to vector<64x1xf32>
    %add3A = arith.constant 1.000000e+00 : f32
    %add3A_32 = vector.broadcast %add3A : f32 to vector<64x1xf32>
    %add3A_33 = arith.addf %broadcast_in_dim3A_31, %add3A_32 : vector<64x1xf32>
    %gt3A = arith.constant 0.000000e+00 : f32
    %gt3A_34 = vector.broadcast %gt3A : f32 to vector<64x1xf32>
    %gt3A_35 = arith.cmpf ogt, %add3A_33, %gt3A_34 : vector<64x1xf32>
    %gt3A_36 = arith.constant 0.000000e+00 : f32
    %gt3A_37 = vector.broadcast %gt3A_36 : f32 to vector<64x1xf32>
    %gt3A_38 = arith.cmpf ogt, %add3A_33, %gt3A_37 : vector<64x1xf32>
    %jit3A_39 = arith.constant 1.000000e+00 : f32
    %broadcast_in_dim3A_40 = vector.broadcast %jit3A_39 : f32 to vector<64x1xf32>
    %select_n3A_41 = arith.select %gt3A_38, %add3A_33, %broadcast_in_dim3A_40 : vector<64x1xi1>, vector<64x1xf32>
    %rsqrt3A = math.rsqrt %select_n3A_41 : vector<64x1xf32>
    %jit3A_42 = arith.constant 0.000000e+00 : f32
    %broadcast_in_dim3A_43 = vector.broadcast %jit3A_42 : f32 to vector<64x1xf32>
    %select_n3A_44 = arith.select %gt3A_35, %rsqrt3A, %broadcast_in_dim3A_43 : vector<64x1xi1>, vector<64x1xf32>
    %add3A_45 = arith.addf %get3A_29, %select_n3A : vector<64x64xf32>
    %convert_element_type3A = arith.truncf %add3A_45 : vector<64x64xf32> to vector<64x64xbf16>
    %get3A_46 = arith.constant 0 : index
    %get3A_47 = arith.constant 1 : index
    %get3A_48 = arith.constant 0 : index
    %get3A_49 = arith.constant 0 : index
    %get3A_50 = vector.load %arg2[%get3A_46, %get3A_47, %get3A_48, %get3A_49] : memref<4x4x64x64xf32, #tpu.memory_space<vmem>>, vector<1x1x64x64xf32>
    %get3A_51 = vector.shape_cast %get3A_50 : vector<1x1x64x64xf32> to vector<64x64xf32>
    %reduce_sum3A_52 = arith.constant dense<0.000000e+00> : vector<64xf32>
    %reduce_sum3A_53 = vector.multi_reduction <add>, %get3A_51, %reduce_sum3A_52 [1] : vector<64x64xf32> to vector<64xf32>
    %broadcast_in_dim3A_54 = vector.shape_cast %reduce_sum3A_53 : vector<64xf32> to vector<64x1xf32>
    %add3A_55 = arith.constant 1.000000e+00 : f32
    %add3A_56 = vector.broadcast %add3A_55 : f32 to vector<64x1xf32>
    %add3A_57 = arith.addf %broadcast_in_dim3A_54, %add3A_56 : vector<64x1xf32>
    %gt3A_58 = arith.constant 0.000000e+00 : f32
    %gt3A_59 = vector.broadcast %gt3A_58 : f32 to vector<64x1xf32>
    %gt3A_60 = arith.cmpf ogt, %add3A_57, %gt3A_59 : vector<64x1xf32>
    %gt3A_61 = arith.constant 0.000000e+00 : f32
    %gt3A_62 = vector.broadcast %gt3A_61 : f32 to vector<64x1xf32>
    %gt3A_63 = arith.cmpf ogt, %add3A_57, %gt3A_62 : vector<64x1xf32>
    %jit3A_64 = arith.constant 1.000000e+00 : f32
    %broadcast_in_dim3A_65 = vector.broadcast %jit3A_64 : f32 to vector<64x1xf32>
    %select_n3A_66 = arith.select %gt3A_63, %add3A_57, %broadcast_in_dim3A_65 : vector<64x1xi1>, vector<64x1xf32>
    %rsqrt3A_67 = math.rsqrt %select_n3A_66 : vector<64x1xf32>
    %jit3A_68 = arith.constant 0.000000e+00 : f32
    %broadcast_in_dim3A_69 = vector.broadcast %jit3A_68 : f32 to vector<64x1xf32>
    %select_n3A_70 = arith.select %gt3A_60, %rsqrt3A_67, %broadcast_in_dim3A_69 : vector<64x1xi1>, vector<64x1xf32>
    %add3A_71 = arith.addf %get3A_51, %select_n3A : vector<64x64xf32>
    %convert_element_type3A_72 = arith.truncf %add3A_71 : vector<64x64xf32> to vector<64x64xbf16>
    %get3A_73 = arith.constant 0 : index
    %get3A_74 = arith.constant 2 : index
    %get3A_75 = arith.constant 0 : index
    %get3A_76 = arith.constant 0 : index
    %get3A_77 = vector.load %arg2[%get3A_73, %get3A_74, %get3A_75, %get3A_76] : memref<4x4x64x64xf32, #tpu.memory_space<vmem>>, vector<1x1x64x64xf32>
    %get3A_78 = vector.shape_cast %get3A_77 : vector<1x1x64x64xf32> to vector<64x64xf32>
    %reduce_sum3A_79 = arith.constant dense<0.000000e+00> : vector<64xf32>
    %reduce_sum3A_80 = vector.multi_reduction <add>, %get3A_78, %reduce_sum3A_79 [1] : vector<64x64xf32> to vector<64xf32>
    %broadcast_in_dim3A_81 = vector.shape_cast %reduce_sum3A_80 : vector<64xf32> to vector<64x1xf32>
    %add3A_82 = arith.constant 1.000000e+00 : f32
    %add3A_83 = vector.broadcast %add3A_82 : f32 to vector<64x1xf32>
    %add3A_84 = arith.addf %broadcast_in_dim3A_81, %add3A_83 : vector<64x1xf32>
    %gt3A_85 = arith.constant 0.000000e+00 : f32
    %gt3A_86 = vector.broadcast %gt3A_85 : f32 to vector<64x1xf32>
    %gt3A_87 = arith.cmpf ogt, %add3A_84, %gt3A_86 : vector<64x1xf32>
    %gt3A_88 = arith.constant 0.000000e+00 : f32
    %gt3A_89 = vector.broadcast %gt3A_88 : f32 to vector<64x1xf32>
    %gt3A_90 = arith.cmpf ogt, %add3A_84, %gt3A_89 : vector<64x1xf32>
    %jit3A_91 = arith.constant 1.000000e+00 : f32
    %broadcast_in_dim3A_92 = vector.broadcast %jit3A_91 : f32 to vector<64x1xf32>
    %select_n3A_93 = arith.select %gt3A_90, %add3A_84, %broadcast_in_dim3A_92 : vector<64x1xi1>, vector<64x1xf32>
    %rsqrt3A_94 = math.rsqrt %select_n3A_93 : vector<64x1xf32>
    %jit3A_95 = arith.constant 0.000000e+00 : f32
    %broadcast_in_dim3A_96 = vector.broadcast %jit3A_95 : f32 to vector<64x1xf32>
    %select_n3A_97 = arith.select %gt3A_87, %rsqrt3A_94, %broadcast_in_dim3A_96 : vector<64x1xi1>, vector<64x1xf32>
    %add3A_98 = arith.addf %get3A_78, %select_n3A : vector<64x64xf32>
    %convert_element_type3A_99 = arith.truncf %add3A_98 : vector<64x64xf32> to vector<64x64xbf16>
    %get3A_100 = arith.constant 0 : index
    %get3A_101 = arith.constant 3 : index
    %get3A_102 = arith.constant 0 : index
    %get3A_103 = arith.constant 0 : index
    %get3A_104 = vector.load %arg2[%get3A_100, %get3A_101, %get3A_102, %get3A_103] : memref<4x4x64x64xf32, #tpu.memory_space<vmem>>, vector<1x1x64x64xf32>
    %get3A_105 = vector.shape_cast %get3A_104 : vector<1x1x64x64xf32> to vector<64x64xf32>
    %reduce_sum3A_106 = arith.constant dense<0.000000e+00> : vector<64xf32>
    %reduce_sum3A_107 = vector.multi_reduction <add>, %get3A_105, %reduce_sum3A_106 [1] : vector<64x64xf32> to vector<64xf32>
    %broadcast_in_dim3A_108 = vector.shape_cast %reduce_sum3A_107 : vector<64xf32> to vector<64x1xf32>
    %add3A_109 = arith.constant 1.000000e+00 : f32
    %add3A_110 = vector.broadcast %add3A_109 : f32 to vector<64x1xf32>
    %add3A_111 = arith.addf %broadcast_in_dim3A_108, %add3A_110 : vector<64x1xf32>
    %gt3A_112 = arith.constant 0.000000e+00 : f32
    %gt3A_113 = vector.broadcast %gt3A_112 : f32 to vector<64x1xf32>
    %gt3A_114 = arith.cmpf ogt, %add3A_111, %gt3A_113 : vector<64x1xf32>
    %gt3A_115 = arith.constant 0.000000e+00 : f32
    %gt3A_116 = vector.broadcast %gt3A_115 : f32 to vector<64x1xf32>
    %gt3A_117 = arith.cmpf ogt, %add3A_111, %gt3A_116 : vector<64x1xf32>
    %jit3A_118 = arith.constant 1.000000e+00 : f32
    %broadcast_in_dim3A_119 = vector.broadcast %jit3A_118 : f32 to vector<64x1xf32>
    %select_n3A_120 = arith.select %gt3A_117, %add3A_111, %broadcast_in_dim3A_119 : vector<64x1xi1>, vector<64x1xf32>
    %rsqrt3A_121 = math.rsqrt %select_n3A_120 : vector<64x1xf32>
    %jit3A_122 = arith.constant 0.000000e+00 : f32
    %broadcast_in_dim3A_123 = vector.broadcast %jit3A_122 : f32 to vector<64x1xf32>
    %select_n3A_124 = arith.select %gt3A_114, %rsqrt3A_121, %broadcast_in_dim3A_123 : vector<64x1xi1>, vector<64x1xf32>
    %add3A_125 = arith.addf %get3A_105, %select_n3A : vector<64x64xf32>
    %convert_element_type3A_126 = arith.truncf %add3A_125 : vector<64x64xf32> to vector<64x64xbf16>
    %get3A_127 = arith.constant 1 : index
    %get3A_128 = arith.constant 0 : index
    %get3A_129 = arith.constant 0 : index
    %get3A_130 = arith.constant 0 : index
    %get3A_131 = vector.load %arg2[%get3A_127, %get3A_128, %get3A_129, %get3A_130] : memref<4x4x64x64xf32, #tpu.memory_space<vmem>>, vector<1x1x64x64xf32>
    %get3A_132 = vector.shape_cast %get3A_131 : vector<1x1x64x64xf32> to vector<64x64xf32>
    %reduce_sum3A_133 = arith.constant dense<0.000000e+00> : vector<64xf32>
    %reduce_sum3A_134 = vector.multi_reduction <add>, %get3A_132, %reduce_sum3A_133 [1] : vector<64x64xf32> to vector<64xf32>
    %broadcast_in_dim3A_135 = vector.shape_cast %reduce_sum3A_134 : vector<64xf32> to vector<64x1xf32>
    %add3A_136 = arith.constant 1.000000e+00 : f32
    %add3A_137 = vector.broadcast %add3A_136 : f32 to vector<64x1xf32>
    %add3A_138 = arith.addf %broadcast_in_dim3A_135, %add3A_137 : vector<64x1xf32>
    %gt3A_139 = arith.constant 0.000000e+00 : f32
    %gt3A_140 = vector.broadcast %gt3A_139 : f32 to vector<64x1xf32>
    %gt3A_141 = arith.cmpf ogt, %add3A_138, %gt3A_140 : vector<64x1xf32>
    %gt3A_142 = arith.constant 0.000000e+00 : f32
    %gt3A_143 = vector.broadcast %gt3A_142 : f32 to vector<64x1xf32>
    %gt3A_144 = arith.cmpf ogt, %add3A_138, %gt3A_143 : vector<64x1xf32>
    %jit3A_145 = arith.constant 1.000000e+00 : f32
    %broadcast_in_dim3A_146 = vector.broadcast %jit3A_145 : f32 to vector<64x1xf32>
    %select_n3A_147 = arith.select %gt3A_144, %add3A_138, %broadcast_in_dim3A_146 : vector<64x1xi1>, vector<64x1xf32>
    %rsqrt3A_148 = math.rsqrt %select_n3A_147 : vector<64x1xf32>
    %jit3A_149 = arith.constant 0.000000e+00 : f32
    %broadcast_in_dim3A_150 = vector.broadcast %jit3A_149 : f32 to vector<64x1xf32>
    %select_n3A_151 = arith.select %gt3A_141, %rsqrt3A_148, %broadcast_in_dim3A_150 : vector<64x1xi1>, vector<64x1xf32>
    %add3A_152 = arith.addf %get3A_132, %select_n3A : vector<64x64xf32>
    %convert_element_type3A_153 = arith.truncf %add3A_152 : vector<64x64xf32> to vector<64x64xbf16>
    %get3A_154 = arith.constant 1 : index
    %get3A_155 = arith.constant 1 : index
    %get3A_156 = arith.constant 0 : index
    %get3A_157 = arith.constant 0 : index
    %get3A_158 = vector.load %arg2[%get3A_154, %get3A_155, %get3A_156, %get3A_157] : memref<4x4x64x64xf32, #tpu.memory_space<vmem>>, vector<1x1x64x64xf32>
    %get3A_159 = vector.shape_cast %get3A_158 : vector<1x1x64x64xf32> to vector<64x64xf32>
    %reduce_sum3A_160 = arith.constant dense<0.000000e+00> : vector<64xf32>
    %reduce_sum3A_161 = vector.multi_reduction <add>, %get3A_159, %reduce_sum3A_160 [1] : vector<64x64xf32> to vector<64xf32>
    %broadcast_in_dim3A_162 = vector.shape_cast %reduce_sum3A_161 : vector<64xf32> to vector<64x1xf32>
    %add3A_163 = arith.constant 1.000000e+00 : f32
    %add3A_164 = vector.broadcast %add3A_163 : f32 to vector<64x1xf32>
    %add3A_165 = arith.addf %broadcast_in_dim3A_162, %add3A_164 : vector<64x1xf32>
    %gt3A_166 = arith.constant 0.000000e+00 : f32
    %gt3A_167 = vector.broadcast %gt3A_166 : f32 to vector<64x1xf32>
    %gt3A_168 = arith.cmpf ogt, %add3A_165, %gt3A_167 : vector<64x1xf32>
    %gt3A_169 = arith.constant 0.000000e+00 : f32
    %gt3A_170 = vector.broadcast %gt3A_169 : f32 to vector<64x1xf32>
    %gt3A_171 = arith.cmpf ogt, %add3A_165, %gt3A_170 : vector<64x1xf32>
    %jit3A_172 = arith.constant 1.000000e+00 : f32
    %broadcast_in_dim3A_173 = vector.broadcast %jit3A_172 : f32 to vector<64x1xf32>
    %select_n3A_174 = arith.select %gt3A_171, %add3A_165, %broadcast_in_dim3A_173 : vector<64x1xi1>, vector<64x1xf32>
    %rsqrt3A_175 = math.rsqrt %select_n3A_174 : vector<64x1xf32>
    %jit3A_176 = arith.constant 0.000000e+00 : f32
    %broadcast_in_dim3A_177 = vector.broadcast %jit3A_176 : f32 to vector<64x1xf32>
    %select_n3A_178 = arith.select %gt3A_168, %rsqrt3A_175, %broadcast_in_dim3A_177 : vector<64x1xi1>, vector<64x1xf32>
    %add3A_179 = arith.addf %get3A_159, %select_n3A : vector<64x64xf32>
    %convert_element_type3A_180 = arith.truncf %add3A_179 : vector<64x64xf32> to vector<64x64xbf16>
    %get3A_181 = arith.constant 1 : index
    %get3A_182 = arith.constant 2 : index
    %get3A_183 = arith.constant 0 : index
    %get3A_184 = arith.constant 0 : index
    %get3A_185 = vector.load %arg2[%get3A_181, %get3A_182, %get3A_183, %get3A_184] : memref<4x4x64x64xf32, #tpu.memory_space<vmem>>, vector<1x1x64x64xf32>
    %get3A_186 = vector.shape_cast %get3A_185 : vector<1x1x64x64xf32> to vector<64x64xf32>
    %reduce_sum3A_187 = arith.constant dense<0.000000e+00> : vector<64xf32>
    %reduce_sum3A_188 = vector.multi_reduction <add>, %get3A_186, %reduce_sum3A_187 [1] : vector<64x64xf32> to vector<64xf32>
    %broadcast_in_dim3A_189 = vector.shape_cast %reduce_sum3A_188 : vector<64xf32> to vector<64x1xf32>
    %add3A_190 = arith.constant 1.000000e+00 : f32
    %add3A_191 = vector.broadcast %add3A_190 : f32 to vector<64x1xf32>
    %add3A_192 = arith.addf %broadcast_in_dim3A_189, %add3A_191 : vector<64x1xf32>
    %gt3A_193 = arith.constant 0.000000e+00 : f32
    %gt3A_194 = vector.broadcast %gt3A_193 : f32 to vector<64x1xf32>
    %gt3A_195 = arith.cmpf ogt, %add3A_192, %gt3A_194 : vector<64x1xf32>
    %gt3A_196 = arith.constant 0.000000e+00 : f32
    %gt3A_197 = vector.broadcast %gt3A_196 : f32 to vector<64x1xf32>
    %gt3A_198 = arith.cmpf ogt, %add3A_192, %gt3A_197 : vector<64x1xf32>
    %jit3A_199 = arith.constant 1.000000e+00 : f32
    %broadcast_in_dim3A_200 = vector.broadcast %jit3A_199 : f32 to vector<64x1xf32>
    %select_n3A_201 = arith.select %gt3A_198, %add3A_192, %broadcast_in_dim3A_200 : vector<64x1xi1>, vector<64x1xf32>
    %rsqrt3A_202 = math.rsqrt %select_n3A_201 : vector<64x1xf32>
    %jit3A_203 = arith.constant 0.000000e+00 : f32
    %broadcast_in_dim3A_204 = vector.broadcast %jit3A_203 : f32 to vector<64x1xf32>
    %select_n3A_205 = arith.select %gt3A_195, %rsqrt3A_202, %broadcast_in_dim3A_204 : vector<64x1xi1>, vector<64x1xf32>
    %add3A_206 = arith.addf %get3A_186, %select_n3A : vector<64x64xf32>
    %convert_element_type3A_207 = arith.truncf %add3A_206 : vector<64x64xf32> to vector<64x64xbf16>
    %get3A_208 = arith.constant 1 : index
    %get3A_209 = arith.constant 3 : index
    %get3A_210 = arith.constant 0 : index
    %get3A_211 = arith.constant 0 : index
    %get3A_212 = vector.load %arg2[%get3A_208, %get3A_209, %get3A_210, %get3A_211] : memref<4x4x64x64xf32, #tpu.memory_space<vmem>>, vector<1x1x64x64xf32>
    %get3A_213 = vector.shape_cast %get3A_212 : vector<1x1x64x64xf32> to vector<64x64xf32>
    %reduce_sum3A_214 = arith.constant dense<0.000000e+00> : vector<64xf32>
    %reduce_sum3A_215 = vector.multi_reduction <add>, %get3A_213, %reduce_sum3A_214 [1] : vector<64x64xf32> to vector<64xf32>
    %broadcast_in_dim3A_216 = vector.shape_cast %reduce_sum3A_215 : vector<64xf32> to vector<64x1xf32>
    %add3A_217 = arith.constant 1.000000e+00 : f32
    %add3A_218 = vector.broadcast %add3A_217 : f32 to vector<64x1xf32>
    %add3A_219 = arith.addf %broadcast_in_dim3A_216, %add3A_218 : vector<64x1xf32>
    %gt3A_220 = arith.constant 0.000000e+00 : f32
    %gt3A_221 = vector.broadcast %gt3A_220 : f32 to vector<64x1xf32>
    %gt3A_222 = arith.cmpf ogt, %add3A_219, %gt3A_221 : vector<64x1xf32>
    %gt3A_223 = arith.constant 0.000000e+00 : f32
    %gt3A_224 = vector.broadcast %gt3A_223 : f32 to vector<64x1xf32>
    %gt3A_225 = arith.cmpf ogt, %add3A_219, %gt3A_224 : vector<64x1xf32>
    %jit3A_226 = arith.constant 1.000000e+00 : f32
    %broadcast_in_dim3A_227 = vector.broadcast %jit3A_226 : f32 to vector<64x1xf32>
    %select_n3A_228 = arith.select %gt3A_225, %add3A_219, %broadcast_in_dim3A_227 : vector<64x1xi1>, vector<64x1xf32>
    %rsqrt3A_229 = math.rsqrt %select_n3A_228 : vector<64x1xf32>
    %jit3A_230 = arith.constant 0.000000e+00 : f32
    %broadcast_in_dim3A_231 = vector.broadcast %jit3A_230 : f32 to vector<64x1xf32>
    %select_n3A_232 = arith.select %gt3A_222, %rsqrt3A_229, %broadcast_in_dim3A_231 : vector<64x1xi1>, vector<64x1xf32>
    %add3A_233 = arith.addf %get3A_213, %select_n3A : vector<64x64xf32>
    %convert_element_type3A_234 = arith.truncf %add3A_233 : vector<64x64xf32> to vector<64x64xbf16>
    %get3A_235 = arith.constant 2 : index
    %get3A_236 = arith.constant 0 : index
    %get3A_237 = arith.constant 0 : index
    %get3A_238 = arith.constant 0 : index
    %get3A_239 = vector.load %arg2[%get3A_235, %get3A_236, %get3A_237, %get3A_238] : memref<4x4x64x64xf32, #tpu.memory_space<vmem>>, vector<1x1x64x64xf32>
    %get3A_240 = vector.shape_cast %get3A_239 : vector<1x1x64x64xf32> to vector<64x64xf32>
    %reduce_sum3A_241 = arith.constant dense<0.000000e+00> : vector<64xf32>
    %reduce_sum3A_242 = vector.multi_reduction <add>, %get3A_240, %reduce_sum3A_241 [1] : vector<64x64xf32> to vector<64xf32>
    %broadcast_in_dim3A_243 = vector.shape_cast %reduce_sum3A_242 : vector<64xf32> to vector<64x1xf32>
    %add3A_244 = arith.constant 1.000000e+00 : f32
    %add3A_245 = vector.broadcast %add3A_244 : f32 to vector<64x1xf32>
    %add3A_246 = arith.addf %broadcast_in_dim3A_243, %add3A_245 : vector<64x1xf32>
    %gt3A_247 = arith.constant 0.000000e+00 : f32
    %gt3A_248 = vector.broadcast %gt3A_247 : f32 to vector<64x1xf32>
    %gt3A_249 = arith.cmpf ogt, %add3A_246, %gt3A_248 : vector<64x1xf32>
    %gt3A_250 = arith.constant 0.000000e+00 : f32
    %gt3A_251 = vector.broadcast %gt3A_250 : f32 to vector<64x1xf32>
    %gt3A_252 = arith.cmpf ogt, %add3A_246, %gt3A_251 : vector<64x1xf32>
    %jit3A_253 = arith.constant 1.000000e+00 : f32
    %broadcast_in_dim3A_254 = vector.broadcast %jit3A_253 : f32 to vector<64x1xf32>
    %select_n3A_255 = arith.select %gt3A_252, %add3A_246, %broadcast_in_dim3A_254 : vector<64x1xi1>, vector<64x1xf32>
    %rsqrt3A_256 = math.rsqrt %select_n3A_255 : vector<64x1xf32>
    %jit3A_257 = arith.constant 0.000000e+00 : f32
    %broadcast_in_dim3A_258 = vector.broadcast %jit3A_257 : f32 to vector<64x1xf32>
    %select_n3A_259 = arith.select %gt3A_249, %rsqrt3A_256, %broadcast_in_dim3A_258 : vector<64x1xi1>, vector<64x1xf32>
    %add3A_260 = arith.addf %get3A_240, %select_n3A : vector<64x64xf32>
    %convert_element_type3A_261 = arith.truncf %add3A_260 : vector<64x64xf32> to vector<64x64xbf16>
    %get3A_262 = arith.constant 2 : index
    %get3A_263 = arith.constant 1 : index
    %get3A_264 = arith.constant 0 : index
    %get3A_265 = arith.constant 0 : index
    %get3A_266 = vector.load %arg2[%get3A_262, %get3A_263, %get3A_264, %get3A_265] : memref<4x4x64x64xf32, #tpu.memory_space<vmem>>, vector<1x1x64x64xf32>
    %get3A_267 = vector.shape_cast %get3A_266 : vector<1x1x64x64xf32> to vector<64x64xf32>
    %reduce_sum3A_268 = arith.constant dense<0.000000e+00> : vector<64xf32>
    %reduce_sum3A_269 = vector.multi_reduction <add>, %get3A_267, %reduce_sum3A_268 [1] : vector<64x64xf32> to vector<64xf32>
    %broadcast_in_dim3A_270 = vector.shape_cast %reduce_sum3A_269 : vector<64xf32> to vector<64x1xf32>
    %add3A_271 = arith.constant 1.000000e+00 : f32
    %add3A_272 = vector.broadcast %add3A_271 : f32 to vector<64x1xf32>
    %add3A_273 = arith.addf %broadcast_in_dim3A_270, %add3A_272 : vector<64x1xf32>
    %gt3A_274 = arith.constant 0.000000e+00 : f32
    %gt3A_275 = vector.broadcast %gt3A_274 : f32 to vector<64x1xf32>
    %gt3A_276 = arith.cmpf ogt, %add3A_273, %gt3A_275 : vector<64x1xf32>
    %gt3A_277 = arith.constant 0.000000e+00 : f32
    %gt3A_278 = vector.broadcast %gt3A_277 : f32 to vector<64x1xf32>
    %gt3A_279 = arith.cmpf ogt, %add3A_273, %gt3A_278 : vector<64x1xf32>
    %jit3A_280 = arith.constant 1.000000e+00 : f32
    %broadcast_in_dim3A_281 = vector.broadcast %jit3A_280 : f32 to vector<64x1xf32>
    %select_n3A_282 = arith.select %gt3A_279, %add3A_273, %broadcast_in_dim3A_281 : vector<64x1xi1>, vector<64x1xf32>
    %rsqrt3A_283 = math.rsqrt %select_n3A_282 : vector<64x1xf32>
    %jit3A_284 = arith.constant 0.000000e+00 : f32
    %broadcast_in_dim3A_285 = vector.broadcast %jit3A_284 : f32 to vector<64x1xf32>
    %select_n3A_286 = arith.select %gt3A_276, %rsqrt3A_283, %broadcast_in_dim3A_285 : vector<64x1xi1>, vector<64x1xf32>
    %add3A_287 = arith.addf %get3A_267, %select_n3A : vector<64x64xf32>
    %convert_element_type3A_288 = arith.truncf %add3A_287 : vector<64x64xf32> to vector<64x64xbf16>
    %get3A_289 = arith.constant 2 : index
    %get3A_290 = arith.constant 2 : index
    %get3A_291 = arith.constant 0 : index
    %get3A_292 = arith.constant 0 : index
    %get3A_293 = vector.load %arg2[%get3A_289, %get3A_290, %get3A_291, %get3A_292] : memref<4x4x64x64xf32, #tpu.memory_space<vmem>>, vector<1x1x64x64xf32>
    %get3A_294 = vector.shape_cast %get3A_293 : vector<1x1x64x64xf32> to vector<64x64xf32>
    %reduce_sum3A_295 = arith.constant dense<0.000000e+00> : vector<64xf32>
    %reduce_sum3A_296 = vector.multi_reduction <add>, %get3A_294, %reduce_sum3A_295 [1] : vector<64x64xf32> to vector<64xf32>
    %broadcast_in_dim3A_297 = vector.shape_cast %reduce_sum3A_296 : vector<64xf32> to vector<64x1xf32>
    %add3A_298 = arith.constant 1.000000e+00 : f32
    %add3A_299 = vector.broadcast %add3A_298 : f32 to vector<64x1xf32>
    %add3A_300 = arith.addf %broadcast_in_dim3A_297, %add3A_299 : vector<64x1xf32>
    %gt3A_301 = arith.constant 0.000000e+00 : f32
    %gt3A_302 = vector.broadcast %gt3A_301 : f32 to vector<64x1xf32>
    %gt3A_303 = arith.cmpf ogt, %add3A_300, %gt3A_302 : vector<64x1xf32>
    %gt3A_304 = arith.constant 0.000000e+00 : f32
    %gt3A_305 = vector.broadcast %gt3A_304 : f32 to vector<64x1xf32>
    %gt3A_306 = arith.cmpf ogt, %add3A_300, %gt3A_305 : vector<64x1xf32>
    %jit3A_307 = arith.constant 1.000000e+00 : f32
    %broadcast_in_dim3A_308 = vector.broadcast %jit3A_307 : f32 to vector<64x1xf32>
    %select_n3A_309 = arith.select %gt3A_306, %add3A_300, %broadcast_in_dim3A_308 : vector<64x1xi1>, vector<64x1xf32>
    %rsqrt3A_310 = math.rsqrt %select_n3A_309 : vector<64x1xf32>
    %jit3A_311 = arith.constant 0.000000e+00 : f32
    %broadcast_in_dim3A_312 = vector.broadcast %jit3A_311 : f32 to vector<64x1xf32>
    %select_n3A_313 = arith.select %gt3A_303, %rsqrt3A_310, %broadcast_in_dim3A_312 : vector<64x1xi1>, vector<64x1xf32>
    %add3A_314 = arith.addf %get3A_294, %select_n3A : vector<64x64xf32>
    %convert_element_type3A_315 = arith.truncf %add3A_314 : vector<64x64xf32> to vector<64x64xbf16>
    %get3A_316 = arith.constant 2 : index
    %get3A_317 = arith.constant 3 : index
    %get3A_318 = arith.constant 0 : index
    %get3A_319 = arith.constant 0 : index
    %get3A_320 = vector.load %arg2[%get3A_316, %get3A_317, %get3A_318, %get3A_319] : memref<4x4x64x64xf32, #tpu.memory_space<vmem>>, vector<1x1x64x64xf32>
    %get3A_321 = vector.shape_cast %get3A_320 : vector<1x1x64x64xf32> to vector<64x64xf32>
    %reduce_sum3A_322 = arith.constant dense<0.000000e+00> : vector<64xf32>
    %reduce_sum3A_323 = vector.multi_reduction <add>, %get3A_321, %reduce_sum3A_322 [1] : vector<64x64xf32> to vector<64xf32>
    %broadcast_in_dim3A_324 = vector.shape_cast %reduce_sum3A_323 : vector<64xf32> to vector<64x1xf32>
    %add3A_325 = arith.constant 1.000000e+00 : f32
    %add3A_326 = vector.broadcast %add3A_325 : f32 to vector<64x1xf32>
    %add3A_327 = arith.addf %broadcast_in_dim3A_324, %add3A_326 : vector<64x1xf32>
    %gt3A_328 = arith.constant 0.000000e+00 : f32
    %gt3A_329 = vector.broadcast %gt3A_328 : f32 to vector<64x1xf32>
    %gt3A_330 = arith.cmpf ogt, %add3A_327, %gt3A_329 : vector<64x1xf32>
    %gt3A_331 = arith.constant 0.000000e+00 : f32
    %gt3A_332 = vector.broadcast %gt3A_331 : f32 to vector<64x1xf32>
    %gt3A_333 = arith.cmpf ogt, %add3A_327, %gt3A_332 : vector<64x1xf32>
    %jit3A_334 = arith.constant 1.000000e+00 : f32
    %broadcast_in_dim3A_335 = vector.broadcast %jit3A_334 : f32 to vector<64x1xf32>
    %select_n3A_336 = arith.select %gt3A_333, %add3A_327, %broadcast_in_dim3A_335 : vector<64x1xi1>, vector<64x1xf32>
    %rsqrt3A_337 = math.rsqrt %select_n3A_336 : vector<64x1xf32>
    %jit3A_338 = arith.constant 0.000000e+00 : f32
    %broadcast_in_dim3A_339 = vector.broadcast %jit3A_338 : f32 to vector<64x1xf32>
    %select_n3A_340 = arith.select %gt3A_330, %rsqrt3A_337, %broadcast_in_dim3A_339 : vector<64x1xi1>, vector<64x1xf32>
    %add3A_341 = arith.addf %get3A_321, %select_n3A : vector<64x64xf32>
    %convert_element_type3A_342 = arith.truncf %add3A_341 : vector<64x64xf32> to vector<64x64xbf16>
    %get3A_343 = arith.constant 3 : index
    %get3A_344 = arith.constant 0 : index
    %get3A_345 = arith.constant 0 : index
    %get3A_346 = arith.constant 0 : index
    %get3A_347 = vector.load %arg2[%get3A_343, %get3A_344, %get3A_345, %get3A_346] : memref<4x4x64x64xf32, #tpu.memory_space<vmem>>, vector<1x1x64x64xf32>
    %get3A_348 = vector.shape_cast %get3A_347 : vector<1x1x64x64xf32> to vector<64x64xf32>
    %reduce_sum3A_349 = arith.constant dense<0.000000e+00> : vector<64xf32>
    %reduce_sum3A_350 = vector.multi_reduction <add>, %get3A_348, %reduce_sum3A_349 [1] : vector<64x64xf32> to vector<64xf32>
    %broadcast_in_dim3A_351 = vector.shape_cast %reduce_sum3A_350 : vector<64xf32> to vector<64x1xf32>
    %add3A_352 = arith.constant 1.000000e+00 : f32
    %add3A_353 = vector.broadcast %add3A_352 : f32 to vector<64x1xf32>
    %add3A_354 = arith.addf %broadcast_in_dim3A_351, %add3A_353 : vector<64x1xf32>
    %gt3A_355 = arith.constant 0.000000e+00 : f32
    %gt3A_356 = vector.broadcast %gt3A_355 : f32 to vector<64x1xf32>
    %gt3A_357 = arith.cmpf ogt, %add3A_354, %gt3A_356 : vector<64x1xf32>
    %gt3A_358 = arith.constant 0.000000e+00 : f32
    %gt3A_359 = vector.broadcast %gt3A_358 : f32 to vector<64x1xf32>
    %gt3A_360 = arith.cmpf ogt, %add3A_354, %gt3A_359 : vector<64x1xf32>
    %jit3A_361 = arith.constant 1.000000e+00 : f32
    %broadcast_in_dim3A_362 = vector.broadcast %jit3A_361 : f32 to vector<64x1xf32>
    %select_n3A_363 = arith.select %gt3A_360, %add3A_354, %broadcast_in_dim3A_362 : vector<64x1xi1>, vector<64x1xf32>
    %rsqrt3A_364 = math.rsqrt %select_n3A_363 : vector<64x1xf32>
    %jit3A_365 = arith.constant 0.000000e+00 : f32
    %broadcast_in_dim3A_366 = vector.broadcast %jit3A_365 : f32 to vector<64x1xf32>
    %select_n3A_367 = arith.select %gt3A_357, %rsqrt3A_364, %broadcast_in_dim3A_366 : vector<64x1xi1>, vector<64x1xf32>
    %add3A_368 = arith.addf %get3A_348, %select_n3A : vector<64x64xf32>
    %convert_element_type3A_369 = arith.truncf %add3A_368 : vector<64x64xf32> to vector<64x64xbf16>
    %get3A_370 = arith.constant 3 : index
    %get3A_371 = arith.constant 1 : index
    %get3A_372 = arith.constant 0 : index
    %get3A_373 = arith.constant 0 : index
    %get3A_374 = vector.load %arg2[%get3A_370, %get3A_371, %get3A_372, %get3A_373] : memref<4x4x64x64xf32, #tpu.memory_space<vmem>>, vector<1x1x64x64xf32>
    %get3A_375 = vector.shape_cast %get3A_374 : vector<1x1x64x64xf32> to vector<64x64xf32>
    %reduce_sum3A_376 = arith.constant dense<0.000000e+00> : vector<64xf32>
    %reduce_sum3A_377 = vector.multi_reduction <add>, %get3A_375, %reduce_sum3A_376 [1] : vector<64x64xf32> to vector<64xf32>
    %broadcast_in_dim3A_378 = vector.shape_cast %reduce_sum3A_377 : vector<64xf32> to vector<64x1xf32>
    %add3A_379 = arith.constant 1.000000e+00 : f32
    %add3A_380 = vector.broadcast %add3A_379 : f32 to vector<64x1xf32>
    %add3A_381 = arith.addf %broadcast_in_dim3A_378, %add3A_380 : vector<64x1xf32>
    %gt3A_382 = arith.constant 0.000000e+00 : f32
    %gt3A_383 = vector.broadcast %gt3A_382 : f32 to vector<64x1xf32>
    %gt3A_384 = arith.cmpf ogt, %add3A_381, %gt3A_383 : vector<64x1xf32>
    %gt3A_385 = arith.constant 0.000000e+00 : f32
    %gt3A_386 = vector.broadcast %gt3A_385 : f32 to vector<64x1xf32>
    %gt3A_387 = arith.cmpf ogt, %add3A_381, %gt3A_386 : vector<64x1xf32>
    %jit3A_388 = arith.constant 1.000000e+00 : f32
    %broadcast_in_dim3A_389 = vector.broadcast %jit3A_388 : f32 to vector<64x1xf32>
    %select_n3A_390 = arith.select %gt3A_387, %add3A_381, %broadcast_in_dim3A_389 : vector<64x1xi1>, vector<64x1xf32>
    %rsqrt3A_391 = math.rsqrt %select_n3A_390 : vector<64x1xf32>
    %jit3A_392 = arith.constant 0.000000e+00 : f32
    %broadcast_in_dim3A_393 = vector.broadcast %jit3A_392 : f32 to vector<64x1xf32>
    %select_n3A_394 = arith.select %gt3A_384, %rsqrt3A_391, %broadcast_in_dim3A_393 : vector<64x1xi1>, vector<64x1xf32>
    %add3A_395 = arith.addf %get3A_375, %select_n3A : vector<64x64xf32>
    %convert_element_type3A_396 = arith.truncf %add3A_395 : vector<64x64xf32> to vector<64x64xbf16>
    %get3A_397 = arith.constant 3 : index
    %get3A_398 = arith.constant 2 : index
    %get3A_399 = arith.constant 0 : index
    %get3A_400 = arith.constant 0 : index
    %get3A_401 = vector.load %arg2[%get3A_397, %get3A_398, %get3A_399, %get3A_400] : memref<4x4x64x64xf32, #tpu.memory_space<vmem>>, vector<1x1x64x64xf32>
    %get3A_402 = vector.shape_cast %get3A_401 : vector<1x1x64x64xf32> to vector<64x64xf32>
    %reduce_sum3A_403 = arith.constant dense<0.000000e+00> : vector<64xf32>
    %reduce_sum3A_404 = vector.multi_reduction <add>, %get3A_402, %reduce_sum3A_403 [1] : vector<64x64xf32> to vector<64xf32>
    %broadcast_in_dim3A_405 = vector.shape_cast %reduce_sum3A_404 : vector<64xf32> to vector<64x1xf32>
    %add3A_406 = arith.constant 1.000000e+00 : f32
    %add3A_407 = vector.broadcast %add3A_406 : f32 to vector<64x1xf32>
    %add3A_408 = arith.addf %broadcast_in_dim3A_405, %add3A_407 : vector<64x1xf32>
    %gt3A_409 = arith.constant 0.000000e+00 : f32
    %gt3A_410 = vector.broadcast %gt3A_409 : f32 to vector<64x1xf32>
    %gt3A_411 = arith.cmpf ogt, %add3A_408, %gt3A_410 : vector<64x1xf32>
    %gt3A_412 = arith.constant 0.000000e+00 : f32
    %gt3A_413 = vector.broadcast %gt3A_412 : f32 to vector<64x1xf32>
    %gt3A_414 = arith.cmpf ogt, %add3A_408, %gt3A_413 : vector<64x1xf32>
    %jit3A_415 = arith.constant 1.000000e+00 : f32
    %broadcast_in_dim3A_416 = vector.broadcast %jit3A_415 : f32 to vector<64x1xf32>
    %select_n3A_417 = arith.select %gt3A_414, %add3A_408, %broadcast_in_dim3A_416 : vector<64x1xi1>, vector<64x1xf32>
    %rsqrt3A_418 = math.rsqrt %select_n3A_417 : vector<64x1xf32>
    %jit3A_419 = arith.constant 0.000000e+00 : f32
    %broadcast_in_dim3A_420 = vector.broadcast %jit3A_419 : f32 to vector<64x1xf32>
    %select_n3A_421 = arith.select %gt3A_411, %rsqrt3A_418, %broadcast_in_dim3A_420 : vector<64x1xi1>, vector<64x1xf32>
    %add3A_422 = arith.addf %get3A_402, %select_n3A : vector<64x64xf32>
    %convert_element_type3A_423 = arith.truncf %add3A_422 : vector<64x64xf32> to vector<64x64xbf16>
    %get3A_424 = arith.constant 3 : index
    %get3A_425 = arith.constant 3 : index
    %get3A_426 = arith.constant 0 : index
    %get3A_427 = arith.constant 0 : index
    %get3A_428 = vector.load %arg2[%get3A_424, %get3A_425, %get3A_426, %get3A_427] : memref<4x4x64x64xf32, #tpu.memory_space<vmem>>, vector<1x1x64x64xf32>
    %get3A_429 = vector.shape_cast %get3A_428 : vector<1x1x64x64xf32> to vector<64x64xf32>
    %reduce_sum3A_430 = arith.constant dense<0.000000e+00> : vector<64xf32>
    %reduce_sum3A_431 = vector.multi_reduction <add>, %get3A_429, %reduce_sum3A_430 [1] : vector<64x64xf32> to vector<64xf32>
    %broadcast_in_dim3A_432 = vector.shape_cast %reduce_sum3A_431 : vector<64xf32> to vector<64x1xf32>
    %add3A_433 = arith.constant 1.000000e+00 : f32
    %add3A_434 = vector.broadcast %add3A_433 : f32 to vector<64x1xf32>
    %add3A_435 = arith.addf %broadcast_in_dim3A_432, %add3A_434 : vector<64x1xf32>
    %gt3A_436 = arith.constant 0.000000e+00 : f32
    %gt3A_437 = vector.broadcast %gt3A_436 : f32 to vector<64x1xf32>
    %gt3A_438 = arith.cmpf ogt, %add3A_435, %gt3A_437 : vector<64x1xf32>
    %gt3A_439 = arith.constant 0.000000e+00 : f32
    %gt3A_440 = vector.broadcast %gt3A_439 : f32 to vector<64x1xf32>
    %gt3A_441 = arith.cmpf ogt, %add3A_435, %gt3A_440 : vector<64x1xf32>
    %jit3A_442 = arith.constant 1.000000e+00 : f32
    %broadcast_in_dim3A_443 = vector.broadcast %jit3A_442 : f32 to vector<64x1xf32>
    %select_n3A_444 = arith.select %gt3A_441, %add3A_435, %broadcast_in_dim3A_443 : vector<64x1xi1>, vector<64x1xf32>
    %rsqrt3A_445 = math.rsqrt %select_n3A_444 : vector<64x1xf32>
    %jit3A_446 = arith.constant 0.000000e+00 : f32
    %broadcast_in_dim3A_447 = vector.broadcast %jit3A_446 : f32 to vector<64x1xf32>
    %select_n3A_448 = arith.select %gt3A_438, %rsqrt3A_445, %broadcast_in_dim3A_447 : vector<64x1xi1>, vector<64x1xf32>
    %add3A_449 = arith.addf %get3A_429, %select_n3A : vector<64x64xf32>
    %convert_element_type3A_450 = arith.truncf %add3A_449 : vector<64x64xf32> to vector<64x64xbf16>
    %get3A_451 = arith.constant 0 : index
    %get3A_452 = arith.constant 0 : index
    %get3A_453 = arith.constant 0 : index
    %get3A_454 = arith.constant 0 : index
    %get3A_455 = vector.load %arg3[%get3A_451, %get3A_452, %get3A_453, %get3A_454] : memref<2x4x128x128xf32, #tpu.memory_space<vmem>>, vector<1x1x128x128xf32>
    %get3A_456 = vector.shape_cast %get3A_455 : vector<1x1x128x128xf32> to vector<128x128xf32>
    %get3A_457 = arith.constant 0 : index
    %get3A_458 = arith.constant 1 : index
    %get3A_459 = arith.constant 0 : index
    %get3A_460 = arith.constant 0 : index
    %get3A_461 = vector.load %arg3[%get3A_457, %get3A_458, %get3A_459, %get3A_460] : memref<2x4x128x128xf32, #tpu.memory_space<vmem>>, vector<1x1x128x128xf32>
    %get3A_462 = vector.shape_cast %get3A_461 : vector<1x1x128x128xf32> to vector<128x128xf32>
    %get3A_463 = arith.constant 0 : index
    %get3A_464 = arith.constant 2 : index
    %get3A_465 = arith.constant 0 : index
    %get3A_466 = arith.constant 0 : index
    %get3A_467 = vector.load %arg3[%get3A_463, %get3A_464, %get3A_465, %get3A_466] : memref<2x4x128x128xf32, #tpu.memory_space<vmem>>, vector<1x1x128x128xf32>
    %get3A_468 = vector.shape_cast %get3A_467 : vector<1x1x128x128xf32> to vector<128x128xf32>
    %get3A_469 = arith.constant 0 : index
    %get3A_470 = arith.constant 3 : index
    %get3A_471 = arith.constant 0 : index
    %get3A_472 = arith.constant 0 : index
    %get3A_473 = vector.load %arg3[%get3A_469, %get3A_470, %get3A_471, %get3A_472] : memref<2x4x128x128xf32, #tpu.memory_space<vmem>>, vector<1x1x128x128xf32>
    %get3A_474 = vector.shape_cast %get3A_473 : vector<1x1x128x128xf32> to vector<128x128xf32>
    %concatenate3A_475 = tpu.concatenate %get3A_456, %get3A_462, %get3A_468, %get3A_474 in 1 : vector<128x128xf32>, vector<128x128xf32>, vector<128x128xf32>, vector<128x128xf32> -> vector<128x512xf32>
    %dot_general3A = arith.constant dense<0.000000e+00> : vector<256x512xf32>
    %dot_general3A_476 = tpu.matmul %concatenate3A, %concatenate3A_475, %dot_general3A {dimension_numbers = #tpu.dot_dimension_numbers<[1], [0], [0], [1], [0, 0, 1, 1], [], []>, transpose_lhs_hint = false} : vector<256x128xf32>, vector<128x512xf32>, vector<256x512xf32> -> vector<256x512xf32>
    %slice3A = vector.extract_strided_slice %dot_general3A_476 {offsets = [0, 0], sizes = [64, 128], strides = [1, 1]} : vector<256x512xf32> to vector<64x128xf32>
    %mul3A = vector.broadcast %select_n3A_44 : vector<64x1xf32> to vector<64x128xf32>
    %mul3A_477 = arith.mulf %mul3A, %slice3A : vector<64x128xf32>
    %convert_element_type3A_478 = arith.truncf %mul3A_477 : vector<64x128xf32> to vector<64x128xbf16>
    %dot_general3A_479 = arith.constant dense<0.000000e+00> : vector<64x128xf32>
    %dot_general3A_480 = tpu.matmul %convert_element_type3A, %convert_element_type3A_478, %dot_general3A_479 {dimension_numbers = #tpu.dot_dimension_numbers<[1], [0], [0], [1], [0, 0, 1, 1], [], []>, transpose_lhs_hint = false} : vector<64x64xbf16>, vector<64x128xbf16>, vector<64x128xf32> -> vector<64x128xf32>
    %mul3A_481 = vector.broadcast %select_n3A_44 : vector<64x1xf32> to vector<64x128xf32>
    %mul3A_482 = arith.mulf %mul3A_481, %dot_general3A_480 : vector<64x128xf32>
    %get3A_483 = arith.constant 0 : index
    %get3A_484 = arith.constant 0 : index
    %get3A_485 = arith.constant 0 : index
    %get3A_486 = vector.load %arg4[%get3A_483, %get3A_484, %get3A_485] : memref<2x4x128xf32, #tpu.memory_space<vmem>>, vector<1x1x128xf32>
    %get3A_487 = vector.shape_cast %get3A_486 : vector<1x1x128xf32> to vector<1x128xf32>
    %add3A_488 = vector.broadcast %get3A_487 : vector<1x128xf32> to vector<64x128xf32>
    %add3A_489 = arith.addf %mul3A_482, %add3A_488 : vector<64x128xf32>
    %slice3A_490 = vector.extract_strided_slice %dot_general3A_476 {offsets = [0, 128], sizes = [64, 128], strides = [1, 1]} : vector<256x512xf32> to vector<64x128xf32>
    %mul3A_491 = vector.broadcast %select_n3A_70 : vector<64x1xf32> to vector<64x128xf32>
    %mul3A_492 = arith.mulf %mul3A_491, %slice3A_490 : vector<64x128xf32>
    %convert_element_type3A_493 = arith.truncf %mul3A_492 : vector<64x128xf32> to vector<64x128xbf16>
    %dot_general3A_494 = arith.constant dense<0.000000e+00> : vector<64x128xf32>
    %dot_general3A_495 = tpu.matmul %convert_element_type3A_72, %convert_element_type3A_493, %dot_general3A_494 {dimension_numbers = #tpu.dot_dimension_numbers<[1], [0], [0], [1], [0, 0, 1, 1], [], []>, transpose_lhs_hint = false} : vector<64x64xbf16>, vector<64x128xbf16>, vector<64x128xf32> -> vector<64x128xf32>
    %mul3A_496 = vector.broadcast %select_n3A_70 : vector<64x1xf32> to vector<64x128xf32>
    %mul3A_497 = arith.mulf %mul3A_496, %dot_general3A_495 : vector<64x128xf32>
    %get3A_498 = arith.constant 0 : index
    %get3A_499 = arith.constant 1 : index
    %get3A_500 = arith.constant 0 : index
    %get3A_501 = vector.load %arg4[%get3A_498, %get3A_499, %get3A_500] : memref<2x4x128xf32, #tpu.memory_space<vmem>>, vector<1x1x128xf32>
    %get3A_502 = vector.shape_cast %get3A_501 : vector<1x1x128xf32> to vector<1x128xf32>
    %add3A_503 = vector.broadcast %get3A_502 : vector<1x128xf32> to vector<64x128xf32>
    %add3A_504 = arith.addf %mul3A_497, %add3A_503 : vector<64x128xf32>
    %slice3A_505 = vector.extract_strided_slice %dot_general3A_476 {offsets = [0, 256], sizes = [64, 128], strides = [1, 1]} : vector<256x512xf32> to vector<64x128xf32>
    %mul3A_506 = vector.broadcast %select_n3A_97 : vector<64x1xf32> to vector<64x128xf32>
    %mul3A_507 = arith.mulf %mul3A_506, %slice3A_505 : vector<64x128xf32>
    %convert_element_type3A_508 = arith.truncf %mul3A_507 : vector<64x128xf32> to vector<64x128xbf16>
    %dot_general3A_509 = arith.constant dense<0.000000e+00> : vector<64x128xf32>
    %dot_general3A_510 = tpu.matmul %convert_element_type3A_99, %convert_element_type3A_508, %dot_general3A_509 {dimension_numbers = #tpu.dot_dimension_numbers<[1], [0], [0], [1], [0, 0, 1, 1], [], []>, transpose_lhs_hint = false} : vector<64x64xbf16>, vector<64x128xbf16>, vector<64x128xf32> -> vector<64x128xf32>
    %mul3A_511 = vector.broadcast %select_n3A_97 : vector<64x1xf32> to vector<64x128xf32>
    %mul3A_512 = arith.mulf %mul3A_511, %dot_general3A_510 : vector<64x128xf32>
    %get3A_513 = arith.constant 0 : index
    %get3A_514 = arith.constant 2 : index
    %get3A_515 = arith.constant 0 : index
    %get3A_516 = vector.load %arg4[%get3A_513, %get3A_514, %get3A_515] : memref<2x4x128xf32, #tpu.memory_space<vmem>>, vector<1x1x128xf32>
    %get3A_517 = vector.shape_cast %get3A_516 : vector<1x1x128xf32> to vector<1x128xf32>
    %add3A_518 = vector.broadcast %get3A_517 : vector<1x128xf32> to vector<64x128xf32>
    %add3A_519 = arith.addf %mul3A_512, %add3A_518 : vector<64x128xf32>
    %slice3A_520 = vector.extract_strided_slice %dot_general3A_476 {offsets = [0, 384], sizes = [64, 128], strides = [1, 1]} : vector<256x512xf32> to vector<64x128xf32>
    %mul3A_521 = vector.broadcast %select_n3A_124 : vector<64x1xf32> to vector<64x128xf32>
    %mul3A_522 = arith.mulf %mul3A_521, %slice3A_520 : vector<64x128xf32>
    %convert_element_type3A_523 = arith.truncf %mul3A_522 : vector<64x128xf32> to vector<64x128xbf16>
    %dot_general3A_524 = arith.constant dense<0.000000e+00> : vector<64x128xf32>
    %dot_general3A_525 = tpu.matmul %convert_element_type3A_126, %convert_element_type3A_523, %dot_general3A_524 {dimension_numbers = #tpu.dot_dimension_numbers<[1], [0], [0], [1], [0, 0, 1, 1], [], []>, transpose_lhs_hint = false} : vector<64x64xbf16>, vector<64x128xbf16>, vector<64x128xf32> -> vector<64x128xf32>
    %mul3A_526 = vector.broadcast %select_n3A_124 : vector<64x1xf32> to vector<64x128xf32>
    %mul3A_527 = arith.mulf %mul3A_526, %dot_general3A_525 : vector<64x128xf32>
    %get3A_528 = arith.constant 0 : index
    %get3A_529 = arith.constant 3 : index
    %get3A_530 = arith.constant 0 : index
    %get3A_531 = vector.load %arg4[%get3A_528, %get3A_529, %get3A_530] : memref<2x4x128xf32, #tpu.memory_space<vmem>>, vector<1x1x128xf32>
    %get3A_532 = vector.shape_cast %get3A_531 : vector<1x1x128xf32> to vector<1x128xf32>
    %add3A_533 = vector.broadcast %get3A_532 : vector<1x128xf32> to vector<64x128xf32>
    %add3A_534 = arith.addf %mul3A_527, %add3A_533 : vector<64x128xf32>
    %concatenate3A_535 = tpu.concatenate %add3A_489, %add3A_504, %add3A_519, %add3A_534 in 1 : vector<64x128xf32>, vector<64x128xf32>, vector<64x128xf32>, vector<64x128xf32> -> vector<64x512xf32>
    %slice3A_536 = vector.extract_strided_slice %dot_general3A_476 {offsets = [64, 0], sizes = [64, 128], strides = [1, 1]} : vector<256x512xf32> to vector<64x128xf32>
    %mul3A_537 = vector.broadcast %select_n3A_151 : vector<64x1xf32> to vector<64x128xf32>
    %mul3A_538 = arith.mulf %mul3A_537, %slice3A_536 : vector<64x128xf32>
    %convert_element_type3A_539 = arith.truncf %mul3A_538 : vector<64x128xf32> to vector<64x128xbf16>
    %dot_general3A_540 = arith.constant dense<0.000000e+00> : vector<64x128xf32>
    %dot_general3A_541 = tpu.matmul %convert_element_type3A_153, %convert_element_type3A_539, %dot_general3A_540 {dimension_numbers = #tpu.dot_dimension_numbers<[1], [0], [0], [1], [0, 0, 1, 1], [], []>, transpose_lhs_hint = false} : vector<64x64xbf16>, vector<64x128xbf16>, vector<64x128xf32> -> vector<64x128xf32>
    %mul3A_542 = vector.broadcast %select_n3A_151 : vector<64x1xf32> to vector<64x128xf32>
    %mul3A_543 = arith.mulf %mul3A_542, %dot_general3A_541 : vector<64x128xf32>
    %get3A_544 = arith.constant 0 : index
    %get3A_545 = arith.constant 0 : index
    %get3A_546 = arith.constant 0 : index
    %get3A_547 = vector.load %arg4[%get3A_544, %get3A_545, %get3A_546] : memref<2x4x128xf32, #tpu.memory_space<vmem>>, vector<1x1x128xf32>
    %get3A_548 = vector.shape_cast %get3A_547 : vector<1x1x128xf32> to vector<1x128xf32>
    %add3A_549 = vector.broadcast %get3A_548 : vector<1x128xf32> to vector<64x128xf32>
    %add3A_550 = arith.addf %mul3A_543, %add3A_549 : vector<64x128xf32>
    %slice3A_551 = vector.extract_strided_slice %dot_general3A_476 {offsets = [64, 128], sizes = [64, 128], strides = [1, 1]} : vector<256x512xf32> to vector<64x128xf32>
    %mul3A_552 = vector.broadcast %select_n3A_178 : vector<64x1xf32> to vector<64x128xf32>
    %mul3A_553 = arith.mulf %mul3A_552, %slice3A_551 : vector<64x128xf32>
    %convert_element_type3A_554 = arith.truncf %mul3A_553 : vector<64x128xf32> to vector<64x128xbf16>
    %dot_general3A_555 = arith.constant dense<0.000000e+00> : vector<64x128xf32>
    %dot_general3A_556 = tpu.matmul %convert_element_type3A_180, %convert_element_type3A_554, %dot_general3A_555 {dimension_numbers = #tpu.dot_dimension_numbers<[1], [0], [0], [1], [0, 0, 1, 1], [], []>, transpose_lhs_hint = false} : vector<64x64xbf16>, vector<64x128xbf16>, vector<64x128xf32> -> vector<64x128xf32>
    %mul3A_557 = vector.broadcast %select_n3A_178 : vector<64x1xf32> to vector<64x128xf32>
    %mul3A_558 = arith.mulf %mul3A_557, %dot_general3A_556 : vector<64x128xf32>
    %get3A_559 = arith.constant 0 : index
    %get3A_560 = arith.constant 1 : index
    %get3A_561 = arith.constant 0 : index
    %get3A_562 = vector.load %arg4[%get3A_559, %get3A_560, %get3A_561] : memref<2x4x128xf32, #tpu.memory_space<vmem>>, vector<1x1x128xf32>
    %get3A_563 = vector.shape_cast %get3A_562 : vector<1x1x128xf32> to vector<1x128xf32>
    %add3A_564 = vector.broadcast %get3A_563 : vector<1x128xf32> to vector<64x128xf32>
    %add3A_565 = arith.addf %mul3A_558, %add3A_564 : vector<64x128xf32>
    %slice3A_566 = vector.extract_strided_slice %dot_general3A_476 {offsets = [64, 256], sizes = [64, 128], strides = [1, 1]} : vector<256x512xf32> to vector<64x128xf32>
    %mul3A_567 = vector.broadcast %select_n3A_205 : vector<64x1xf32> to vector<64x128xf32>
    %mul3A_568 = arith.mulf %mul3A_567, %slice3A_566 : vector<64x128xf32>
    %convert_element_type3A_569 = arith.truncf %mul3A_568 : vector<64x128xf32> to vector<64x128xbf16>
    %dot_general3A_570 = arith.constant dense<0.000000e+00> : vector<64x128xf32>
    %dot_general3A_571 = tpu.matmul %convert_element_type3A_207, %convert_element_type3A_569, %dot_general3A_570 {dimension_numbers = #tpu.dot_dimension_numbers<[1], [0], [0], [1], [0, 0, 1, 1], [], []>, transpose_lhs_hint = false} : vector<64x64xbf16>, vector<64x128xbf16>, vector<64x128xf32> -> vector<64x128xf32>
    %mul3A_572 = vector.broadcast %select_n3A_205 : vector<64x1xf32> to vector<64x128xf32>
    %mul3A_573 = arith.mulf %mul3A_572, %dot_general3A_571 : vector<64x128xf32>
    %get3A_574 = arith.constant 0 : index
    %get3A_575 = arith.constant 2 : index
    %get3A_576 = arith.constant 0 : index
    %get3A_577 = vector.load %arg4[%get3A_574, %get3A_575, %get3A_576] : memref<2x4x128xf32, #tpu.memory_space<vmem>>, vector<1x1x128xf32>
    %get3A_578 = vector.shape_cast %get3A_577 : vector<1x1x128xf32> to vector<1x128xf32>
    %add3A_579 = vector.broadcast %get3A_578 : vector<1x128xf32> to vector<64x128xf32>
    %add3A_580 = arith.addf %mul3A_573, %add3A_579 : vector<64x128xf32>
    %slice3A_581 = vector.extract_strided_slice %dot_general3A_476 {offsets = [64, 384], sizes = [64, 128], strides = [1, 1]} : vector<256x512xf32> to vector<64x128xf32>
    %mul3A_582 = vector.broadcast %select_n3A_232 : vector<64x1xf32> to vector<64x128xf32>
    %mul3A_583 = arith.mulf %mul3A_582, %slice3A_581 : vector<64x128xf32>
    %convert_element_type3A_584 = arith.truncf %mul3A_583 : vector<64x128xf32> to vector<64x128xbf16>
    %dot_general3A_585 = arith.constant dense<0.000000e+00> : vector<64x128xf32>
    %dot_general3A_586 = tpu.matmul %convert_element_type3A_234, %convert_element_type3A_584, %dot_general3A_585 {dimension_numbers = #tpu.dot_dimension_numbers<[1], [0], [0], [1], [0, 0, 1, 1], [], []>, transpose_lhs_hint = false} : vector<64x64xbf16>, vector<64x128xbf16>, vector<64x128xf32> -> vector<64x128xf32>
    %mul3A_587 = vector.broadcast %select_n3A_232 : vector<64x1xf32> to vector<64x128xf32>
    %mul3A_588 = arith.mulf %mul3A_587, %dot_general3A_586 : vector<64x128xf32>
    %get3A_589 = arith.constant 0 : index
    %get3A_590 = arith.constant 3 : index
    %get3A_591 = arith.constant 0 : index
    %get3A_592 = vector.load %arg4[%get3A_589, %get3A_590, %get3A_591] : memref<2x4x128xf32, #tpu.memory_space<vmem>>, vector<1x1x128xf32>
    %get3A_593 = vector.shape_cast %get3A_592 : vector<1x1x128xf32> to vector<1x128xf32>
    %add3A_594 = vector.broadcast %get3A_593 : vector<1x128xf32> to vector<64x128xf32>
    %add3A_595 = arith.addf %mul3A_588, %add3A_594 : vector<64x128xf32>
    %concatenate3A_596 = tpu.concatenate %add3A_550, %add3A_565, %add3A_580, %add3A_595 in 1 : vector<64x128xf32>, vector<64x128xf32>, vector<64x128xf32>, vector<64x128xf32> -> vector<64x512xf32>
    %slice3A_597 = vector.extract_strided_slice %dot_general3A_476 {offsets = [128, 0], sizes = [64, 128], strides = [1, 1]} : vector<256x512xf32> to vector<64x128xf32>
    %mul3A_598 = vector.broadcast %select_n3A_259 : vector<64x1xf32> to vector<64x128xf32>
    %mul3A_599 = arith.mulf %mul3A_598, %slice3A_597 : vector<64x128xf32>
    %convert_element_type3A_600 = arith.truncf %mul3A_599 : vector<64x128xf32> to vector<64x128xbf16>
    %dot_general3A_601 = arith.constant dense<0.000000e+00> : vector<64x128xf32>
    %dot_general3A_602 = tpu.matmul %convert_element_type3A_261, %convert_element_type3A_600, %dot_general3A_601 {dimension_numbers = #tpu.dot_dimension_numbers<[1], [0], [0], [1], [0, 0, 1, 1], [], []>, transpose_lhs_hint = false} : vector<64x64xbf16>, vector<64x128xbf16>, vector<64x128xf32> -> vector<64x128xf32>
    %mul3A_603 = vector.broadcast %select_n3A_259 : vector<64x1xf32> to vector<64x128xf32>
    %mul3A_604 = arith.mulf %mul3A_603, %dot_general3A_602 : vector<64x128xf32>
    %get3A_605 = arith.constant 0 : index
    %get3A_606 = arith.constant 0 : index
    %get3A_607 = arith.constant 0 : index
    %get3A_608 = vector.load %arg4[%get3A_605, %get3A_606, %get3A_607] : memref<2x4x128xf32, #tpu.memory_space<vmem>>, vector<1x1x128xf32>
    %get3A_609 = vector.shape_cast %get3A_608 : vector<1x1x128xf32> to vector<1x128xf32>
    %add3A_610 = vector.broadcast %get3A_609 : vector<1x128xf32> to vector<64x128xf32>
    %add3A_611 = arith.addf %mul3A_604, %add3A_610 : vector<64x128xf32>
    %slice3A_612 = vector.extract_strided_slice %dot_general3A_476 {offsets = [128, 128], sizes = [64, 128], strides = [1, 1]} : vector<256x512xf32> to vector<64x128xf32>
    %mul3A_613 = vector.broadcast %select_n3A_286 : vector<64x1xf32> to vector<64x128xf32>
    %mul3A_614 = arith.mulf %mul3A_613, %slice3A_612 : vector<64x128xf32>
    %convert_element_type3A_615 = arith.truncf %mul3A_614 : vector<64x128xf32> to vector<64x128xbf16>
    %dot_general3A_616 = arith.constant dense<0.000000e+00> : vector<64x128xf32>
    %dot_general3A_617 = tpu.matmul %convert_element_type3A_288, %convert_element_type3A_615, %dot_general3A_616 {dimension_numbers = #tpu.dot_dimension_numbers<[1], [0], [0], [1], [0, 0, 1, 1], [], []>, transpose_lhs_hint = false} : vector<64x64xbf16>, vector<64x128xbf16>, vector<64x128xf32> -> vector<64x128xf32>
    %mul3A_618 = vector.broadcast %select_n3A_286 : vector<64x1xf32> to vector<64x128xf32>
    %mul3A_619 = arith.mulf %mul3A_618, %dot_general3A_617 : vector<64x128xf32>
    %get3A_620 = arith.constant 0 : index
    %get3A_621 = arith.constant 1 : index
    %get3A_622 = arith.constant 0 : index
    %get3A_623 = vector.load %arg4[%get3A_620, %get3A_621, %get3A_622] : memref<2x4x128xf32, #tpu.memory_space<vmem>>, vector<1x1x128xf32>
    %get3A_624 = vector.shape_cast %get3A_623 : vector<1x1x128xf32> to vector<1x128xf32>
    %add3A_625 = vector.broadcast %get3A_624 : vector<1x128xf32> to vector<64x128xf32>
    %add3A_626 = arith.addf %mul3A_619, %add3A_625 : vector<64x128xf32>
    %slice3A_627 = vector.extract_strided_slice %dot_general3A_476 {offsets = [128, 256], sizes = [64, 128], strides = [1, 1]} : vector<256x512xf32> to vector<64x128xf32>
    %mul3A_628 = vector.broadcast %select_n3A_313 : vector<64x1xf32> to vector<64x128xf32>
    %mul3A_629 = arith.mulf %mul3A_628, %slice3A_627 : vector<64x128xf32>
    %convert_element_type3A_630 = arith.truncf %mul3A_629 : vector<64x128xf32> to vector<64x128xbf16>
    %dot_general3A_631 = arith.constant dense<0.000000e+00> : vector<64x128xf32>
    %dot_general3A_632 = tpu.matmul %convert_element_type3A_315, %convert_element_type3A_630, %dot_general3A_631 {dimension_numbers = #tpu.dot_dimension_numbers<[1], [0], [0], [1], [0, 0, 1, 1], [], []>, transpose_lhs_hint = false} : vector<64x64xbf16>, vector<64x128xbf16>, vector<64x128xf32> -> vector<64x128xf32>
    %mul3A_633 = vector.broadcast %select_n3A_313 : vector<64x1xf32> to vector<64x128xf32>
    %mul3A_634 = arith.mulf %mul3A_633, %dot_general3A_632 : vector<64x128xf32>
    %get3A_635 = arith.constant 0 : index
    %get3A_636 = arith.constant 2 : index
    %get3A_637 = arith.constant 0 : index
    %get3A_638 = vector.load %arg4[%get3A_635, %get3A_636, %get3A_637] : memref<2x4x128xf32, #tpu.memory_space<vmem>>, vector<1x1x128xf32>
    %get3A_639 = vector.shape_cast %get3A_638 : vector<1x1x128xf32> to vector<1x128xf32>
    %add3A_640 = vector.broadcast %get3A_639 : vector<1x128xf32> to vector<64x128xf32>
    %add3A_641 = arith.addf %mul3A_634, %add3A_640 : vector<64x128xf32>
    %slice3A_642 = vector.extract_strided_slice %dot_general3A_476 {offsets = [128, 384], sizes = [64, 128], strides = [1, 1]} : vector<256x512xf32> to vector<64x128xf32>
    %mul3A_643 = vector.broadcast %select_n3A_340 : vector<64x1xf32> to vector<64x128xf32>
    %mul3A_644 = arith.mulf %mul3A_643, %slice3A_642 : vector<64x128xf32>
    %convert_element_type3A_645 = arith.truncf %mul3A_644 : vector<64x128xf32> to vector<64x128xbf16>
    %dot_general3A_646 = arith.constant dense<0.000000e+00> : vector<64x128xf32>
    %dot_general3A_647 = tpu.matmul %convert_element_type3A_342, %convert_element_type3A_645, %dot_general3A_646 {dimension_numbers = #tpu.dot_dimension_numbers<[1], [0], [0], [1], [0, 0, 1, 1], [], []>, transpose_lhs_hint = false} : vector<64x64xbf16>, vector<64x128xbf16>, vector<64x128xf32> -> vector<64x128xf32>
    %mul3A_648 = vector.broadcast %select_n3A_340 : vector<64x1xf32> to vector<64x128xf32>
    %mul3A_649 = arith.mulf %mul3A_648, %dot_general3A_647 : vector<64x128xf32>
    %get3A_650 = arith.constant 0 : index
    %get3A_651 = arith.constant 3 : index
    %get3A_652 = arith.constant 0 : index
    %get3A_653 = vector.load %arg4[%get3A_650, %get3A_651, %get3A_652] : memref<2x4x128xf32, #tpu.memory_space<vmem>>, vector<1x1x128xf32>
    %get3A_654 = vector.shape_cast %get3A_653 : vector<1x1x128xf32> to vector<1x128xf32>
    %add3A_655 = vector.broadcast %get3A_654 : vector<1x128xf32> to vector<64x128xf32>
    %add3A_656 = arith.addf %mul3A_649, %add3A_655 : vector<64x128xf32>
    %concatenate3A_657 = tpu.concatenate %add3A_611, %add3A_626, %add3A_641, %add3A_656 in 1 : vector<64x128xf32>, vector<64x128xf32>, vector<64x128xf32>, vector<64x128xf32> -> vector<64x512xf32>
    %slice3A_658 = vector.extract_strided_slice %dot_general3A_476 {offsets = [192, 0], sizes = [64, 128], strides = [1, 1]} : vector<256x512xf32> to vector<64x128xf32>
    %mul3A_659 = vector.broadcast %select_n3A_367 : vector<64x1xf32> to vector<64x128xf32>
    %mul3A_660 = arith.mulf %mul3A_659, %slice3A_658 : vector<64x128xf32>
    %convert_element_type3A_661 = arith.truncf %mul3A_660 : vector<64x128xf32> to vector<64x128xbf16>
    %dot_general3A_662 = arith.constant dense<0.000000e+00> : vector<64x128xf32>
    %dot_general3A_663 = tpu.matmul %convert_element_type3A_369, %convert_element_type3A_661, %dot_general3A_662 {dimension_numbers = #tpu.dot_dimension_numbers<[1], [0], [0], [1], [0, 0, 1, 1], [], []>, transpose_lhs_hint = false} : vector<64x64xbf16>, vector<64x128xbf16>, vector<64x128xf32> -> vector<64x128xf32>
    %mul3A_664 = vector.broadcast %select_n3A_367 : vector<64x1xf32> to vector<64x128xf32>
    %mul3A_665 = arith.mulf %mul3A_664, %dot_general3A_663 : vector<64x128xf32>
    %get3A_666 = arith.constant 0 : index
    %get3A_667 = arith.constant 0 : index
    %get3A_668 = arith.constant 0 : index
    %get3A_669 = vector.load %arg4[%get3A_666, %get3A_667, %get3A_668] : memref<2x4x128xf32, #tpu.memory_space<vmem>>, vector<1x1x128xf32>
    %get3A_670 = vector.shape_cast %get3A_669 : vector<1x1x128xf32> to vector<1x128xf32>
    %add3A_671 = vector.broadcast %get3A_670 : vector<1x128xf32> to vector<64x128xf32>
    %add3A_672 = arith.addf %mul3A_665, %add3A_671 : vector<64x128xf32>
    %slice3A_673 = vector.extract_strided_slice %dot_general3A_476 {offsets = [192, 128], sizes = [64, 128], strides = [1, 1]} : vector<256x512xf32> to vector<64x128xf32>
    %mul3A_674 = vector.broadcast %select_n3A_394 : vector<64x1xf32> to vector<64x128xf32>
    %mul3A_675 = arith.mulf %mul3A_674, %slice3A_673 : vector<64x128xf32>
    %convert_element_type3A_676 = arith.truncf %mul3A_675 : vector<64x128xf32> to vector<64x128xbf16>
    %dot_general3A_677 = arith.constant dense<0.000000e+00> : vector<64x128xf32>
    %dot_general3A_678 = tpu.matmul %convert_element_type3A_396, %convert_element_type3A_676, %dot_general3A_677 {dimension_numbers = #tpu.dot_dimension_numbers<[1], [0], [0], [1], [0, 0, 1, 1], [], []>, transpose_lhs_hint = false} : vector<64x64xbf16>, vector<64x128xbf16>, vector<64x128xf32> -> vector<64x128xf32>
    %mul3A_679 = vector.broadcast %select_n3A_394 : vector<64x1xf32> to vector<64x128xf32>
    %mul3A_680 = arith.mulf %mul3A_679, %dot_general3A_678 : vector<64x128xf32>
    %get3A_681 = arith.constant 0 : index
    %get3A_682 = arith.constant 1 : index
    %get3A_683 = arith.constant 0 : index
    %get3A_684 = vector.load %arg4[%get3A_681, %get3A_682, %get3A_683] : memref<2x4x128xf32, #tpu.memory_space<vmem>>, vector<1x1x128xf32>
    %get3A_685 = vector.shape_cast %get3A_684 : vector<1x1x128xf32> to vector<1x128xf32>
    %add3A_686 = vector.broadcast %get3A_685 : vector<1x128xf32> to vector<64x128xf32>
    %add3A_687 = arith.addf %mul3A_680, %add3A_686 : vector<64x128xf32>
    %slice3A_688 = vector.extract_strided_slice %dot_general3A_476 {offsets = [192, 256], sizes = [64, 128], strides = [1, 1]} : vector<256x512xf32> to vector<64x128xf32>
    %mul3A_689 = vector.broadcast %select_n3A_421 : vector<64x1xf32> to vector<64x128xf32>
    %mul3A_690 = arith.mulf %mul3A_689, %slice3A_688 : vector<64x128xf32>
    %convert_element_type3A_691 = arith.truncf %mul3A_690 : vector<64x128xf32> to vector<64x128xbf16>
    %dot_general3A_692 = arith.constant dense<0.000000e+00> : vector<64x128xf32>
    %dot_general3A_693 = tpu.matmul %convert_element_type3A_423, %convert_element_type3A_691, %dot_general3A_692 {dimension_numbers = #tpu.dot_dimension_numbers<[1], [0], [0], [1], [0, 0, 1, 1], [], []>, transpose_lhs_hint = false} : vector<64x64xbf16>, vector<64x128xbf16>, vector<64x128xf32> -> vector<64x128xf32>
    %mul3A_694 = vector.broadcast %select_n3A_421 : vector<64x1xf32> to vector<64x128xf32>
    %mul3A_695 = arith.mulf %mul3A_694, %dot_general3A_693 : vector<64x128xf32>
    %get3A_696 = arith.constant 0 : index
    %get3A_697 = arith.constant 2 : index
    %get3A_698 = arith.constant 0 : index
    %get3A_699 = vector.load %arg4[%get3A_696, %get3A_697, %get3A_698] : memref<2x4x128xf32, #tpu.memory_space<vmem>>, vector<1x1x128xf32>
    %get3A_700 = vector.shape_cast %get3A_699 : vector<1x1x128xf32> to vector<1x128xf32>
    %add3A_701 = vector.broadcast %get3A_700 : vector<1x128xf32> to vector<64x128xf32>
    %add3A_702 = arith.addf %mul3A_695, %add3A_701 : vector<64x128xf32>
    %slice3A_703 = vector.extract_strided_slice %dot_general3A_476 {offsets = [192, 384], sizes = [64, 128], strides = [1, 1]} : vector<256x512xf32> to vector<64x128xf32>
    %mul3A_704 = vector.broadcast %select_n3A_448 : vector<64x1xf32> to vector<64x128xf32>
    %mul3A_705 = arith.mulf %mul3A_704, %slice3A_703 : vector<64x128xf32>
    %convert_element_type3A_706 = arith.truncf %mul3A_705 : vector<64x128xf32> to vector<64x128xbf16>
    %dot_general3A_707 = arith.constant dense<0.000000e+00> : vector<64x128xf32>
    %dot_general3A_708 = tpu.matmul %convert_element_type3A_450, %convert_element_type3A_706, %dot_general3A_707 {dimension_numbers = #tpu.dot_dimension_numbers<[1], [0], [0], [1], [0, 0, 1, 1], [], []>, transpose_lhs_hint = false} : vector<64x64xbf16>, vector<64x128xbf16>, vector<64x128xf32> -> vector<64x128xf32>
    %mul3A_709 = vector.broadcast %select_n3A_448 : vector<64x1xf32> to vector<64x128xf32>
    %mul3A_710 = arith.mulf %mul3A_709, %dot_general3A_708 : vector<64x128xf32>
    %get3A_711 = arith.constant 0 : index
    %get3A_712 = arith.constant 3 : index
    %get3A_713 = arith.constant 0 : index
    %get3A_714 = vector.load %arg4[%get3A_711, %get3A_712, %get3A_713] : memref<2x4x128xf32, #tpu.memory_space<vmem>>, vector<1x1x128xf32>
    %get3A_715 = vector.shape_cast %get3A_714 : vector<1x1x128xf32> to vector<1x128xf32>
    %add3A_716 = vector.broadcast %get3A_715 : vector<1x128xf32> to vector<64x128xf32>
    %add3A_717 = arith.addf %mul3A_710, %add3A_716 : vector<64x128xf32>
    %concatenate3A_718 = tpu.concatenate %add3A_672, %add3A_687, %add3A_702, %add3A_717 in 1 : vector<64x128xf32>, vector<64x128xf32>, vector<64x128xf32>, vector<64x128xf32> -> vector<64x512xf32>
    %concatenate3A_719 = tpu.concatenate %concatenate3A_535, %concatenate3A_596, %concatenate3A_657, %concatenate3A_718 in 0 : vector<64x512xf32>, vector<64x512xf32>, vector<64x512xf32>, vector<64x512xf32> -> vector<256x512xf32>
    %get3A_720 = arith.constant 0 : index
    %get3A_721 = arith.constant 0 : index
    %get3A_722 = vector.load %arg5[%get3A_720, %get3A_721] : memref<512x128xf32, #tpu.memory_space<vmem>>, vector<512x128xf32>
    %dot_general3A_723 = arith.constant dense<0.000000e+00> : vector<256x128xf32>
    %dot_general3A_724 = tpu.matmul %concatenate3A_719, %get3A_722, %dot_general3A_723 {dimension_numbers = #tpu.dot_dimension_numbers<[1], [0], [0], [1], [0, 0, 1, 1], [], []>, transpose_lhs_hint = false} : vector<256x512xf32>, vector<512x128xf32>, vector<256x128xf32> -> vector<256x128xf32>
    %get3A_725 = arith.constant 0 : index
    %get3A_726 = arith.constant 0 : index
    %get3A_727 = vector.load %arg6[%get3A_725, %get3A_726] : memref<1x128xf32, #tpu.memory_space<vmem>>, vector<1x128xf32>
    %add3A_728 = vector.broadcast %get3A_727 : vector<1x128xf32> to vector<256x128xf32>
    %add3A_729 = arith.addf %dot_general3A_724, %add3A_728 : vector<256x128xf32>
    %max3A = arith.constant 0.000000e+00 : f32
    %max3A_730 = vector.broadcast %max3A : f32 to vector<256x128xf32>
    %max3A_731 = arith.maximumf %add3A_729, %max3A_730 : vector<256x128xf32>
    %get3A_732 = arith.constant 0 : index
    %get3A_733 = arith.constant 0 : index
    %get3A_734 = vector.load %arg7[%get3A_732, %get3A_733] : memref<128x128xf32, #tpu.memory_space<vmem>>, vector<128x128xf32>
    %dot_general3A_735 = arith.constant dense<0.000000e+00> : vector<256x128xf32>
    %dot_general3A_736 = tpu.matmul %max3A_731, %get3A_734, %dot_general3A_735 {dimension_numbers = #tpu.dot_dimension_numbers<[1], [0], [0], [1], [0, 0, 1, 1], [], []>, transpose_lhs_hint = false} : vector<256x128xf32>, vector<128x128xf32>, vector<256x128xf32> -> vector<256x128xf32>
    %get3A_737 = arith.constant 0 : index
    %get3A_738 = arith.constant 0 : index
    %get3A_739 = vector.load %arg8[%get3A_737, %get3A_738] : memref<1x128xf32, #tpu.memory_space<vmem>>, vector<1x128xf32>
    %add3A_740 = vector.broadcast %get3A_739 : vector<1x128xf32> to vector<256x128xf32>
    %add3A_741 = arith.addf %dot_general3A_736, %add3A_740 : vector<256x128xf32>
    %get3A_742 = arith.constant 1 : index
    %get3A_743 = arith.constant 0 : index
    %get3A_744 = arith.constant 0 : index
    %get3A_745 = arith.constant 0 : index
    %get3A_746 = vector.load %arg3[%get3A_742, %get3A_743, %get3A_744, %get3A_745] : memref<2x4x128x128xf32, #tpu.memory_space<vmem>>, vector<1x1x128x128xf32>
    %get3A_747 = vector.shape_cast %get3A_746 : vector<1x1x128x128xf32> to vector<128x128xf32>
    %get3A_748 = arith.constant 1 : index
    %get3A_749 = arith.constant 1 : index
    %get3A_750 = arith.constant 0 : index
    %get3A_751 = arith.constant 0 : index
    %get3A_752 = vector.load %arg3[%get3A_748, %get3A_749, %get3A_750, %get3A_751] : memref<2x4x128x128xf32, #tpu.memory_space<vmem>>, vector<1x1x128x128xf32>
    %get3A_753 = vector.shape_cast %get3A_752 : vector<1x1x128x128xf32> to vector<128x128xf32>
    %get3A_754 = arith.constant 1 : index
    %get3A_755 = arith.constant 2 : index
    %get3A_756 = arith.constant 0 : index
    %get3A_757 = arith.constant 0 : index
    %get3A_758 = vector.load %arg3[%get3A_754, %get3A_755, %get3A_756, %get3A_757] : memref<2x4x128x128xf32, #tpu.memory_space<vmem>>, vector<1x1x128x128xf32>
    %get3A_759 = vector.shape_cast %get3A_758 : vector<1x1x128x128xf32> to vector<128x128xf32>
    %get3A_760 = arith.constant 1 : index
    %get3A_761 = arith.constant 3 : index
    %get3A_762 = arith.constant 0 : index
    %get3A_763 = arith.constant 0 : index
    %get3A_764 = vector.load %arg3[%get3A_760, %get3A_761, %get3A_762, %get3A_763] : memref<2x4x128x128xf32, #tpu.memory_space<vmem>>, vector<1x1x128x128xf32>
    %get3A_765 = vector.shape_cast %get3A_764 : vector<1x1x128x128xf32> to vector<128x128xf32>
    %concatenate3A_766 = tpu.concatenate %get3A_747, %get3A_753, %get3A_759, %get3A_765 in 1 : vector<128x128xf32>, vector<128x128xf32>, vector<128x128xf32>, vector<128x128xf32> -> vector<128x512xf32>
    %dot_general3A_767 = arith.constant dense<0.000000e+00> : vector<256x512xf32>
    %dot_general3A_768 = tpu.matmul %add3A_741, %concatenate3A_766, %dot_general3A_767 {dimension_numbers = #tpu.dot_dimension_numbers<[1], [0], [0], [1], [0, 0, 1, 1], [], []>, transpose_lhs_hint = false} : vector<256x128xf32>, vector<128x512xf32>, vector<256x512xf32> -> vector<256x512xf32>
    %slice3A_769 = vector.extract_strided_slice %dot_general3A_768 {offsets = [0, 0], sizes = [64, 128], strides = [1, 1]} : vector<256x512xf32> to vector<64x128xf32>
    %mul3A_770 = vector.broadcast %select_n3A_44 : vector<64x1xf32> to vector<64x128xf32>
    %mul3A_771 = arith.mulf %mul3A_770, %slice3A_769 : vector<64x128xf32>
    %convert_element_type3A_772 = arith.truncf %mul3A_771 : vector<64x128xf32> to vector<64x128xbf16>
    %dot_general3A_773 = arith.constant dense<0.000000e+00> : vector<64x128xf32>
    %dot_general3A_774 = tpu.matmul %convert_element_type3A, %convert_element_type3A_772, %dot_general3A_773 {dimension_numbers = #tpu.dot_dimension_numbers<[1], [0], [0], [1], [0, 0, 1, 1], [], []>, transpose_lhs_hint = false} : vector<64x64xbf16>, vector<64x128xbf16>, vector<64x128xf32> -> vector<64x128xf32>
    %mul3A_775 = vector.broadcast %select_n3A_44 : vector<64x1xf32> to vector<64x128xf32>
    %mul3A_776 = arith.mulf %mul3A_775, %dot_general3A_774 : vector<64x128xf32>
    %get3A_777 = arith.constant 1 : index
    %get3A_778 = arith.constant 0 : index
    %get3A_779 = arith.constant 0 : index
    %get3A_780 = vector.load %arg4[%get3A_777, %get3A_778, %get3A_779] : memref<2x4x128xf32, #tpu.memory_space<vmem>>, vector<1x1x128xf32>
    %get3A_781 = vector.shape_cast %get3A_780 : vector<1x1x128xf32> to vector<1x128xf32>
    %add3A_782 = vector.broadcast %get3A_781 : vector<1x128xf32> to vector<64x128xf32>
    %add3A_783 = arith.addf %mul3A_776, %add3A_782 : vector<64x128xf32>
    %slice3A_784 = vector.extract_strided_slice %dot_general3A_768 {offsets = [0, 128], sizes = [64, 128], strides = [1, 1]} : vector<256x512xf32> to vector<64x128xf32>
    %mul3A_785 = vector.broadcast %select_n3A_70 : vector<64x1xf32> to vector<64x128xf32>
    %mul3A_786 = arith.mulf %mul3A_785, %slice3A_784 : vector<64x128xf32>
    %convert_element_type3A_787 = arith.truncf %mul3A_786 : vector<64x128xf32> to vector<64x128xbf16>
    %dot_general3A_788 = arith.constant dense<0.000000e+00> : vector<64x128xf32>
    %dot_general3A_789 = tpu.matmul %convert_element_type3A_72, %convert_element_type3A_787, %dot_general3A_788 {dimension_numbers = #tpu.dot_dimension_numbers<[1], [0], [0], [1], [0, 0, 1, 1], [], []>, transpose_lhs_hint = false} : vector<64x64xbf16>, vector<64x128xbf16>, vector<64x128xf32> -> vector<64x128xf32>
    %mul3A_790 = vector.broadcast %select_n3A_70 : vector<64x1xf32> to vector<64x128xf32>
    %mul3A_791 = arith.mulf %mul3A_790, %dot_general3A_789 : vector<64x128xf32>
    %get3A_792 = arith.constant 1 : index
    %get3A_793 = arith.constant 1 : index
    %get3A_794 = arith.constant 0 : index
    %get3A_795 = vector.load %arg4[%get3A_792, %get3A_793, %get3A_794] : memref<2x4x128xf32, #tpu.memory_space<vmem>>, vector<1x1x128xf32>
    %get3A_796 = vector.shape_cast %get3A_795 : vector<1x1x128xf32> to vector<1x128xf32>
    %add3A_797 = vector.broadcast %get3A_796 : vector<1x128xf32> to vector<64x128xf32>
    %add3A_798 = arith.addf %mul3A_791, %add3A_797 : vector<64x128xf32>
    %slice3A_799 = vector.extract_strided_slice %dot_general3A_768 {offsets = [0, 256], sizes = [64, 128], strides = [1, 1]} : vector<256x512xf32> to vector<64x128xf32>
    %mul3A_800 = vector.broadcast %select_n3A_97 : vector<64x1xf32> to vector<64x128xf32>
    %mul3A_801 = arith.mulf %mul3A_800, %slice3A_799 : vector<64x128xf32>
    %convert_element_type3A_802 = arith.truncf %mul3A_801 : vector<64x128xf32> to vector<64x128xbf16>
    %dot_general3A_803 = arith.constant dense<0.000000e+00> : vector<64x128xf32>
    %dot_general3A_804 = tpu.matmul %convert_element_type3A_99, %convert_element_type3A_802, %dot_general3A_803 {dimension_numbers = #tpu.dot_dimension_numbers<[1], [0], [0], [1], [0, 0, 1, 1], [], []>, transpose_lhs_hint = false} : vector<64x64xbf16>, vector<64x128xbf16>, vector<64x128xf32> -> vector<64x128xf32>
    %mul3A_805 = vector.broadcast %select_n3A_97 : vector<64x1xf32> to vector<64x128xf32>
    %mul3A_806 = arith.mulf %mul3A_805, %dot_general3A_804 : vector<64x128xf32>
    %get3A_807 = arith.constant 1 : index
    %get3A_808 = arith.constant 2 : index
    %get3A_809 = arith.constant 0 : index
    %get3A_810 = vector.load %arg4[%get3A_807, %get3A_808, %get3A_809] : memref<2x4x128xf32, #tpu.memory_space<vmem>>, vector<1x1x128xf32>
    %get3A_811 = vector.shape_cast %get3A_810 : vector<1x1x128xf32> to vector<1x128xf32>
    %add3A_812 = vector.broadcast %get3A_811 : vector<1x128xf32> to vector<64x128xf32>
    %add3A_813 = arith.addf %mul3A_806, %add3A_812 : vector<64x128xf32>
    %slice3A_814 = vector.extract_strided_slice %dot_general3A_768 {offsets = [0, 384], sizes = [64, 128], strides = [1, 1]} : vector<256x512xf32> to vector<64x128xf32>
    %mul3A_815 = vector.broadcast %select_n3A_124 : vector<64x1xf32> to vector<64x128xf32>
    %mul3A_816 = arith.mulf %mul3A_815, %slice3A_814 : vector<64x128xf32>
    %convert_element_type3A_817 = arith.truncf %mul3A_816 : vector<64x128xf32> to vector<64x128xbf16>
    %dot_general3A_818 = arith.constant dense<0.000000e+00> : vector<64x128xf32>
    %dot_general3A_819 = tpu.matmul %convert_element_type3A_126, %convert_element_type3A_817, %dot_general3A_818 {dimension_numbers = #tpu.dot_dimension_numbers<[1], [0], [0], [1], [0, 0, 1, 1], [], []>, transpose_lhs_hint = false} : vector<64x64xbf16>, vector<64x128xbf16>, vector<64x128xf32> -> vector<64x128xf32>
    %mul3A_820 = vector.broadcast %select_n3A_124 : vector<64x1xf32> to vector<64x128xf32>
    %mul3A_821 = arith.mulf %mul3A_820, %dot_general3A_819 : vector<64x128xf32>
    %get3A_822 = arith.constant 1 : index
    %get3A_823 = arith.constant 3 : index
    %get3A_824 = arith.constant 0 : index
    %get3A_825 = vector.load %arg4[%get3A_822, %get3A_823, %get3A_824] : memref<2x4x128xf32, #tpu.memory_space<vmem>>, vector<1x1x128xf32>
    %get3A_826 = vector.shape_cast %get3A_825 : vector<1x1x128xf32> to vector<1x128xf32>
    %add3A_827 = vector.broadcast %get3A_826 : vector<1x128xf32> to vector<64x128xf32>
    %add3A_828 = arith.addf %mul3A_821, %add3A_827 : vector<64x128xf32>
    %concatenate3A_829 = tpu.concatenate %add3A_783, %add3A_798, %add3A_813, %add3A_828 in 1 : vector<64x128xf32>, vector<64x128xf32>, vector<64x128xf32>, vector<64x128xf32> -> vector<64x512xf32>
    %slice3A_830 = vector.extract_strided_slice %dot_general3A_768 {offsets = [64, 0], sizes = [64, 128], strides = [1, 1]} : vector<256x512xf32> to vector<64x128xf32>
    %mul3A_831 = vector.broadcast %select_n3A_151 : vector<64x1xf32> to vector<64x128xf32>
    %mul3A_832 = arith.mulf %mul3A_831, %slice3A_830 : vector<64x128xf32>
    %convert_element_type3A_833 = arith.truncf %mul3A_832 : vector<64x128xf32> to vector<64x128xbf16>
    %dot_general3A_834 = arith.constant dense<0.000000e+00> : vector<64x128xf32>
    %dot_general3A_835 = tpu.matmul %convert_element_type3A_153, %convert_element_type3A_833, %dot_general3A_834 {dimension_numbers = #tpu.dot_dimension_numbers<[1], [0], [0], [1], [0, 0, 1, 1], [], []>, transpose_lhs_hint = false} : vector<64x64xbf16>, vector<64x128xbf16>, vector<64x128xf32> -> vector<64x128xf32>
    %mul3A_836 = vector.broadcast %select_n3A_151 : vector<64x1xf32> to vector<64x128xf32>
    %mul3A_837 = arith.mulf %mul3A_836, %dot_general3A_835 : vector<64x128xf32>
    %get3A_838 = arith.constant 1 : index
    %get3A_839 = arith.constant 0 : index
    %get3A_840 = arith.constant 0 : index
    %get3A_841 = vector.load %arg4[%get3A_838, %get3A_839, %get3A_840] : memref<2x4x128xf32, #tpu.memory_space<vmem>>, vector<1x1x128xf32>
    %get3A_842 = vector.shape_cast %get3A_841 : vector<1x1x128xf32> to vector<1x128xf32>
    %add3A_843 = vector.broadcast %get3A_842 : vector<1x128xf32> to vector<64x128xf32>
    %add3A_844 = arith.addf %mul3A_837, %add3A_843 : vector<64x128xf32>
    %slice3A_845 = vector.extract_strided_slice %dot_general3A_768 {offsets = [64, 128], sizes = [64, 128], strides = [1, 1]} : vector<256x512xf32> to vector<64x128xf32>
    %mul3A_846 = vector.broadcast %select_n3A_178 : vector<64x1xf32> to vector<64x128xf32>
    %mul3A_847 = arith.mulf %mul3A_846, %slice3A_845 : vector<64x128xf32>
    %convert_element_type3A_848 = arith.truncf %mul3A_847 : vector<64x128xf32> to vector<64x128xbf16>
    %dot_general3A_849 = arith.constant dense<0.000000e+00> : vector<64x128xf32>
    %dot_general3A_850 = tpu.matmul %convert_element_type3A_180, %convert_element_type3A_848, %dot_general3A_849 {dimension_numbers = #tpu.dot_dimension_numbers<[1], [0], [0], [1], [0, 0, 1, 1], [], []>, transpose_lhs_hint = false} : vector<64x64xbf16>, vector<64x128xbf16>, vector<64x128xf32> -> vector<64x128xf32>
    %mul3A_851 = vector.broadcast %select_n3A_178 : vector<64x1xf32> to vector<64x128xf32>
    %mul3A_852 = arith.mulf %mul3A_851, %dot_general3A_850 : vector<64x128xf32>
    %get3A_853 = arith.constant 1 : index
    %get3A_854 = arith.constant 1 : index
    %get3A_855 = arith.constant 0 : index
    %get3A_856 = vector.load %arg4[%get3A_853, %get3A_854, %get3A_855] : memref<2x4x128xf32, #tpu.memory_space<vmem>>, vector<1x1x128xf32>
    %get3A_857 = vector.shape_cast %get3A_856 : vector<1x1x128xf32> to vector<1x128xf32>
    %add3A_858 = vector.broadcast %get3A_857 : vector<1x128xf32> to vector<64x128xf32>
    %add3A_859 = arith.addf %mul3A_852, %add3A_858 : vector<64x128xf32>
    %slice3A_860 = vector.extract_strided_slice %dot_general3A_768 {offsets = [64, 256], sizes = [64, 128], strides = [1, 1]} : vector<256x512xf32> to vector<64x128xf32>
    %mul3A_861 = vector.broadcast %select_n3A_205 : vector<64x1xf32> to vector<64x128xf32>
    %mul3A_862 = arith.mulf %mul3A_861, %slice3A_860 : vector<64x128xf32>
    %convert_element_type3A_863 = arith.truncf %mul3A_862 : vector<64x128xf32> to vector<64x128xbf16>
    %dot_general3A_864 = arith.constant dense<0.000000e+00> : vector<64x128xf32>
    %dot_general3A_865 = tpu.matmul %convert_element_type3A_207, %convert_element_type3A_863, %dot_general3A_864 {dimension_numbers = #tpu.dot_dimension_numbers<[1], [0], [0], [1], [0, 0, 1, 1], [], []>, transpose_lhs_hint = false} : vector<64x64xbf16>, vector<64x128xbf16>, vector<64x128xf32> -> vector<64x128xf32>
    %mul3A_866 = vector.broadcast %select_n3A_205 : vector<64x1xf32> to vector<64x128xf32>
    %mul3A_867 = arith.mulf %mul3A_866, %dot_general3A_865 : vector<64x128xf32>
    %get3A_868 = arith.constant 1 : index
    %get3A_869 = arith.constant 2 : index
    %get3A_870 = arith.constant 0 : index
    %get3A_871 = vector.load %arg4[%get3A_868, %get3A_869, %get3A_870] : memref<2x4x128xf32, #tpu.memory_space<vmem>>, vector<1x1x128xf32>
    %get3A_872 = vector.shape_cast %get3A_871 : vector<1x1x128xf32> to vector<1x128xf32>
    %add3A_873 = vector.broadcast %get3A_872 : vector<1x128xf32> to vector<64x128xf32>
    %add3A_874 = arith.addf %mul3A_867, %add3A_873 : vector<64x128xf32>
    %slice3A_875 = vector.extract_strided_slice %dot_general3A_768 {offsets = [64, 384], sizes = [64, 128], strides = [1, 1]} : vector<256x512xf32> to vector<64x128xf32>
    %mul3A_876 = vector.broadcast %select_n3A_232 : vector<64x1xf32> to vector<64x128xf32>
    %mul3A_877 = arith.mulf %mul3A_876, %slice3A_875 : vector<64x128xf32>
    %convert_element_type3A_878 = arith.truncf %mul3A_877 : vector<64x128xf32> to vector<64x128xbf16>
    %dot_general3A_879 = arith.constant dense<0.000000e+00> : vector<64x128xf32>
    %dot_general3A_880 = tpu.matmul %convert_element_type3A_234, %convert_element_type3A_878, %dot_general3A_879 {dimension_numbers = #tpu.dot_dimension_numbers<[1], [0], [0], [1], [0, 0, 1, 1], [], []>, transpose_lhs_hint = false} : vector<64x64xbf16>, vector<64x128xbf16>, vector<64x128xf32> -> vector<64x128xf32>
    %mul3A_881 = vector.broadcast %select_n3A_232 : vector<64x1xf32> to vector<64x128xf32>
    %mul3A_882 = arith.mulf %mul3A_881, %dot_general3A_880 : vector<64x128xf32>
    %get3A_883 = arith.constant 1 : index
    %get3A_884 = arith.constant 3 : index
    %get3A_885 = arith.constant 0 : index
    %get3A_886 = vector.load %arg4[%get3A_883, %get3A_884, %get3A_885] : memref<2x4x128xf32, #tpu.memory_space<vmem>>, vector<1x1x128xf32>
    %get3A_887 = vector.shape_cast %get3A_886 : vector<1x1x128xf32> to vector<1x128xf32>
    %add3A_888 = vector.broadcast %get3A_887 : vector<1x128xf32> to vector<64x128xf32>
    %add3A_889 = arith.addf %mul3A_882, %add3A_888 : vector<64x128xf32>
    %concatenate3A_890 = tpu.concatenate %add3A_844, %add3A_859, %add3A_874, %add3A_889 in 1 : vector<64x128xf32>, vector<64x128xf32>, vector<64x128xf32>, vector<64x128xf32> -> vector<64x512xf32>
    %slice3A_891 = vector.extract_strided_slice %dot_general3A_768 {offsets = [128, 0], sizes = [64, 128], strides = [1, 1]} : vector<256x512xf32> to vector<64x128xf32>
    %mul3A_892 = vector.broadcast %select_n3A_259 : vector<64x1xf32> to vector<64x128xf32>
    %mul3A_893 = arith.mulf %mul3A_892, %slice3A_891 : vector<64x128xf32>
    %convert_element_type3A_894 = arith.truncf %mul3A_893 : vector<64x128xf32> to vector<64x128xbf16>
    %dot_general3A_895 = arith.constant dense<0.000000e+00> : vector<64x128xf32>
    %dot_general3A_896 = tpu.matmul %convert_element_type3A_261, %convert_element_type3A_894, %dot_general3A_895 {dimension_numbers = #tpu.dot_dimension_numbers<[1], [0], [0], [1], [0, 0, 1, 1], [], []>, transpose_lhs_hint = false} : vector<64x64xbf16>, vector<64x128xbf16>, vector<64x128xf32> -> vector<64x128xf32>
    %mul3A_897 = vector.broadcast %select_n3A_259 : vector<64x1xf32> to vector<64x128xf32>
    %mul3A_898 = arith.mulf %mul3A_897, %dot_general3A_896 : vector<64x128xf32>
    %get3A_899 = arith.constant 1 : index
    %get3A_900 = arith.constant 0 : index
    %get3A_901 = arith.constant 0 : index
    %get3A_902 = vector.load %arg4[%get3A_899, %get3A_900, %get3A_901] : memref<2x4x128xf32, #tpu.memory_space<vmem>>, vector<1x1x128xf32>
    %get3A_903 = vector.shape_cast %get3A_902 : vector<1x1x128xf32> to vector<1x128xf32>
    %add3A_904 = vector.broadcast %get3A_903 : vector<1x128xf32> to vector<64x128xf32>
    %add3A_905 = arith.addf %mul3A_898, %add3A_904 : vector<64x128xf32>
    %slice3A_906 = vector.extract_strided_slice %dot_general3A_768 {offsets = [128, 128], sizes = [64, 128], strides = [1, 1]} : vector<256x512xf32> to vector<64x128xf32>
    %mul3A_907 = vector.broadcast %select_n3A_286 : vector<64x1xf32> to vector<64x128xf32>
    %mul3A_908 = arith.mulf %mul3A_907, %slice3A_906 : vector<64x128xf32>
    %convert_element_type3A_909 = arith.truncf %mul3A_908 : vector<64x128xf32> to vector<64x128xbf16>
    %dot_general3A_910 = arith.constant dense<0.000000e+00> : vector<64x128xf32>
    %dot_general3A_911 = tpu.matmul %convert_element_type3A_288, %convert_element_type3A_909, %dot_general3A_910 {dimension_numbers = #tpu.dot_dimension_numbers<[1], [0], [0], [1], [0, 0, 1, 1], [], []>, transpose_lhs_hint = false} : vector<64x64xbf16>, vector<64x128xbf16>, vector<64x128xf32> -> vector<64x128xf32>
    %mul3A_912 = vector.broadcast %select_n3A_286 : vector<64x1xf32> to vector<64x128xf32>
    %mul3A_913 = arith.mulf %mul3A_912, %dot_general3A_911 : vector<64x128xf32>
    %get3A_914 = arith.constant 1 : index
    %get3A_915 = arith.constant 1 : index
    %get3A_916 = arith.constant 0 : index
    %get3A_917 = vector.load %arg4[%get3A_914, %get3A_915, %get3A_916] : memref<2x4x128xf32, #tpu.memory_space<vmem>>, vector<1x1x128xf32>
    %get3A_918 = vector.shape_cast %get3A_917 : vector<1x1x128xf32> to vector<1x128xf32>
    %add3A_919 = vector.broadcast %get3A_918 : vector<1x128xf32> to vector<64x128xf32>
    %add3A_920 = arith.addf %mul3A_913, %add3A_919 : vector<64x128xf32>
    %slice3A_921 = vector.extract_strided_slice %dot_general3A_768 {offsets = [128, 256], sizes = [64, 128], strides = [1, 1]} : vector<256x512xf32> to vector<64x128xf32>
    %mul3A_922 = vector.broadcast %select_n3A_313 : vector<64x1xf32> to vector<64x128xf32>
    %mul3A_923 = arith.mulf %mul3A_922, %slice3A_921 : vector<64x128xf32>
    %convert_element_type3A_924 = arith.truncf %mul3A_923 : vector<64x128xf32> to vector<64x128xbf16>
    %dot_general3A_925 = arith.constant dense<0.000000e+00> : vector<64x128xf32>
    %dot_general3A_926 = tpu.matmul %convert_element_type3A_315, %convert_element_type3A_924, %dot_general3A_925 {dimension_numbers = #tpu.dot_dimension_numbers<[1], [0], [0], [1], [0, 0, 1, 1], [], []>, transpose_lhs_hint = false} : vector<64x64xbf16>, vector<64x128xbf16>, vector<64x128xf32> -> vector<64x128xf32>
    %mul3A_927 = vector.broadcast %select_n3A_313 : vector<64x1xf32> to vector<64x128xf32>
    %mul3A_928 = arith.mulf %mul3A_927, %dot_general3A_926 : vector<64x128xf32>
    %get3A_929 = arith.constant 1 : index
    %get3A_930 = arith.constant 2 : index
    %get3A_931 = arith.constant 0 : index
    %get3A_932 = vector.load %arg4[%get3A_929, %get3A_930, %get3A_931] : memref<2x4x128xf32, #tpu.memory_space<vmem>>, vector<1x1x128xf32>
    %get3A_933 = vector.shape_cast %get3A_932 : vector<1x1x128xf32> to vector<1x128xf32>
    %add3A_934 = vector.broadcast %get3A_933 : vector<1x128xf32> to vector<64x128xf32>
    %add3A_935 = arith.addf %mul3A_928, %add3A_934 : vector<64x128xf32>
    %slice3A_936 = vector.extract_strided_slice %dot_general3A_768 {offsets = [128, 384], sizes = [64, 128], strides = [1, 1]} : vector<256x512xf32> to vector<64x128xf32>
    %mul3A_937 = vector.broadcast %select_n3A_340 : vector<64x1xf32> to vector<64x128xf32>
    %mul3A_938 = arith.mulf %mul3A_937, %slice3A_936 : vector<64x128xf32>
    %convert_element_type3A_939 = arith.truncf %mul3A_938 : vector<64x128xf32> to vector<64x128xbf16>
    %dot_general3A_940 = arith.constant dense<0.000000e+00> : vector<64x128xf32>
    %dot_general3A_941 = tpu.matmul %convert_element_type3A_342, %convert_element_type3A_939, %dot_general3A_940 {dimension_numbers = #tpu.dot_dimension_numbers<[1], [0], [0], [1], [0, 0, 1, 1], [], []>, transpose_lhs_hint = false} : vector<64x64xbf16>, vector<64x128xbf16>, vector<64x128xf32> -> vector<64x128xf32>
    %mul3A_942 = vector.broadcast %select_n3A_340 : vector<64x1xf32> to vector<64x128xf32>
    %mul3A_943 = arith.mulf %mul3A_942, %dot_general3A_941 : vector<64x128xf32>
    %get3A_944 = arith.constant 1 : index
    %get3A_945 = arith.constant 3 : index
    %get3A_946 = arith.constant 0 : index
    %get3A_947 = vector.load %arg4[%get3A_944, %get3A_945, %get3A_946] : memref<2x4x128xf32, #tpu.memory_space<vmem>>, vector<1x1x128xf32>
    %get3A_948 = vector.shape_cast %get3A_947 : vector<1x1x128xf32> to vector<1x128xf32>
    %add3A_949 = vector.broadcast %get3A_948 : vector<1x128xf32> to vector<64x128xf32>
    %add3A_950 = arith.addf %mul3A_943, %add3A_949 : vector<64x128xf32>
    %concatenate3A_951 = tpu.concatenate %add3A_905, %add3A_920, %add3A_935, %add3A_950 in 1 : vector<64x128xf32>, vector<64x128xf32>, vector<64x128xf32>, vector<64x128xf32> -> vector<64x512xf32>
    %slice3A_952 = vector.extract_strided_slice %dot_general3A_768 {offsets = [192, 0], sizes = [64, 128], strides = [1, 1]} : vector<256x512xf32> to vector<64x128xf32>
    %mul3A_953 = vector.broadcast %select_n3A_367 : vector<64x1xf32> to vector<64x128xf32>
    %mul3A_954 = arith.mulf %mul3A_953, %slice3A_952 : vector<64x128xf32>
    %convert_element_type3A_955 = arith.truncf %mul3A_954 : vector<64x128xf32> to vector<64x128xbf16>
    %dot_general3A_956 = arith.constant dense<0.000000e+00> : vector<64x128xf32>
    %dot_general3A_957 = tpu.matmul %convert_element_type3A_369, %convert_element_type3A_955, %dot_general3A_956 {dimension_numbers = #tpu.dot_dimension_numbers<[1], [0], [0], [1], [0, 0, 1, 1], [], []>, transpose_lhs_hint = false} : vector<64x64xbf16>, vector<64x128xbf16>, vector<64x128xf32> -> vector<64x128xf32>
    %mul3A_958 = vector.broadcast %select_n3A_367 : vector<64x1xf32> to vector<64x128xf32>
    %mul3A_959 = arith.mulf %mul3A_958, %dot_general3A_957 : vector<64x128xf32>
    %get3A_960 = arith.constant 1 : index
    %get3A_961 = arith.constant 0 : index
    %get3A_962 = arith.constant 0 : index
    %get3A_963 = vector.load %arg4[%get3A_960, %get3A_961, %get3A_962] : memref<2x4x128xf32, #tpu.memory_space<vmem>>, vector<1x1x128xf32>
    %get3A_964 = vector.shape_cast %get3A_963 : vector<1x1x128xf32> to vector<1x128xf32>
    %add3A_965 = vector.broadcast %get3A_964 : vector<1x128xf32> to vector<64x128xf32>
    %add3A_966 = arith.addf %mul3A_959, %add3A_965 : vector<64x128xf32>
    %slice3A_967 = vector.extract_strided_slice %dot_general3A_768 {offsets = [192, 128], sizes = [64, 128], strides = [1, 1]} : vector<256x512xf32> to vector<64x128xf32>
    %mul3A_968 = vector.broadcast %select_n3A_394 : vector<64x1xf32> to vector<64x128xf32>
    %mul3A_969 = arith.mulf %mul3A_968, %slice3A_967 : vector<64x128xf32>
    %convert_element_type3A_970 = arith.truncf %mul3A_969 : vector<64x128xf32> to vector<64x128xbf16>
    %dot_general3A_971 = arith.constant dense<0.000000e+00> : vector<64x128xf32>
    %dot_general3A_972 = tpu.matmul %convert_element_type3A_396, %convert_element_type3A_970, %dot_general3A_971 {dimension_numbers = #tpu.dot_dimension_numbers<[1], [0], [0], [1], [0, 0, 1, 1], [], []>, transpose_lhs_hint = false} : vector<64x64xbf16>, vector<64x128xbf16>, vector<64x128xf32> -> vector<64x128xf32>
    %mul3A_973 = vector.broadcast %select_n3A_394 : vector<64x1xf32> to vector<64x128xf32>
    %mul3A_974 = arith.mulf %mul3A_973, %dot_general3A_972 : vector<64x128xf32>
    %get3A_975 = arith.constant 1 : index
    %get3A_976 = arith.constant 1 : index
    %get3A_977 = arith.constant 0 : index
    %get3A_978 = vector.load %arg4[%get3A_975, %get3A_976, %get3A_977] : memref<2x4x128xf32, #tpu.memory_space<vmem>>, vector<1x1x128xf32>
    %get3A_979 = vector.shape_cast %get3A_978 : vector<1x1x128xf32> to vector<1x128xf32>
    %add3A_980 = vector.broadcast %get3A_979 : vector<1x128xf32> to vector<64x128xf32>
    %add3A_981 = arith.addf %mul3A_974, %add3A_980 : vector<64x128xf32>
    %slice3A_982 = vector.extract_strided_slice %dot_general3A_768 {offsets = [192, 256], sizes = [64, 128], strides = [1, 1]} : vector<256x512xf32> to vector<64x128xf32>
    %mul3A_983 = vector.broadcast %select_n3A_421 : vector<64x1xf32> to vector<64x128xf32>
    %mul3A_984 = arith.mulf %mul3A_983, %slice3A_982 : vector<64x128xf32>
    %convert_element_type3A_985 = arith.truncf %mul3A_984 : vector<64x128xf32> to vector<64x128xbf16>
    %dot_general3A_986 = arith.constant dense<0.000000e+00> : vector<64x128xf32>
    %dot_general3A_987 = tpu.matmul %convert_element_type3A_423, %convert_element_type3A_985, %dot_general3A_986 {dimension_numbers = #tpu.dot_dimension_numbers<[1], [0], [0], [1], [0, 0, 1, 1], [], []>, transpose_lhs_hint = false} : vector<64x64xbf16>, vector<64x128xbf16>, vector<64x128xf32> -> vector<64x128xf32>
    %mul3A_988 = vector.broadcast %select_n3A_421 : vector<64x1xf32> to vector<64x128xf32>
    %mul3A_989 = arith.mulf %mul3A_988, %dot_general3A_987 : vector<64x128xf32>
    %get3A_990 = arith.constant 1 : index
    %get3A_991 = arith.constant 2 : index
    %get3A_992 = arith.constant 0 : index
    %get3A_993 = vector.load %arg4[%get3A_990, %get3A_991, %get3A_992] : memref<2x4x128xf32, #tpu.memory_space<vmem>>, vector<1x1x128xf32>
    %get3A_994 = vector.shape_cast %get3A_993 : vector<1x1x128xf32> to vector<1x128xf32>
    %add3A_995 = vector.broadcast %get3A_994 : vector<1x128xf32> to vector<64x128xf32>
    %add3A_996 = arith.addf %mul3A_989, %add3A_995 : vector<64x128xf32>
    %slice3A_997 = vector.extract_strided_slice %dot_general3A_768 {offsets = [192, 384], sizes = [64, 128], strides = [1, 1]} : vector<256x512xf32> to vector<64x128xf32>
    %mul3A_998 = vector.broadcast %select_n3A_448 : vector<64x1xf32> to vector<64x128xf32>
    %mul3A_999 = arith.mulf %mul3A_998, %slice3A_997 : vector<64x128xf32>
    %convert_element_type3A_1000 = arith.truncf %mul3A_999 : vector<64x128xf32> to vector<64x128xbf16>
    %dot_general3A_1001 = arith.constant dense<0.000000e+00> : vector<64x128xf32>
    %dot_general3A_1002 = tpu.matmul %convert_element_type3A_450, %convert_element_type3A_1000, %dot_general3A_1001 {dimension_numbers = #tpu.dot_dimension_numbers<[1], [0], [0], [1], [0, 0, 1, 1], [], []>, transpose_lhs_hint = false} : vector<64x64xbf16>, vector<64x128xbf16>, vector<64x128xf32> -> vector<64x128xf32>
    %mul3A_1003 = vector.broadcast %select_n3A_448 : vector<64x1xf32> to vector<64x128xf32>
    %mul3A_1004 = arith.mulf %mul3A_1003, %dot_general3A_1002 : vector<64x128xf32>
    %get3A_1005 = arith.constant 1 : index
    %get3A_1006 = arith.constant 3 : index
    %get3A_1007 = arith.constant 0 : index
    %get3A_1008 = vector.load %arg4[%get3A_1005, %get3A_1006, %get3A_1007] : memref<2x4x128xf32, #tpu.memory_space<vmem>>, vector<1x1x128xf32>
    %get3A_1009 = vector.shape_cast %get3A_1008 : vector<1x1x128xf32> to vector<1x128xf32>
    %add3A_1010 = vector.broadcast %get3A_1009 : vector<1x128xf32> to vector<64x128xf32>
    %add3A_1011 = arith.addf %mul3A_1004, %add3A_1010 : vector<64x128xf32>
    %concatenate3A_1012 = tpu.concatenate %add3A_966, %add3A_981, %add3A_996, %add3A_1011 in 1 : vector<64x128xf32>, vector<64x128xf32>, vector<64x128xf32>, vector<64x128xf32> -> vector<64x512xf32>
    %concatenate3A_1013 = tpu.concatenate %concatenate3A_829, %concatenate3A_890, %concatenate3A_951, %concatenate3A_1012 in 0 : vector<64x512xf32>, vector<64x512xf32>, vector<64x512xf32>, vector<64x512xf32> -> vector<256x512xf32>
    %get3A_1014 = arith.constant 0 : index
    %get3A_1015 = arith.constant 0 : index
    %get3A_1016 = vector.load %arg5[%get3A_1014, %get3A_1015] : memref<512x128xf32, #tpu.memory_space<vmem>>, vector<512x128xf32>
    %dot_general3A_1017 = arith.constant dense<0.000000e+00> : vector<256x128xf32>
    %dot_general3A_1018 = tpu.matmul %concatenate3A_1013, %get3A_1016, %dot_general3A_1017 {dimension_numbers = #tpu.dot_dimension_numbers<[1], [0], [0], [1], [0, 0, 1, 1], [], []>, transpose_lhs_hint = false} : vector<256x512xf32>, vector<512x128xf32>, vector<256x128xf32> -> vector<256x128xf32>
    %get3A_1019 = arith.constant 0 : index
    %get3A_1020 = arith.constant 0 : index
    %get3A_1021 = vector.load %arg6[%get3A_1019, %get3A_1020] : memref<1x128xf32, #tpu.memory_space<vmem>>, vector<1x128xf32>
    %add3A_1022 = vector.broadcast %get3A_1021 : vector<1x128xf32> to vector<256x128xf32>
    %add3A_1023 = arith.addf %dot_general3A_1018, %add3A_1022 : vector<256x128xf32>
    %max3A_1024 = arith.constant 0.000000e+00 : f32
    %max3A_1025 = vector.broadcast %max3A_1024 : f32 to vector<256x128xf32>
    %max3A_1026 = arith.maximumf %add3A_1023, %max3A_1025 : vector<256x128xf32>
    %get3A_1027 = arith.constant 0 : index
    %get3A_1028 = arith.constant 0 : index
    %get3A_1029 = vector.load %arg7[%get3A_1027, %get3A_1028] : memref<128x128xf32, #tpu.memory_space<vmem>>, vector<128x128xf32>
    %dot_general3A_1030 = arith.constant dense<0.000000e+00> : vector<256x128xf32>
    %dot_general3A_1031 = tpu.matmul %max3A_1026, %get3A_1029, %dot_general3A_1030 {dimension_numbers = #tpu.dot_dimension_numbers<[1], [0], [0], [1], [0, 0, 1, 1], [], []>, transpose_lhs_hint = false} : vector<256x128xf32>, vector<128x128xf32>, vector<256x128xf32> -> vector<256x128xf32>
    %get3A_1032 = arith.constant 0 : index
    %get3A_1033 = arith.constant 0 : index
    %get3A_1034 = vector.load %arg8[%get3A_1032, %get3A_1033] : memref<1x128xf32, #tpu.memory_space<vmem>>, vector<1x128xf32>
    %add3A_1035 = vector.broadcast %get3A_1034 : vector<1x128xf32> to vector<256x128xf32>
    %add3A_1036 = arith.addf %dot_general3A_1031, %add3A_1035 : vector<256x128xf32>
    %slice3A_1037 = vector.extract_strided_slice %add3A_1036 {offsets = [0, 0], sizes = [60, 128], strides = [1, 1]} : vector<256x128xf32> to vector<60x128xf32>
    %swap3A = arith.constant 0 : index
    %swap3A_1038 = arith.constant 0 : index
    %swap3A_1039 = arith.constant 0 : index
    %swap3A_1040 = vector.load %arg9[%swap3A, %swap3A_1038, %swap3A_1039] : memref<4x60x128xf32, #tpu.memory_space<vmem>>, vector<1x60x128xf32>
    %swap3A_1041 = vector.shape_cast %swap3A_1040 : vector<1x60x128xf32> to vector<60x128xf32>
    %swap3A_1042 = vector.shape_cast %slice3A_1037 : vector<60x128xf32> to vector<1x60x128xf32>
    tpu.vector_store %arg9[%swap3A, %swap3A_1038, %swap3A_1039], %swap3A_1042 {strides = array<i32>} : memref<4x60x128xf32, #tpu.memory_space<vmem>>, vector<1x60x128xf32>,
    %slice3A_1043 = vector.extract_strided_slice %add3A_1036 {offsets = [64, 0], sizes = [60, 128], strides = [1, 1]} : vector<256x128xf32> to vector<60x128xf32>
    %swap3A_1044 = arith.constant 1 : index
    %swap3A_1045 = arith.constant 0 : index
    %swap3A_1046 = arith.constant 0 : index
    %swap3A_1047 = vector.load %arg9[%swap3A_1044, %swap3A_1045, %swap3A_1046] : memref<4x60x128xf32, #tpu.memory_space<vmem>>, vector<1x60x128xf32>
    %swap3A_1048 = vector.shape_cast %swap3A_1047 : vector<1x60x128xf32> to vector<60x128xf32>
    %swap3A_1049 = vector.shape_cast %slice3A_1043 : vector<60x128xf32> to vector<1x60x128xf32>
    tpu.vector_store %arg9[%swap3A_1044, %swap3A_1045, %swap3A_1046], %swap3A_1049 {strides = array<i32>} : memref<4x60x128xf32, #tpu.memory_space<vmem>>, vector<1x60x128xf32>,
    %slice3A_1050 = vector.extract_strided_slice %add3A_1036 {offsets = [128, 0], sizes = [60, 128], strides = [1, 1]} : vector<256x128xf32> to vector<60x128xf32>
    %swap3A_1051 = arith.constant 2 : index
    %swap3A_1052 = arith.constant 0 : index
    %swap3A_1053 = arith.constant 0 : index
    %swap3A_1054 = vector.load %arg9[%swap3A_1051, %swap3A_1052, %swap3A_1053] : memref<4x60x128xf32, #tpu.memory_space<vmem>>, vector<1x60x128xf32>
    %swap3A_1055 = vector.shape_cast %swap3A_1054 : vector<1x60x128xf32> to vector<60x128xf32>
    %swap3A_1056 = vector.shape_cast %slice3A_1050 : vector<60x128xf32> to vector<1x60x128xf32>
    tpu.vector_store %arg9[%swap3A_1051, %swap3A_1052, %swap3A_1053], %swap3A_1056 {strides = array<i32>} : memref<4x60x128xf32, #tpu.memory_space<vmem>>, vector<1x60x128xf32>,
    %slice3A_1057 = vector.extract_strided_slice %add3A_1036 {offsets = [192, 0], sizes = [60, 128], strides = [1, 1]} : vector<256x128xf32> to vector<60x128xf32>
    %swap3A_1058 = arith.constant 3 : index
    %swap3A_1059 = arith.constant 0 : index
    %swap3A_1060 = arith.constant 0 : index
    %swap3A_1061 = vector.load %arg9[%swap3A_1058, %swap3A_1059, %swap3A_1060] : memref<4x60x128xf32, #tpu.memory_space<vmem>>, vector<1x60x128xf32>
    %swap3A_1062 = vector.shape_cast %swap3A_1061 : vector<1x60x128xf32> to vector<60x128xf32>
    %swap3A_1063 = vector.shape_cast %slice3A_1057 : vector<60x128xf32> to vector<1x60x128xf32>
    tpu.vector_store %arg9[%swap3A_1058, %swap3A_1059, %swap3A_1060], %swap3A_1063 {strides = array<i32>} : memref<4x60x128xf32, #tpu.memory_space<vmem>>, vector<1x60x128xf32>,
    return
  }
  func.func @transform_0(%arg0: i32) -> (i32, i32, i32) {
    %c0_i32 = arith.constant 0 : i32
    %c0_i32_0 = arith.constant 0 : i32
    %c0_i32_1 = arith.constant 0 : i32
    return %arg0, %c0_i32, %c0_i32_0 : i32, i32, i32
  }
  func.func @transform_1(%arg0: i32) -> (i32, i32, i32, i32) {
    %c0_i32 = arith.constant 0 : i32
    %c0_i32_0 = arith.constant 0 : i32
    %c0_i32_1 = arith.constant 0 : i32
    %c0_i32_2 = arith.constant 0 : i32
    return %arg0, %c0_i32, %c0_i32_0, %c0_i32_1 : i32, i32, i32, i32
  }
  func.func @transform_2(%arg0: i32) -> (i32, i32, i32, i32) {
    %c0_i32 = arith.constant 0 : i32
    %c0_i32_0 = arith.constant 0 : i32
    %c0_i32_1 = arith.constant 0 : i32
    %c0_i32_2 = arith.constant 0 : i32
    %c0_i32_3 = arith.constant 0 : i32
    return %c0_i32, %c0_i32_0, %c0_i32_1, %c0_i32_2 : i32, i32, i32, i32
  }
  func.func @transform_3(%arg0: i32) -> (i32, i32, i32) {
    %c0_i32 = arith.constant 0 : i32
    %c0_i32_0 = arith.constant 0 : i32
    %c0_i32_1 = arith.constant 0 : i32
    %c0_i32_2 = arith.constant 0 : i32
    return %c0_i32, %c0_i32_0, %c0_i32_1 : i32, i32, i32
  }
  func.func @transform_4(%arg0: i32) -> (i32, i32) {
    %c0_i32 = arith.constant 0 : i32
    %c0_i32_0 = arith.constant 0 : i32
    %c0_i32_1 = arith.constant 0 : i32
    return %c0_i32, %c0_i32_0 : i32, i32
  }
  func.func @transform_5(%arg0: i32) -> (i32, i32) {
    %c0_i32 = arith.constant 0 : i32
    %c0_i32_0 = arith.constant 0 : i32
    %c0_i32_1 = arith.constant 0 : i32
    return %c0_i32, %c0_i32_0 : i32, i32
  }
  func.func @transform_6(%arg0: i32) -> (i32, i32) {
    %c0_i32 = arith.constant 0 : i32
    %c0_i32_0 = arith.constant 0 : i32
    %c0_i32_1 = arith.constant 0 : i32
    return %c0_i32, %c0_i32_0 : i32, i32
  }
  func.func @transform_7(%arg0: i32) -> (i32, i32) {
    %c0_i32 = arith.constant 0 : i32
    %c0_i32_0 = arith.constant 0 : i32
    %c0_i32_1 = arith.constant 0 : i32
    return %c0_i32, %c0_i32_0 : i32, i32
  }
  func.func @transform_8(%arg0: i32) -> (i32, i32, i32) {
    %c0_i32 = arith.constant 0 : i32
    %c0_i32_0 = arith.constant 0 : i32
    %c0_i32_1 = arith.constant 0 : i32
    return %arg0, %c0_i32, %c0_i32_0 : i32, i32, i32
  }
}

</mosaic_0001>

<sc_bundles>
// kernel: kernel.5.cloned.1.call-start
scs
__scs_entry_jumppad:
0x0: {  	(pc) =	sbr.rel $0x88, $3  }
0x1: {  	(tag) =	ssettag $0x0;
	lr =	simm.s32 $0x1  }
0x2: {  	[smem:$0x3F92] =	sst lr;
	_ =	strace $0xD0000000  }
0x3: {  	_ = 	snop  }
0x4: {  	_ = 	snop  }
0x5: {  	_ = 	snop  }
0x6: {  	_ = 	snop  }
0x7: {  	_ = 	snop  }
__scs_overlays_trampoline_lowered:
0x8: {  	[smem:$0x3FA1] =	sst s0  }
0x9: {  	[smem:$0x3FA2] =	sst s1  }
0xa: {  	[smem:$0x3FA3] =	sst s2  }
0xb: {  	[smem:$0x3FA4] =	sst s3  }
0xc: {  	[smem:$0x3FA5] =	sst s4  }
0xd: {  	[smem:$0x3FA6] =	sst s5  }
0xe: {  	[smem:$0x3FA7] =	sst s6  }
0xf: {  	[smem:$0x3FA8] =	sst s7  }
0x10: {  	[smem:$0x3FA9] =	sst s8  }
0x11: {  	[smem:$0x3FAA] =	sst s9;
	s0 =	simm.s32 @!p0 $0x0  }
0x12: {  	s1 =	sld [smem:$0x3F90];
	s0 =	simm.s32 @p0 $0x1  }
0x13: {  	[smem:$0x3FAB] =	sst s0;
	s0 =	simm.s32 @!p1 $0x0  }
0x14: {  	s2 =	sld [smem:$0x3F8F];
	s0 =	simm.s32 @p1 $0x1  }
0x15: {  	[smem:$0x3FAC] =	sst s0;
	s0 =	simm.s32 @!p2 $0x0  }
0x16: {  	s3 =	sld [smem:$0x3FDB];
	s0 =	simm.s32 @p2 $0x1  }
0x17: {  	s4 =	simm.s32 $0x1BF5;
	[smem:$0x3FAE] =	sst s0  }
0x18: {  	s0 =	sld [smem:$0x3F91];
	_ =	swait.ge [sflag:s4], $0x0  }
0x19: {  	s7 =	sld [smem:$0x3F92]  }
0x1a: {  	s8 =	sadd.s32 $0xFFFFE003, lr  }
0x1b: {  	s9 =	sadd.s32 $0xFFFFFEF7, lr;
	s5 =	simm.s32 $0xFFFFFFFF;
	p2 =	slt.u32 s8, $0xFFFFF086  }
0x1c: {  	p1 =	slt.u32 s9, $0xF7A;
	s5 =	simm.s32 @!p2 $0x0  }
0x1d: {  	s5 =	simm.s32 @p1 $0x1;
	p0 =	seq.s32 s7, s2  }
0x1e: {  	s7 =	smul.u32 @!p0 $0xF7A, s2;
	p2 =	seq.s32 @!p0 s5, $0x0  }
0x1f: {  	s9 =	smul.u32 $0xF7A, s1;
	s8 =	simm.s32 @!p0 $0x1BF5;
	p2 =	por !p2, p0  }
0x20: {  	[sflag:s8] =	ssyncset.s32 @!p0 $0xFFFFF086;
	s6 =	sadd.s32 @!p0 s3, s7;
	s7 =	simm.s32 @!p0 $0x108  }
0x21: {  	s3 =	sadd.s32 s3, s9;
	s6 =	sadd.s32 @!p0 $0x88, s6;
	s7 =	simm.s32 @p2 $0x1082  }
0x22: {  	[simem:s7], [sflag:s8] =	dma.local @!p0 [hbm:s6], $0xF7A  }
0x23: {  	s9 =	sor.u32 $0xD0000000, s2;
	s6 =	simm.s32 $0x108;
	_ =	swait.ge @!p0 [sflag:s8], $0x0  }
0x24: {  	s3 =	sadd.s32 $0x88, s3;
	s6 =	simm.s32 @!p1 $0x1082;
	[sflag:s4] =	ssyncset.s32 $0xFFFFF086  }
0x25: {  	[simem:s6], [sflag:s4] =	dma.local [hbm:s3], $0xF7A  }
0x26: {  	[smem:$0x3F92] =	sst s1;
	(tag) =	ssettag s2;
	_ =	strace s9  }
0x27: {  	s1 =	sld [smem:$0x3FA2]  }
0x28: {  	s2 =	sld [smem:$0x3FA3]  }
0x29: {  	s4 =	sld [smem:$0x3FA5]  }
0x2a: {  	p0 =	seq.s32 s5, $0x0;
	s5 =	sld [smem:$0x3FA6]  }
0x2b: {  	s6 =	sld [smem:$0x3FA7]  }
0x2c: {  	s7 =	sld [smem:$0x3FA8]  }
0x2d: {  	s3 =	simm.s32 $0x108;
	s8 =	sld [smem:$0x3FA9]  }
0x2e: {  	s3 =	simm.s32 @!p0 $0x1082;
	s9 =	sld [smem:$0x3FAA]  }
0x2f: {  	lr =	sadd.s32 s0, s3;
	s0 =	sld [smem:$0x3FA1]  }
0x30: {  	s3 =	sld [smem:$0x3FA4]  }
0x31: {  	[smem:$0x3FAD] =	sst s10  }
0x32: {  	s10 =	sld [smem:$0x3FAB];
	_ =	sdelay $0x3  }
0x33: {  	p0 =	seq.s32 s10, $0x1;
	s10 =	sld [smem:$0x3FAD];
	_ =	sdelay $0x3  }
0x34: {  	[smem:$0x3FAD] =	sst s10  }
0x35: {  	s10 =	sld [smem:$0x3FAC];
	_ =	sdelay $0x3  }
0x36: {  	p1 =	seq.s32 s10, $0x1;
	s10 =	sld [smem:$0x3FAD];
	_ =	sdelay $0x3  }
0x37: {  	[smem:$0x3FAD] =	sst s10  }
0x38: {  	s10 =	sld [smem:$0x3FAE]  }
0x39: {  	_ = 	snop;
	(pc) =	sbr.ind lr, $3  }
0x3a: {  	_ = 	snop  }
0x3b: {  	_ = 	snop  }
0x3c: {  	p2 =	seq.s32 s10, $0x1;
	s10 =	sld [smem:$0x3FAD]  }
0x3d: {  	_ =	shalt  }
0x3e: {  	_ =	shalt  }
0x3f: {  	_ =	shalt  }
0x40: {  	_ =	shalt  }
0x41: {  	_ =	shalt  }
0x42: {  	_ =	shalt  }
0x43: {  	_ =	shalt  }
0x44: {  	_ =	shalt  }
0x45: {  	_ =	shalt  }
0x46: {  	_ =	shalt  }
0x47: {  	_ =	shalt  }
0x48: {  	_ =	shalt  }
0x49: {  	_ =	shalt  }
0x4a: {  	_ =	shalt  }
0x4b: {  	_ =	shalt  }
0x4c: {  	_ =	shalt  }
0x4d: {  	_ =	shalt  }
0x4e: {  	_ =	shalt  }
0x4f: {  	_ =	shalt  }
0x50: {  	_ =	shalt  }
0x51: {  	_ =	shalt  }
0x52: {  	_ =	shalt  }
0x53: {  	_ =	shalt  }
0x54: {  	_ =	shalt  }
0x55: {  	_ =	shalt  }
0x56: {  	_ =	shalt  }
0x57: {  	_ =	shalt  }
0x58: {  	_ =	shalt  }
0x59: {  	_ =	shalt  }
0x5a: {  	_ =	shalt  }
0x5b: {  	_ =	shalt  }
0x5c: {  	_ =	shalt  }
0x5d: {  	_ =	shalt  }
0x5e: {  	_ =	shalt  }
0x5f: {  	_ =	shalt  }
0x60: {  	_ =	shalt  }
0x61: {  	_ =	shalt  }
0x62: {  	_ =	shalt  }
0x63: {  	_ =	shalt  }
0x64: {  	_ =	shalt  }
0x65: {  	_ =	shalt  }
0x66: {  	_ =	shalt  }
0x67: {  	_ =	shalt  }
0x68: {  	_ =	shalt  }
0x69: {  	_ =	shalt  }
0x6a: {  	_ =	shalt  }
0x6b: {  	_ =	shalt  }
0x6c: {  	_ =	shalt  }
0x6d: {  	_ =	shalt  }
0x6e: {  	_ =	shalt  }
0x6f: {  	_ =	shalt  }
0x70: {  	_ =	shalt  }
0x71: {  	_ =	shalt  }
0x72: {  	_ =	shalt  }
0x73: {  	_ =	shalt  }
0x74: {  	_ =	shalt  }
0x75: {  	_ =	shalt  }
0x76: {  	_ =	shalt  }
0x77: {  	_ =	shalt  }
0x78: {  	_ =	shalt  }
0x79: {  	_ =	shalt  }
0x7a: {  	_ =	shalt  }
0x7b: {  	_ =	shalt  }
0x7c: {  	_ =	shalt  }
0x7d: {  	_ =	shalt  }
0x7e: {  	_ =	shalt  }
0x7f: {  	_ =	shalt  }
0x80: {  	_ =	shalt  }
0x81: {  	_ =	shalt  }
0x82: {  	_ =	shalt  }
0x83: {  	_ =	shalt  }
0x84: {  	_ =	shalt  }
0x85: {  	_ =	shalt  }
0x86: {  	_ =	shalt  }
0x87: {  	_ =	shalt  }
.Lfunc_end0:
.L_simem_size_0:
called_computation_lowered:
.L_overlay_start_0:
0x88: {  	s2 =	sld [smem:$0x3FD9]  }
0x89: {  	s3 =	sld [smem:$0x3FFE];
	_ =	sdelay $0x1  }
0x8a: {  	s1 =	srdreg.scid  }
0x8b: {  	s0 =	sand.u32 $0x1, s1  }
0x8c: {  	s17 =	sshll.u32 s0, $0xA;
	s2 =	sadd.s32 s3, s2  }
0x8d: {  	s2 =	sadd.s32 s2, s17  }
0x8e: {  	[smem:$0x3FB9] =	sst s2  }
0x8f: {  	_ = 	snop  }
0x90: {  	s2 =	sld [smem:$0x3FC8]  }
0x91: {  	s18 =	sld [smem:$0x3FC7];
	(tm) =	ssettm $0x1  }
0x92: {  	s4 =	sld [smem:$0x3FFB];
	_ =	sdelay $0x3  }
0x93: {  	_ =	strace s4  }
0x94: {  	s4 =	sld [smem:$0x3FFC];
	_ =	sdelay $0x3  }
0x95: {  	_ =	strace s4  }
0x96: {  	s4 =	sld [smem:$0x3FFD];
	_ =	sdelay $0x3  }
0x97: {  	_ =	strace s4  }
0x98: {  	_ =	strace $0x8FFFFFFF  }
0x99: {  	s19 =	sld [smem:$0x3FDB];
	_ =	sdelay $0x1  }
0x9a: {  	s5 =	simm.s32 $_scs_section_size  }
0x9b: {  	s6 =	simm.s32 $_size__tile_overlayer_lowered;
	s7 =	simm.s32 $_tile_overlayer_lowered  }
0x9c: {  	s22 =	simm.s32 $0x1BFF;
	s21 =	sshll.u32 s7, $0x1;
	s4 =	sadd.s32 s5, s19  }
0x9d: {  	s8 =	simm.s32 $0x0;
	s20 =	sshll.u32 s6, $0x1;
	s6 =	sadd.s32 s21, s4  }
0x9e: {  	[timem:s8], [sflag:s22] =	dma.local [hbm:s6], s20  }
0x9f: {  	_ =	swait.ge [sflag:s22], s20  }
0xa0: {  	s5 =	ssub.s32 $0x0, s20;
	[sflag:s22] =	ssyncset.done $0x0  }
0xa1: {  	[sflag:s22] =	ssyncadd.s32 s5;
	_ =	sdelay $0x1  }
0xa2: {  	s23 =	simm.s32 $0x1B8B  }
0xa3: {  	_ =	swait.ge [sflag:s23], $0x1  }
0xa4: {  	[sflag:s23] =	ssyncset.done $0x0  }
0xa5: {  	s25 =	simm.s32 $0x1B8E;
	s24 =	sld [smem:$0x3FFE];
	[sflag:s23] =	ssyncadd.s32 $0xFFFFFFFF  }
0xa6: {  	s26 =	simm.s32 $execute0_lowered;
	[smem:$0x3FD2] =	sst s25  }
0xa7: {  	s6 =	sshll.u32 s26, $0x1;
	_ =	strace $0x80000046;
	[dreg:$0x1] =	wrdreg $0xFFFFFFFF  }
0xa8: {  	s28 =	simm.s32 $_size_execute0_lowered;
	s4 =	sadd.s32 s4, s6;
	[dreg:$0x0] =	wrdreg $0x0  }
0xa9: {  	s6 =	sshll.u32 s28, $0x1;
	[dreg:$0x2] =	wrdreg s4  }
0xaa: {  	[dreg:$0x3] =	wrdreg s6  }
0xab: {  	[dreg:$0x4] =	wrdreg $0xC0  }
0xac: {  	_ =	task [dreg:s8], $0x5FFFF  }
0xad: {  	[dreg:$0x1] =	wrdreg $0xFFFFFFFF  }
0xae: {  	[dreg:$0x0] =	wrdreg $0x60  }
0xaf: {  	[dreg:$0x2] =	wrdreg s2  }
0xb0: {  	[dreg:$0x3] =	wrdreg s18  }
0xb1: {  	[dreg:$0x4] =	wrdreg s24  }
0xb2: {  	[dreg:$0x5] =	wrdreg $0x9  }
0xb3: {  	_ =	task.clear_ibuf [dreg:s8], $0x6FFFF;
	_ =	strace $0x90000046  }
0xb4: {  	s29 =	simm.s32 $0x9;
	_ =	strace $0x80000048  }
0xb5: {  	_ =	swait.ge [sflag:s29], $0x1  }
0xb6: {  	[sflag:s29] =	ssyncadd.s32 $0xFFFFFFFF  }
0xb7: {  	_ =	strace $0x90000048  }
0xb8: {  	_ =	sfence  }
0xb9: {  	s30 =	sld [smem:$0x0];
	_ =	sdelay $0x2  }
0xba: {  	s31 =	sshll.u32 s1, $0xD;
	s1 =	sshrl.u32 s1, $0x2  }
0xbb: {  	s3 =	sand.u32 $0x4000, s31;
	s1 =	sadd.s32 s1, s30  }
0xbc: {  	s0 =	sor.u32 s3, s0;
	s1 =	sshll.u32 s1, $0x11  }
0xbd: {  	s0 =	sor.u32 s1, s0  }
0xbe: {  	s0 =	sadd.s32 $0x8F2B, s0  }
0xbf: {  	[sflag:s0] =	ssyncadd.remote.s32 $0x1  }
0xc0: {  	_ =	sfence.sel $0xFFFF  }
0xc1: {  	[dreg:$0x0] =	wrdreg $0xFFFFFFFF;
	(pc) =	sbr.abs _section_cstart, $3  }
0xc2: {  	[dreg:$0x1] =	wrdreg $0xFFFFFFFF  }
0xc3: {  	_ =	task.clear_ibuf [dreg:s8], $0x2FFFF;
	_ =	strace $0x9FFFFFFF  }
0xc4: {  	(tm) =	ssettm $0x7FFFFFFF  }
0xc5: {  	_ =	shalt  }
tec
execute0_lowered:
.L_overlay_start_1:
0x0: {  	(tag) =	ssettag $0x1  }
0x1: {  	s1 =	rddreg [dreg:$0x0]  }
0x2: {  	s2 =	rddreg [dreg:$0x1]  }
0x3: {  	s4 =	rddreg [dreg:$0x2]  }
0x4: {  	s0 =	rddreg [dreg:$0x3]  }
0x5: {  	s3 =	simm.s32 $0x0;
	s5 =	srdreg.scid;
	s9 =	simm.s32 $0x2000  }
0x6: {  	s10 =	simm.s32 $0x3000;
	s11 =	simm.s32 $0x0;
	s6 =	sand.u32 $0x1, s5  }
0x7: {  	[smem:$0x7FF] =	sst s3;
	s5 =	sadd.s32 $0x1E00, s4;
	s7 =	ssub.s32 $0x2, s6  }
0x8: {  	s4 =	stileid.u32;
	_ =	strace $0x80000047;
	s8 =	sshrl.u32 s7, $0x1  }
0x9: {  	s31 =	sshll.u32 s4, $0x3;
	s6 =	sshll.u32 s6, $0x2;
	s7 =	ssub.s32 s7, s8  }
0xa: {  	v0 =	vimm.f32 $0.0e+00;
	s6 =	sor.u32 s6, s31;
	s8 =	simm.s32 $0x1;
	s7 =	smax.u32 s7, $0x1  }
.LBB2_1:
0xb: {  	s12 =	simm.s32 $0x0  }
.LBB2_2:
0xc: {  	s13 =	sadd.s32 s6, s12  }
0xd: {  	s14 =	sshll.u32 s13, $0xA  }
0xe: {  	s15 =	sadd.s32 s1, s14;
	s14 =	simm.s32 $0x0  }
0xf: {  	[tilespmem:s14], [sflag:$0x1] =	stream.linear.gather [hbm4b:s15+s14], $0x2000, $0x38;
	[tilespmem:$0xB000] =	vst v63  }
0x10: {  	_ =	swait.ge [sflag:s8], $0x2000  }
0x11: {  	s31 =	sshll.u32 s13, $0x9;
	[sflag:s8] =	ssyncset.done $0x0  }
0x12: {  	s15 =	sadd.s32 s2, s31;
	[sflag:s8] =	ssyncadd.s32 $0xFFFFE000  }
0x13: {  	[tilespmem:s9], [sflag:$0x1] =	stream.linear.gather [hbm4b:s15+s14], $0x1000, $0x38;
	[tilespmem:$0xB000] =	vst v63  }
0x14: {  	_ =	swait.ge [sflag:s8], $0x1000  }
0x15: {  	[sflag:s8] =	ssyncset.done $0x0  }
0x16: {  	s16 =	simm.s32 $0x200;
	s15 =	simm.s32 $0x0;
	[sflag:s8] =	ssyncadd.s32 $0xFFFFF000  }
.LBB2_3:
0x17: {  	p0 =	sne.s32 s16, $0x7E00;
	[tilespmem:s15+$0x9030] =	vst v0  }
0x18: {  	[tilespmem:s15+$0x3000] =	vst v0  }
0x19: {  	[tilespmem:s15+$0x3010] =	vst v0  }
0x1a: {  	[tilespmem:s15+$0x3020] =	vst v0  }
0x1b: {  	[tilespmem:s15+$0x3030] =	vst v0  }
0x1c: {  	[tilespmem:s15+$0x5000] =	vst v0  }
0x1d: {  	[tilespmem:s15+$0x5010] =	vst v0  }
0x1e: {  	[tilespmem:s15+$0x5020] =	vst v0  }
0x1f: {  	[tilespmem:s15+$0x5030] =	vst v0  }
0x20: {  	[tilespmem:s15+$0x7000] =	vst v0  }
0x21: {  	[tilespmem:s15+$0x7010] =	vst v0  }
.Ltmp0:
0x22: {  	[tilespmem:s15+$0x7020] =	vst v0;
	(pc) =	sbr.rel @p0 .LBB2_3-.Ltmp0, $4  }
0x23: {  	[tilespmem:s15+$0x7030] =	vst v0  }
0x24: {  	[tilespmem:s15+$0x9000] =	vst v0  }
0x25: {  	[tilespmem:s15+$0x9010] =	vst v0  }
0x26: {  	[tilespmem:s15+$0x9020] =	vst v0;
	s15 =	sshra.s32 s16, $0x2;
	s16 =	sadd.s32 $0x200, s16  }
0x27: {  	[tilespmem:s15+$0x9030] =	vst v0  }
0x28: {  	[tilespmem:s15+$0x3000] =	vst v0  }
0x29: {  	[tilespmem:s15+$0x3010] =	vst v0  }
0x2a: {  	[tilespmem:s15+$0x3020] =	vst v0  }
0x2b: {  	[tilespmem:s15+$0x3030] =	vst v0  }
0x2c: {  	[tilespmem:s15+$0x5000] =	vst v0  }
0x2d: {  	[tilespmem:s15+$0x5010] =	vst v0  }
0x2e: {  	[tilespmem:s15+$0x5020] =	vst v0  }
0x2f: {  	[tilespmem:s15+$0x5030] =	vst v0  }
0x30: {  	[tilespmem:s15+$0x7000] =	vst v0  }
0x31: {  	[tilespmem:s15+$0x7010] =	vst v0  }
0x32: {  	[tilespmem:s15+$0x7020] =	vst v0  }
0x33: {  	[tilespmem:s15+$0x7030] =	vst v0  }
0x34: {  	[tilespmem:s15+$0x9000] =	vst v0  }
0x35: {  	[tilespmem:s15+$0x9010] =	vst v0  }
0x36: {  	[tilespmem:s15+$0x9020] =	vst v0;
	s15 =	simm.s32 $0x0  }
.LBB2_5:
0x37: {  	s16 =	sshll.u32 s15, $0x5  }
0x38: {  	s17 =	sand.u32 $0x70, s14;
	s16 =	sand.u32 $0x3FFFFF00, s16  }
0x39: {  	s16 =	sor.u32 s17, s16  }
0x3a: {  	v1 =	vld [tilespmem:s16+$0x0]  }
0x3b: {  	v2 =	vld [tilespmem:s16+$0x80];
	_ =	sdelay $0x3  }
0x3c: {  	s18 =	sshll.u32 s15, $0x6  }
0x3d: {  	s18 =	sand.u32 $0x3FFFFE00, s18;
	v3 =	vand.u32 $0xFFFFFF80, v1;
	v2 =	vshll.u32 v2, $0x7  }
0x3e: {  	s17 =	sor.u32 s17, s18;
	v1 =	vand.u32 $0x7F, v1;
	v2 =	vadd.s32 v3, v2  }
0x3f: {  	v3 =	vld [tilespmem:s17+$0x2000];
	v1 =	vor.u32 v1, v2;
	_ =	sdelay $0x4  }
0x40: {  	[tilespmem:v1+s10+$0x0] =	vst.idx.add.f32.msk $0xffff, v3  }
0x41: {  	v1 =	vld [tilespmem:s16+$0x880]  }
0x42: {  	v2 =	vld [tilespmem:s16+$0x800];
	_ =	sdelay $0x3  }
0x43: {  	v1 =	vshll.u32 v1, $0x7  }
0x44: {  	v1 =	vadd.s32 v1, v2  }
0x45: {  	v2 =	vld [tilespmem:s17+$0x2080];
	v1 =	vadd.s32 $0x2000, v1;
	_ =	sdelay $0x4  }
0x46: {  	[tilespmem:v1+s10+$0x0] =	vst.idx.add.f32.msk $0xffff, v2  }
0x47: {  	v1 =	vld [tilespmem:s16+$0x1080]  }
0x48: {  	v2 =	vld [tilespmem:s16+$0x1000];
	_ =	sdelay $0x3  }
0x49: {  	v1 =	vshll.u32 v1, $0x7  }
0x4a: {  	v1 =	vadd.s32 v1, v2  }
0x4b: {  	v2 =	vld [tilespmem:s17+$0x2100];
	v1 =	vadd.s32 $0x4000, v1;
	_ =	sdelay $0x4  }
0x4c: {  	[tilespmem:v1+s10+$0x0] =	vst.idx.add.f32.msk $0xffff, v2  }
0x4d: {  	v1 =	vld [tilespmem:s16+$0x1880]  }
0x4e: {  	v2 =	vld [tilespmem:s16+$0x1800];
	_ =	sdelay $0x3  }
0x4f: {  	v1 =	vshll.u32 v1, $0x7  }
0x50: {  	v1 =	vadd.s32 v1, v2  }
0x51: {  	p0 =	sne.s32 s15, $0x3F;
	v2 =	vld [tilespmem:s17+$0x2180];
	v1 =	vadd.s32 $0x6000, v1  }
.Ltmp1:
0x52: {  	_ = 	snop;
	(pc) =	sbr.rel @p0 .LBB2_5-.Ltmp1, $2  }
0x53: {  	_ =	sdelay $0x2  }
0x54: {  	s14 =	sadd.s32 $0x10, s14;
	s15 =	sadd.s32 $0x1, s15;
	[tilespmem:v1+s10+$0x0] =	vst.idx.add.f32.msk $0xffff, v2  }
0x55: {  	s12 =	sadd.s32 $0x1, s12  }
0x56: {  	s13 =	sshll.u32 s13, $0xC;
	p0 =	sne.s32 s12, $0x4  }
.Ltmp2:
0x57: {  	s13 =	sadd.s32 s5, s13;
	(pc) =	sbr.rel @p0 .LBB2_2-.Ltmp2, $4  }
0x58: {  	[hbm4b:s13+s3] =	stream.linear.scatter [tilespmem:s10], [sflag:$0x1], $0x8000, $0x38;
	[tilespmem:$0xB000] =	vst v63  }
0x59: {  	_ =	swait.ge [sflag:s8], $0x8000  }
0x5a: {  	[sflag:s8] =	ssyncset.done $0x0  }
0x5b: {  	[sflag:s8] =	ssyncadd.s32 $0xFFFF8000  }
0x5c: {  	s11 =	sadd.s32 $0x1, s11  }
0x5d: {  	p0 =	sne.s32 s11, s7  }
.Ltmp3:
0x5e: {  	_ = 	snop;
	(pc) =	sbr.rel @p0 .LBB2_1-.Ltmp3, $1  }
0x5f: {  	_ =	sdelay $0x3  }
0x60: {  	_ =	sfence.sel $0x180000  }
0x61: {  	[bflag:$0x0] =	sbarrier.arrive $0xFFFF  }
0x62: {  	p0 =	sne.s32 s4, $0x0;
	_ =	strace $0x90000047  }
0x63: {  	s0 =	sadd.s32 @!p0 $0x100000, s0;
	[bflag:$0x2] =	sbarrier.arrive $0xFFFF  }
0x64: {  	[sflag:s0] =	ssyncadd.tile.s32 @!p0 $0x1;
	_ =	shalt  }
.Lfunc_end2:
_tile_overlayer_lowered:
.L_overlay_start_2:
0x65: {  	(tag) =	ssettag $0x2  }
0x66: {  	s0 =	rddreg [dreg:$0x0];
	s2 =	stileid.u32  }
0x67: {  	s1 =	rddreg [dreg:$0x1];
	p0 =	sne.s32 s2, $0x0  }
0x68: {  	s3 =	rddreg [dreg:$0x2];
	[bflag:$0x3] =	sbarrier.arrive $0xFFFF;
	s2 =	simm.s32 @!p0 $0x1C01  }
0x69: {  	[timem:s3], [sflag:s2] =	dma.local @!p0 [hbm:s0], s1  }
0x6a: {  	s0 =	simm.s32 @!p0 $0x1  }
0x6b: {  	_ =	swait.ge @!p0 [sflag:s0], s1  }
0x6c: {  	s1 =	ssub.s32 @!p0 $0x0, s1;
	[sflag:s0] =	ssyncset.done @!p0 $0x0  }
0x6d: {  	[sflag:s0] =	ssyncadd.s32 @!p0 s1  }
0x6e: {  	[bflag:$0x3] =	sbarrier.arrive $0xFFFF  }
0x6f: {  	_ =	shalt  }

</sc_bundles>
